<compile_context>
chip_gen: v7x
topology: tpu7x:2x2x1
jax: 0.10.2.dev20260603
libtpu: 0.0.44.dev20260713+nightly
codegen_flags: <defaults>
</compile_context>

<pallas_src>
import functools

import jax
import jax.numpy as jnp
from jax import lax
from jax.experimental import pallas as pl
from jax.experimental.pallas import tpu as pltpu
from jax.experimental.pallas import tpu_sc as plsc

_SCORE_THRESH = 0.05
_NMS_THRESH = 0.5
_DET = 100
_N = 5000
_NTILES = 16
_PER_TILE = 320
_CHUNKS = _PER_TILE // 16
_NEG = float("-inf")
_BIGI = 2**30


def _nms_body(bh, sh, out_h,
              fbox, sbox, sx1, sy1, sx2, sy2,
              msv, areav, rowb, candl, bvv, biv, outv, shared, sem):
    cid = lax.axis_index("c")
    sid = lax.axis_index("s")
    base = jnp.minimum(sid * _PER_TILE, _N - _PER_TILE)
    writer = (cid == 0) & (sid == 0)
    iota = lax.iota(jnp.int32, 16)
    biota = base + iota

    cp = pltpu.async_copy(bh, fbox, sem)
    pltpu.sync_copy(bh.at[pl.ds(base * 4, _PER_TILE * 4)], sbox)
    pltpu.sync_copy(sh.at[pl.ds(base, _PER_TILE)], msv)

    bv = msv[pl.ds(0, 16)]
    bi = biota
    for c in range(_CHUNKS):
        sl = pl.ds(c * 16, 16)
        rows = (c * 16) + iota
        rows4 = rows * 4
        x1 = plsc.load_gather(sbox, [rows4])
        y1 = plsc.load_gather(sbox, [rows4 + 1])
        x2 = plsc.load_gather(sbox, [rows4 + 2])
        y2 = plsc.load_gather(sbox, [rows4 + 3])
        sx1[sl] = x1
        sy1[sl] = y1
        sx2[sl] = x2
        sy2[sl] = y2
        areav[sl] = jnp.maximum(x2 - x1, 0.0) * jnp.maximum(y2 - y1, 0.0)
        if c > 0:
            v = msv[sl]
            take = v > bv
            bv = jnp.where(take, v, bv)
            bi = jnp.where(take, biota + (c * 16), bi)
    bvv[...] = bv
    biv[...] = bi

    @pl.when(writer)
    def _():
        z = jnp.zeros((16,), jnp.float32)
        for r in range(_DET):
            outv[pl.ds(r * 16, 16)] = z

    cp.wait()

    def body(r, carry):
        k, done = carry
        bv = bvv[...]
        bi = biv[...]
        m = jnp.max(bv)
        il = jnp.min(jnp.where(bv == m, bi, _BIGI))

        slot = pl.multiple_of((r % 2) * (_NTILES * 16), _NTILES * 16)
        ilf = plsc.bitcast(jnp.where(iota == 1, il, 0), jnp.float32)
        rowb[...] = jnp.where(iota == 0, m, ilf)
        pltpu.sync_copy(
            rowb, shared.at[pl.ds(slot + pl.multiple_of(sid * 16, 16), 16)])
        plsc.subcore_barrier()
        pltpu.sync_copy(shared.at[pl.ds(slot, _NTILES * 16)], candl)
        vals = plsc.load_gather(candl, [iota * 16])
        idxs = plsc.bitcast(plsc.load_gather(candl, [iota * 16 + 1]), jnp.int32)
        gm = jnp.max(vals)
        gif = jnp.min(jnp.where(vals == gm, idxs, _BIGI))
        done2 = done | (gm <= _SCORE_THRESH)

        @pl.when(jnp.logical_not(done2))
        def _():
            gvec = jnp.full((16,), gif * 4, jnp.int32)
            xi = plsc.load_gather(fbox, [gvec])
            yi = plsc.load_gather(fbox, [gvec + 1])
            Xi = plsc.load_gather(fbox, [gvec + 2])
            Yi = plsc.load_gather(fbox, [gvec + 3])
            ai = jnp.maximum(Xi - xi, 0.0) * jnp.maximum(Yi - yi, 0.0)

            @pl.when(writer)
            def _():
                srow = jnp.full((16,), gm, jnp.float32)
                orow = jnp.where(iota == 0, xi,
                       jnp.where(iota == 1, yi,
                       jnp.where(iota == 2, Xi,
                       jnp.where(iota == 3, Yi,
                       jnp.where(iota == 4, srow, 0.0)))))
                outv[pl.ds(pl.multiple_of(k * 16, 16), 16)] = orow

            nbv = jnp.full((16,), _NEG, jnp.float32)
            nbi = biota
            for c in range(_CHUNKS):
                sl = pl.ds(c * 16, 16)
                xx1 = jnp.maximum(xi, sx1[sl])
                yy1 = jnp.maximum(yi, sy1[sl])
                xx2 = jnp.minimum(Xi, sx2[sl])
                yy2 = jnp.minimum(Yi, sy2[sl])
                inter = jnp.maximum(xx2 - xx1, 0.0) * jnp.maximum(yy2 - yy1, 0.0)
                denom = ((ai + areav[sl]) - inter) + jnp.float32(1e-9)
                iou = inter / denom
                gci = biota + (c * 16)
                sup = (iou > _NMS_THRESH) | (gci == gif)
                msn = jnp.where(sup, _NEG, msv[sl])
                msv[sl] = msn
                take = msn > nbv
                nbv = jnp.where(take, msn, nbv)
                nbi = jnp.where(take, gci, nbi)
            bvv[...] = nbv
            biv[...] = nbi

        knext = k + jnp.where(done2, 0, 1).astype(jnp.int32)
        return (knext, done2)

    lax.fori_loop(0, _DET, body, (jnp.int32(0), jnp.bool_(False)))

    @pl.when(writer)
    def _():
        pltpu.sync_copy(outv, out_h)


_nms_call = functools.partial(
    pl.kernel,
    mesh=plsc.VectorSubcoreMesh(core_axis_name="c", subcore_axis_name="s"),
    out_type=jax.ShapeDtypeStruct((_DET * 16,), jnp.float32),
    compiler_params=pltpu.CompilerParams(needs_layout_passes=False),
    scratch_types=[
        pltpu.VMEM((_N * 4,), jnp.float32),
        pltpu.VMEM((_PER_TILE * 4,), jnp.float32),
        pltpu.VMEM((_PER_TILE,), jnp.float32),
        pltpu.VMEM((_PER_TILE,), jnp.float32),
        pltpu.VMEM((_PER_TILE,), jnp.float32),
        pltpu.VMEM((_PER_TILE,), jnp.float32),
        pltpu.VMEM((_PER_TILE,), jnp.float32),
        pltpu.VMEM((_PER_TILE,), jnp.float32),
        pltpu.VMEM((16,), jnp.float32),
        pltpu.VMEM((_NTILES * 16,), jnp.float32),
        pltpu.VMEM((16,), jnp.float32),
        pltpu.VMEM((16,), jnp.int32),
        pltpu.VMEM((_DET * 16,), jnp.float32),
        pltpu.VMEM_SHARED((2 * _NTILES * 16,), jnp.float32),
        pltpu.SemaphoreType.DMA,
    ],
)


@jax.jit
def kernel(boxes, scores):
    out = _nms_call(_nms_body)(boxes.reshape(-1), scores)
    return out.reshape(_DET, 16)[:, :5]

# --- scband reference (transcript-rebuilt; emitter-appended) ---
"""Pipeline reference for scband-standard-roiheads-5763846111489 (READ-ONLY COPY).

The authoritative reference and input builder live on the scoring server;
editing this copy changes nothing except your own understanding.
"""

import jax, jax.numpy as jnp
import numpy as np
from jax import lax

SCORE_THRESH = 0.05
NMS_THRESH = 0.5
DET_PER_IMG = 100


def setup_inputs(seed: int = 0) -> dict:
    key = jax.random.key(seed)
    k1, k2, k3 = jax.random.split(key, 3)
    N = 5000
    # well-formed xyxy boxes inside a ~1024x1024 image
    xy = jax.random.uniform(k1, (N, 2), minval=0.0, maxval=900.0)
    wh = jax.random.uniform(k2, (N, 2), minval=10.0, maxval=120.0)
    boxes = jnp.concatenate([xy, xy + wh], axis=1).astype(jnp.float32)
    scores = jax.random.uniform(k3, (N,), minval=0.0, maxval=1.0).astype(jnp.float32)
    return {"boxes": boxes, "scores": scores}


def _nms_suppress(b, s, nms_thresh):
    # b, s are sorted by descending score. Greedy NMS via scan.
    N = s.shape[0]
    x1, y1, x2, y2 = b[:, 0], b[:, 1], b[:, 2], b[:, 3]
    areas = jnp.maximum(x2 - x1, 0.0) * jnp.maximum(y2 - y1, 0.0)
    idxs = jnp.arange(N)

    def body(suppressed, i):
        xx1 = jnp.maximum(x1[i], x1)
        yy1 = jnp.maximum(y1[i], y1)
        xx2 = jnp.minimum(x2[i], x2)
        yy2 = jnp.minimum(y2[i], y2)
        inter = jnp.maximum(xx2 - xx1, 0.0) * jnp.maximum(yy2 - yy1, 0.0)
        iou = inter / (areas[i] + areas - inter + 1e-9)
        new_sup = suppressed | ((~suppressed[i]) & (iou > nms_thresh) & (idxs > i))
        return new_sup, None

    suppressed, _ = lax.scan(body, jnp.zeros((N,), dtype=bool), jnp.arange(N))
    return suppressed


def reference(boxes, scores):
    # Faithful core of StandardROIHeads test-time fast_rcnn_inference (single image,
    # class-agnostic): score threshold -> greedy NMS -> keep top DET_PER_IMG.
    order = jnp.argsort(-scores)
    b = boxes[order]
    s = scores[order]
    # NMS selection is a non-differentiable index computation
    bsg = lax.stop_gradient(b)
    ssg = lax.stop_gradient(s)
    suppressed = _nms_suppress(bsg, ssg, NMS_THRESH)
    keep = (~suppressed) & (ssg > SCORE_THRESH)
    masked = jnp.where(keep, ssg, -jnp.inf)
    top_s, top_i = lax.top_k(masked, DET_PER_IMG)
    valid = top_s > -jnp.inf
    sel_b = jnp.where(valid[:, None], b[top_i], 0.0)
    sel_s = jnp.where(valid, s[top_i], 0.0)
    # [DET_PER_IMG, 5] = (x1, y1, x2, y2, score)
    return jnp.concatenate([sel_b, sel_s[:, None]], axis=1)

if __name__ == "__main__":
    import jax
    _d = setup_inputs()
    print(jax.jit(kernel)(*tuple(_d.values())))

</pallas_src>

<mosaic_0001>
#map = affine_map<(d0, d1) -> (0)>
module attributes {stable_mosaic.version = 14 : i64} {
  func.func @_nms_body(%arg0: i32, %arg1: i32, %arg2: memref<20000xf32, #tpu.memory_space<hbm>>, %arg3: memref<5000xf32, #tpu.memory_space<hbm>>, %arg4: memref<1600xf32, #tpu.memory_space<hbm>>, %arg5: memref<20000xf32, #tpu.memory_space<vmem>>, %arg6: memref<1280xf32, #tpu.memory_space<vmem>>, %arg7: memref<320xf32, #tpu.memory_space<vmem>>, %arg8: memref<320xf32, #tpu.memory_space<vmem>>, %arg9: memref<320xf32, #tpu.memory_space<vmem>>, %arg10: memref<320xf32, #tpu.memory_space<vmem>>, %arg11: memref<320xf32, #tpu.memory_space<vmem>>, %arg12: memref<320xf32, #tpu.memory_space<vmem>>, %arg13: memref<16xf32, #tpu.memory_space<vmem>>, %arg14: memref<256xf32, #tpu.memory_space<vmem>>, %arg15: memref<16xf32, #tpu.memory_space<vmem>>, %arg16: memref<16xi32, #tpu.memory_space<vmem>>, %arg17: memref<1600xf32, #tpu.memory_space<vmem>>, %arg18: memref<512xf32, #tpu.memory_space<vmem_shared>>, %arg19: memref<!tpu.dma_semaphore, #tpu.memory_space<semaphore_mem>>) attributes {dimension_semantics = [#tpu.dimension_semantics<core_parallel>, #tpu.dimension_semantics<subcore_parallel>], iteration_bounds = array<i64: 2, 16>, scalar_prefetch = 0 : i64, scratch_operands = 15 : i64, tpu.core_type = #tpu.core_type<sc_vector_subcore>, window_params = [{transform_indices = #map}, {transform_indices = #map}, {transform_indices = #map}]} {
    %mul3A = arith.constant 320 : i32
    %mul3A_0 = arith.muli %arg1, %mul3A : i32
    %min3A = arith.constant 4680 : i32
    %min3A_1 = arith.minsi %mul3A_0, %min3A : i32
    %eq3A = arith.constant 0 : i32
    %eq3A_2 = arith.cmpi eq, %arg0, %eq3A : i32
    %eq3A_3 = arith.constant 0 : i32
    %eq3A_4 = arith.cmpi eq, %arg1, %eq3A_3 : i32
    %and3A = arith.andi %eq3A_2, %eq3A_4 : i1
    %iota3A = tpu.iota {dimensions = array<i32: 0>} : vector<16xi32>
    %add3A = vector.broadcast %min3A_1 : i32 to vector<16xi32>
    %add3A_5 = arith.addi %add3A, %iota3A : vector<16xi32>
    tpu.enqueue_dma source(%arg2 : memref<20000xf32, #tpu.memory_space<hbm>>) target(%arg5 : memref<20000xf32, #tpu.memory_space<vmem>>) target_semaphore(%arg19 : memref<!tpu.dma_semaphore, #tpu.memory_space<semaphore_mem>>)
    %mul3A_6 = arith.constant 4 : i32
    %mul3A_7 = arith.muli %min3A_1, %mul3A_6 : i32
    "tpu.region"() ({
      %run_scoped3A = tpu.sem_alloc : memref<!tpu.dma_semaphore, #tpu.memory_space<semaphore_mem>>
      %dma_start3A = tpu.memref_slice %arg2[%mul3A_7] : memref<20000xf32, #tpu.memory_space<hbm>> -> memref<1280xf32, #tpu.memory_space<hbm>>
      %dma_start3A_930 = tpu.memref_slice %arg2[%mul3A_7] : memref<20000xf32, #tpu.memory_space<hbm>> -> memref<1280xf32, #tpu.memory_space<hbm>>
      tpu.enqueue_dma source(%dma_start3A_930 : memref<1280xf32, #tpu.memory_space<hbm>>) target(%arg6 : memref<1280xf32, #tpu.memory_space<vmem>>) target_semaphore(%run_scoped3A : memref<!tpu.dma_semaphore, #tpu.memory_space<semaphore_mem>>)
      %dma_wait3A = tpu.memref_slice %arg2[%mul3A_7] : memref<20000xf32, #tpu.memory_space<hbm>> -> memref<1280xf32, #tpu.memory_space<hbm>>
      %dma_wait3A_931 = tpu.memref_slice %arg2[%mul3A_7] : memref<20000xf32, #tpu.memory_space<hbm>> -> memref<1280xf32, #tpu.memory_space<hbm>>
      tpu.wait_dma2 semaphore(%run_scoped3A : memref<!tpu.dma_semaphore, #tpu.memory_space<semaphore_mem>>) src(%dma_wait3A_931 : memref<1280xf32, #tpu.memory_space<hbm>>) dst(%arg6 : memref<1280xf32, #tpu.memory_space<vmem>>)
      tpu.yield
    }) : () -> ()
    "tpu.region"() ({
      %run_scoped3A = tpu.sem_alloc : memref<!tpu.dma_semaphore, #tpu.memory_space<semaphore_mem>>
      %dma_start3A = tpu.memref_slice %arg3[%min3A_1] : memref<5000xf32, #tpu.memory_space<hbm>> -> memref<320xf32, #tpu.memory_space<hbm>>
      %dma_start3A_930 = tpu.memref_slice %arg3[%min3A_1] : memref<5000xf32, #tpu.memory_space<hbm>> -> memref<320xf32, #tpu.memory_space<hbm>>
      tpu.enqueue_dma source(%dma_start3A_930 : memref<320xf32, #tpu.memory_space<hbm>>) target(%arg11 : memref<320xf32, #tpu.memory_space<vmem>>) target_semaphore(%run_scoped3A : memref<!tpu.dma_semaphore, #tpu.memory_space<semaphore_mem>>)
      %dma_wait3A = tpu.memref_slice %arg3[%min3A_1] : memref<5000xf32, #tpu.memory_space<hbm>> -> memref<320xf32, #tpu.memory_space<hbm>>
      %dma_wait3A_931 = tpu.memref_slice %arg3[%min3A_1] : memref<5000xf32, #tpu.memory_space<hbm>> -> memref<320xf32, #tpu.memory_space<hbm>>
      tpu.wait_dma2 semaphore(%run_scoped3A : memref<!tpu.dma_semaphore, #tpu.memory_space<semaphore_mem>>) src(%dma_wait3A_931 : memref<320xf32, #tpu.memory_space<hbm>>) dst(%arg11 : memref<320xf32, #tpu.memory_space<vmem>>)
      tpu.yield
    }) : () -> ()
    %get3A = arith.constant 0 : index
    %get3A_8 = tpu.vector_load %arg11[%get3A] {strides = array<i32>} : memref<320xf32, #tpu.memory_space<vmem>>, vector<16xf32>,
    %add3A_9 = arith.constant 0 : i32
    %add3A_10 = vector.broadcast %add3A_9 : i32 to vector<16xi32>
    %add3A_11 = arith.addi %add3A_10, %iota3A : vector<16xi32>
    %mul3A_12 = arith.constant 4 : i32
    %mul3A_13 = vector.broadcast %mul3A_12 : i32 to vector<16xi32>
    %mul3A_14 = arith.muli %add3A_11, %mul3A_13 : vector<16xi32>
    %gather3A = tpu.vector_load_idx %arg6[%mul3A_14] : memref<1280xf32, #tpu.memory_space<vmem>>[vector<16xi32>], vector<16xf32>,
    %add3A_15 = arith.constant 1 : i32
    %add3A_16 = vector.broadcast %add3A_15 : i32 to vector<16xi32>
    %add3A_17 = arith.addi %mul3A_14, %add3A_16 : vector<16xi32>
    %gather3A_18 = tpu.vector_load_idx %arg6[%add3A_17] : memref<1280xf32, #tpu.memory_space<vmem>>[vector<16xi32>], vector<16xf32>,
    %add3A_19 = arith.constant 2 : i32
    %add3A_20 = vector.broadcast %add3A_19 : i32 to vector<16xi32>
    %add3A_21 = arith.addi %mul3A_14, %add3A_20 : vector<16xi32>
    %gather3A_22 = tpu.vector_load_idx %arg6[%add3A_21] : memref<1280xf32, #tpu.memory_space<vmem>>[vector<16xi32>], vector<16xf32>,
    %add3A_23 = arith.constant 3 : i32
    %add3A_24 = vector.broadcast %add3A_23 : i32 to vector<16xi32>
    %add3A_25 = arith.addi %mul3A_14, %add3A_24 : vector<16xi32>
    %gather3A_26 = tpu.vector_load_idx %arg6[%add3A_25] : memref<1280xf32, #tpu.memory_space<vmem>>[vector<16xi32>], vector<16xf32>,
    %swap3A = arith.constant 0 : index
    %swap3A_27 = tpu.vector_load %arg7[%swap3A] {strides = array<i32>} : memref<320xf32, #tpu.memory_space<vmem>>, vector<16xf32>,
    tpu.vector_store %arg7[%swap3A], %gather3A {strides = array<i32>} : memref<320xf32, #tpu.memory_space<vmem>>, vector<16xf32>,
    %swap3A_28 = arith.constant 0 : index
    %swap3A_29 = tpu.vector_load %arg8[%swap3A_28] {strides = array<i32>} : memref<320xf32, #tpu.memory_space<vmem>>, vector<16xf32>,
    tpu.vector_store %arg8[%swap3A_28], %gather3A_18 {strides = array<i32>} : memref<320xf32, #tpu.memory_space<vmem>>, vector<16xf32>,
    %swap3A_30 = arith.constant 0 : index
    %swap3A_31 = tpu.vector_load %arg9[%swap3A_30] {strides = array<i32>} : memref<320xf32, #tpu.memory_space<vmem>>, vector<16xf32>,
    tpu.vector_store %arg9[%swap3A_30], %gather3A_22 {strides = array<i32>} : memref<320xf32, #tpu.memory_space<vmem>>, vector<16xf32>,
    %swap3A_32 = arith.constant 0 : index
    %swap3A_33 = tpu.vector_load %arg10[%swap3A_32] {strides = array<i32>} : memref<320xf32, #tpu.memory_space<vmem>>, vector<16xf32>,
    tpu.vector_store %arg10[%swap3A_32], %gather3A_26 {strides = array<i32>} : memref<320xf32, #tpu.memory_space<vmem>>, vector<16xf32>,
    %sub3A = arith.subf %gather3A_22, %gather3A : vector<16xf32>
    %max3A = arith.constant 0.000000e+00 : f32
    %max3A_34 = vector.broadcast %max3A : f32 to vector<16xf32>
    %max3A_35 = arith.maximumf %sub3A, %max3A_34 : vector<16xf32>
    %sub3A_36 = arith.subf %gather3A_26, %gather3A_18 : vector<16xf32>
    %max3A_37 = arith.constant 0.000000e+00 : f32
    %max3A_38 = vector.broadcast %max3A_37 : f32 to vector<16xf32>
    %max3A_39 = arith.maximumf %sub3A_36, %max3A_38 : vector<16xf32>
    %mul3A_40 = arith.mulf %max3A_35, %max3A_39 : vector<16xf32>
    %swap3A_41 = arith.constant 0 : index
    %swap3A_42 = tpu.vector_load %arg12[%swap3A_41] {strides = array<i32>} : memref<320xf32, #tpu.memory_space<vmem>>, vector<16xf32>,
    tpu.vector_store %arg12[%swap3A_41], %mul3A_40 {strides = array<i32>} : memref<320xf32, #tpu.memory_space<vmem>>, vector<16xf32>,
    %add3A_43 = arith.constant 16 : i32
    %add3A_44 = vector.broadcast %add3A_43 : i32 to vector<16xi32>
    %add3A_45 = arith.addi %add3A_44, %iota3A : vector<16xi32>
    %mul3A_46 = arith.constant 4 : i32
    %mul3A_47 = vector.broadcast %mul3A_46 : i32 to vector<16xi32>
    %mul3A_48 = arith.muli %add3A_45, %mul3A_47 : vector<16xi32>
    %gather3A_49 = tpu.vector_load_idx %arg6[%mul3A_48] : memref<1280xf32, #tpu.memory_space<vmem>>[vector<16xi32>], vector<16xf32>,
    %add3A_50 = arith.constant 1 : i32
    %add3A_51 = vector.broadcast %add3A_50 : i32 to vector<16xi32>
    %add3A_52 = arith.addi %mul3A_48, %add3A_51 : vector<16xi32>
    %gather3A_53 = tpu.vector_load_idx %arg6[%add3A_52] : memref<1280xf32, #tpu.memory_space<vmem>>[vector<16xi32>], vector<16xf32>,
    %add3A_54 = arith.constant 2 : i32
    %add3A_55 = vector.broadcast %add3A_54 : i32 to vector<16xi32>
    %add3A_56 = arith.addi %mul3A_48, %add3A_55 : vector<16xi32>
    %gather3A_57 = tpu.vector_load_idx %arg6[%add3A_56] : memref<1280xf32, #tpu.memory_space<vmem>>[vector<16xi32>], vector<16xf32>,
    %add3A_58 = arith.constant 3 : i32
    %add3A_59 = vector.broadcast %add3A_58 : i32 to vector<16xi32>
    %add3A_60 = arith.addi %mul3A_48, %add3A_59 : vector<16xi32>
    %gather3A_61 = tpu.vector_load_idx %arg6[%add3A_60] : memref<1280xf32, #tpu.memory_space<vmem>>[vector<16xi32>], vector<16xf32>,
    %swap3A_62 = arith.constant 16 : index
    %swap3A_63 = tpu.vector_load %arg7[%swap3A_62] {strides = array<i32>} : memref<320xf32, #tpu.memory_space<vmem>>, vector<16xf32>,
    tpu.vector_store %arg7[%swap3A_62], %gather3A_49 {strides = array<i32>} : memref<320xf32, #tpu.memory_space<vmem>>, vector<16xf32>,
    %swap3A_64 = arith.constant 16 : index
    %swap3A_65 = tpu.vector_load %arg8[%swap3A_64] {strides = array<i32>} : memref<320xf32, #tpu.memory_space<vmem>>, vector<16xf32>,
    tpu.vector_store %arg8[%swap3A_64], %gather3A_53 {strides = array<i32>} : memref<320xf32, #tpu.memory_space<vmem>>, vector<16xf32>,
    %swap3A_66 = arith.constant 16 : index
    %swap3A_67 = tpu.vector_load %arg9[%swap3A_66] {strides = array<i32>} : memref<320xf32, #tpu.memory_space<vmem>>, vector<16xf32>,
    tpu.vector_store %arg9[%swap3A_66], %gather3A_57 {strides = array<i32>} : memref<320xf32, #tpu.memory_space<vmem>>, vector<16xf32>,
    %swap3A_68 = arith.constant 16 : index
    %swap3A_69 = tpu.vector_load %arg10[%swap3A_68] {strides = array<i32>} : memref<320xf32, #tpu.memory_space<vmem>>, vector<16xf32>,
    tpu.vector_store %arg10[%swap3A_68], %gather3A_61 {strides = array<i32>} : memref<320xf32, #tpu.memory_space<vmem>>, vector<16xf32>,
    %sub3A_70 = arith.subf %gather3A_57, %gather3A_49 : vector<16xf32>
    %max3A_71 = arith.constant 0.000000e+00 : f32
    %max3A_72 = vector.broadcast %max3A_71 : f32 to vector<16xf32>
    %max3A_73 = arith.maximumf %sub3A_70, %max3A_72 : vector<16xf32>
    %sub3A_74 = arith.subf %gather3A_61, %gather3A_53 : vector<16xf32>
    %max3A_75 = arith.constant 0.000000e+00 : f32
    %max3A_76 = vector.broadcast %max3A_75 : f32 to vector<16xf32>
    %max3A_77 = arith.maximumf %sub3A_74, %max3A_76 : vector<16xf32>
    %mul3A_78 = arith.mulf %max3A_73, %max3A_77 : vector<16xf32>
    %swap3A_79 = arith.constant 16 : index
    %swap3A_80 = tpu.vector_load %arg12[%swap3A_79] {strides = array<i32>} : memref<320xf32, #tpu.memory_space<vmem>>, vector<16xf32>,
    tpu.vector_store %arg12[%swap3A_79], %mul3A_78 {strides = array<i32>} : memref<320xf32, #tpu.memory_space<vmem>>, vector<16xf32>,
    %get3A_81 = arith.constant 16 : index
    %get3A_82 = tpu.vector_load %arg11[%get3A_81] {strides = array<i32>} : memref<320xf32, #tpu.memory_space<vmem>>, vector<16xf32>,
    %gt3A = arith.cmpf ogt, %get3A_82, %get3A_8 : vector<16xf32>
    %select_n3A = arith.select %gt3A, %get3A_82, %get3A_8 : vector<16xi1>, vector<16xf32>
    %add3A_83 = arith.constant 16 : i32
    %add3A_84 = vector.broadcast %add3A_83 : i32 to vector<16xi32>
    %add3A_85 = arith.addi %add3A_5, %add3A_84 : vector<16xi32>
    %select_n3A_86 = arith.select %gt3A, %add3A_85, %add3A_5 : vector<16xi1>, vector<16xi32>
    %add3A_87 = arith.constant 32 : i32
    %add3A_88 = vector.broadcast %add3A_87 : i32 to vector<16xi32>
    %add3A_89 = arith.addi %add3A_88, %iota3A : vector<16xi32>
    %mul3A_90 = arith.constant 4 : i32
    %mul3A_91 = vector.broadcast %mul3A_90 : i32 to vector<16xi32>
    %mul3A_92 = arith.muli %add3A_89, %mul3A_91 : vector<16xi32>
    %gather3A_93 = tpu.vector_load_idx %arg6[%mul3A_92] : memref<1280xf32, #tpu.memory_space<vmem>>[vector<16xi32>], vector<16xf32>,
    %add3A_94 = arith.constant 1 : i32
    %add3A_95 = vector.broadcast %add3A_94 : i32 to vector<16xi32>
    %add3A_96 = arith.addi %mul3A_92, %add3A_95 : vector<16xi32>
    %gather3A_97 = tpu.vector_load_idx %arg6[%add3A_96] : memref<1280xf32, #tpu.memory_space<vmem>>[vector<16xi32>], vector<16xf32>,
    %add3A_98 = arith.constant 2 : i32
    %add3A_99 = vector.broadcast %add3A_98 : i32 to vector<16xi32>
    %add3A_100 = arith.addi %mul3A_92, %add3A_99 : vector<16xi32>
    %gather3A_101 = tpu.vector_load_idx %arg6[%add3A_100] : memref<1280xf32, #tpu.memory_space<vmem>>[vector<16xi32>], vector<16xf32>,
    %add3A_102 = arith.constant 3 : i32
    %add3A_103 = vector.broadcast %add3A_102 : i32 to vector<16xi32>
    %add3A_104 = arith.addi %mul3A_92, %add3A_103 : vector<16xi32>
    %gather3A_105 = tpu.vector_load_idx %arg6[%add3A_104] : memref<1280xf32, #tpu.memory_space<vmem>>[vector<16xi32>], vector<16xf32>,
    %swap3A_106 = arith.constant 32 : index
    %swap3A_107 = tpu.vector_load %arg7[%swap3A_106] {strides = array<i32>} : memref<320xf32, #tpu.memory_space<vmem>>, vector<16xf32>,
    tpu.vector_store %arg7[%swap3A_106], %gather3A_93 {strides = array<i32>} : memref<320xf32, #tpu.memory_space<vmem>>, vector<16xf32>,
    %swap3A_108 = arith.constant 32 : index
    %swap3A_109 = tpu.vector_load %arg8[%swap3A_108] {strides = array<i32>} : memref<320xf32, #tpu.memory_space<vmem>>, vector<16xf32>,
    tpu.vector_store %arg8[%swap3A_108], %gather3A_97 {strides = array<i32>} : memref<320xf32, #tpu.memory_space<vmem>>, vector<16xf32>,
    %swap3A_110 = arith.constant 32 : index
    %swap3A_111 = tpu.vector_load %arg9[%swap3A_110] {strides = array<i32>} : memref<320xf32, #tpu.memory_space<vmem>>, vector<16xf32>,
    tpu.vector_store %arg9[%swap3A_110], %gather3A_101 {strides = array<i32>} : memref<320xf32, #tpu.memory_space<vmem>>, vector<16xf32>,
    %swap3A_112 = arith.constant 32 : index
    %swap3A_113 = tpu.vector_load %arg10[%swap3A_112] {strides = array<i32>} : memref<320xf32, #tpu.memory_space<vmem>>, vector<16xf32>,
    tpu.vector_store %arg10[%swap3A_112], %gather3A_105 {strides = array<i32>} : memref<320xf32, #tpu.memory_space<vmem>>, vector<16xf32>,
    %sub3A_114 = arith.subf %gather3A_101, %gather3A_93 : vector<16xf32>
    %max3A_115 = arith.constant 0.000000e+00 : f32
    %max3A_116 = vector.broadcast %max3A_115 : f32 to vector<16xf32>
    %max3A_117 = arith.maximumf %sub3A_114, %max3A_116 : vector<16xf32>
    %sub3A_118 = arith.subf %gather3A_105, %gather3A_97 : vector<16xf32>
    %max3A_119 = arith.constant 0.000000e+00 : f32
    %max3A_120 = vector.broadcast %max3A_119 : f32 to vector<16xf32>
    %max3A_121 = arith.maximumf %sub3A_118, %max3A_120 : vector<16xf32>
    %mul3A_122 = arith.mulf %max3A_117, %max3A_121 : vector<16xf32>
    %swap3A_123 = arith.constant 32 : index
    %swap3A_124 = tpu.vector_load %arg12[%swap3A_123] {strides = array<i32>} : memref<320xf32, #tpu.memory_space<vmem>>, vector<16xf32>,
    tpu.vector_store %arg12[%swap3A_123], %mul3A_122 {strides = array<i32>} : memref<320xf32, #tpu.memory_space<vmem>>, vector<16xf32>,
    %get3A_125 = arith.constant 32 : index
    %get3A_126 = tpu.vector_load %arg11[%get3A_125] {strides = array<i32>} : memref<320xf32, #tpu.memory_space<vmem>>, vector<16xf32>,
    %gt3A_127 = arith.cmpf ogt, %get3A_126, %select_n3A : vector<16xf32>
    %select_n3A_128 = arith.select %gt3A_127, %get3A_126, %select_n3A : vector<16xi1>, vector<16xf32>
    %add3A_129 = arith.constant 32 : i32
    %add3A_130 = vector.broadcast %add3A_129 : i32 to vector<16xi32>
    %add3A_131 = arith.addi %add3A_5, %add3A_130 : vector<16xi32>
    %select_n3A_132 = arith.select %gt3A_127, %add3A_131, %select_n3A_86 : vector<16xi1>, vector<16xi32>
    %add3A_133 = arith.constant 48 : i32
    %add3A_134 = vector.broadcast %add3A_133 : i32 to vector<16xi32>
    %add3A_135 = arith.addi %add3A_134, %iota3A : vector<16xi32>
    %mul3A_136 = arith.constant 4 : i32
    %mul3A_137 = vector.broadcast %mul3A_136 : i32 to vector<16xi32>
    %mul3A_138 = arith.muli %add3A_135, %mul3A_137 : vector<16xi32>
    %gather3A_139 = tpu.vector_load_idx %arg6[%mul3A_138] : memref<1280xf32, #tpu.memory_space<vmem>>[vector<16xi32>], vector<16xf32>,
    %add3A_140 = arith.constant 1 : i32
    %add3A_141 = vector.broadcast %add3A_140 : i32 to vector<16xi32>
    %add3A_142 = arith.addi %mul3A_138, %add3A_141 : vector<16xi32>
    %gather3A_143 = tpu.vector_load_idx %arg6[%add3A_142] : memref<1280xf32, #tpu.memory_space<vmem>>[vector<16xi32>], vector<16xf32>,
    %add3A_144 = arith.constant 2 : i32
    %add3A_145 = vector.broadcast %add3A_144 : i32 to vector<16xi32>
    %add3A_146 = arith.addi %mul3A_138, %add3A_145 : vector<16xi32>
    %gather3A_147 = tpu.vector_load_idx %arg6[%add3A_146] : memref<1280xf32, #tpu.memory_space<vmem>>[vector<16xi32>], vector<16xf32>,
    %add3A_148 = arith.constant 3 : i32
    %add3A_149 = vector.broadcast %add3A_148 : i32 to vector<16xi32>
    %add3A_150 = arith.addi %mul3A_138, %add3A_149 : vector<16xi32>
    %gather3A_151 = tpu.vector_load_idx %arg6[%add3A_150] : memref<1280xf32, #tpu.memory_space<vmem>>[vector<16xi32>], vector<16xf32>,
    %swap3A_152 = arith.constant 48 : index
    %swap3A_153 = tpu.vector_load %arg7[%swap3A_152] {strides = array<i32>} : memref<320xf32, #tpu.memory_space<vmem>>, vector<16xf32>,
    tpu.vector_store %arg7[%swap3A_152], %gather3A_139 {strides = array<i32>} : memref<320xf32, #tpu.memory_space<vmem>>, vector<16xf32>,
    %swap3A_154 = arith.constant 48 : index
    %swap3A_155 = tpu.vector_load %arg8[%swap3A_154] {strides = array<i32>} : memref<320xf32, #tpu.memory_space<vmem>>, vector<16xf32>,
    tpu.vector_store %arg8[%swap3A_154], %gather3A_143 {strides = array<i32>} : memref<320xf32, #tpu.memory_space<vmem>>, vector<16xf32>,
    %swap3A_156 = arith.constant 48 : index
    %swap3A_157 = tpu.vector_load %arg9[%swap3A_156] {strides = array<i32>} : memref<320xf32, #tpu.memory_space<vmem>>, vector<16xf32>,
    tpu.vector_store %arg9[%swap3A_156], %gather3A_147 {strides = array<i32>} : memref<320xf32, #tpu.memory_space<vmem>>, vector<16xf32>,
    %swap3A_158 = arith.constant 48 : index
    %swap3A_159 = tpu.vector_load %arg10[%swap3A_158] {strides = array<i32>} : memref<320xf32, #tpu.memory_space<vmem>>, vector<16xf32>,
    tpu.vector_store %arg10[%swap3A_158], %gather3A_151 {strides = array<i32>} : memref<320xf32, #tpu.memory_space<vmem>>, vector<16xf32>,
    %sub3A_160 = arith.subf %gather3A_147, %gather3A_139 : vector<16xf32>
    %max3A_161 = arith.constant 0.000000e+00 : f32
    %max3A_162 = vector.broadcast %max3A_161 : f32 to vector<16xf32>
    %max3A_163 = arith.maximumf %sub3A_160, %max3A_162 : vector<16xf32>
    %sub3A_164 = arith.subf %gather3A_151, %gather3A_143 : vector<16xf32>
    %max3A_165 = arith.constant 0.000000e+00 : f32
    %max3A_166 = vector.broadcast %max3A_165 : f32 to vector<16xf32>
    %max3A_167 = arith.maximumf %sub3A_164, %max3A_166 : vector<16xf32>
    %mul3A_168 = arith.mulf %max3A_163, %max3A_167 : vector<16xf32>
    %swap3A_169 = arith.constant 48 : index
    %swap3A_170 = tpu.vector_load %arg12[%swap3A_169] {strides = array<i32>} : memref<320xf32, #tpu.memory_space<vmem>>, vector<16xf32>,
    tpu.vector_store %arg12[%swap3A_169], %mul3A_168 {strides = array<i32>} : memref<320xf32, #tpu.memory_space<vmem>>, vector<16xf32>,
    %get3A_171 = arith.constant 48 : index
    %get3A_172 = tpu.vector_load %arg11[%get3A_171] {strides = array<i32>} : memref<320xf32, #tpu.memory_space<vmem>>, vector<16xf32>,
    %gt3A_173 = arith.cmpf ogt, %get3A_172, %select_n3A_128 : vector<16xf32>
    %select_n3A_174 = arith.select %gt3A_173, %get3A_172, %select_n3A_128 : vector<16xi1>, vector<16xf32>
    %add3A_175 = arith.constant 48 : i32
    %add3A_176 = vector.broadcast %add3A_175 : i32 to vector<16xi32>
    %add3A_177 = arith.addi %add3A_5, %add3A_176 : vector<16xi32>
    %select_n3A_178 = arith.select %gt3A_173, %add3A_177, %select_n3A_132 : vector<16xi1>, vector<16xi32>
    %add3A_179 = arith.constant 64 : i32
    %add3A_180 = vector.broadcast %add3A_179 : i32 to vector<16xi32>
    %add3A_181 = arith.addi %add3A_180, %iota3A : vector<16xi32>
    %mul3A_182 = arith.constant 4 : i32
    %mul3A_183 = vector.broadcast %mul3A_182 : i32 to vector<16xi32>
    %mul3A_184 = arith.muli %add3A_181, %mul3A_183 : vector<16xi32>
    %gather3A_185 = tpu.vector_load_idx %arg6[%mul3A_184] : memref<1280xf32, #tpu.memory_space<vmem>>[vector<16xi32>], vector<16xf32>,
    %add3A_186 = arith.constant 1 : i32
    %add3A_187 = vector.broadcast %add3A_186 : i32 to vector<16xi32>
    %add3A_188 = arith.addi %mul3A_184, %add3A_187 : vector<16xi32>
    %gather3A_189 = tpu.vector_load_idx %arg6[%add3A_188] : memref<1280xf32, #tpu.memory_space<vmem>>[vector<16xi32>], vector<16xf32>,
    %add3A_190 = arith.constant 2 : i32
    %add3A_191 = vector.broadcast %add3A_190 : i32 to vector<16xi32>
    %add3A_192 = arith.addi %mul3A_184, %add3A_191 : vector<16xi32>
    %gather3A_193 = tpu.vector_load_idx %arg6[%add3A_192] : memref<1280xf32, #tpu.memory_space<vmem>>[vector<16xi32>], vector<16xf32>,
    %add3A_194 = arith.constant 3 : i32
    %add3A_195 = vector.broadcast %add3A_194 : i32 to vector<16xi32>
    %add3A_196 = arith.addi %mul3A_184, %add3A_195 : vector<16xi32>
    %gather3A_197 = tpu.vector_load_idx %arg6[%add3A_196] : memref<1280xf32, #tpu.memory_space<vmem>>[vector<16xi32>], vector<16xf32>,
    %swap3A_198 = arith.constant 64 : index
    %swap3A_199 = tpu.vector_load %arg7[%swap3A_198] {strides = array<i32>} : memref<320xf32, #tpu.memory_space<vmem>>, vector<16xf32>,
    tpu.vector_store %arg7[%swap3A_198], %gather3A_185 {strides = array<i32>} : memref<320xf32, #tpu.memory_space<vmem>>, vector<16xf32>,
    %swap3A_200 = arith.constant 64 : index
    %swap3A_201 = tpu.vector_load %arg8[%swap3A_200] {strides = array<i32>} : memref<320xf32, #tpu.memory_space<vmem>>, vector<16xf32>,
    tpu.vector_store %arg8[%swap3A_200], %gather3A_189 {strides = array<i32>} : memref<320xf32, #tpu.memory_space<vmem>>, vector<16xf32>,
    %swap3A_202 = arith.constant 64 : index
    %swap3A_203 = tpu.vector_load %arg9[%swap3A_202] {strides = array<i32>} : memref<320xf32, #tpu.memory_space<vmem>>, vector<16xf32>,
    tpu.vector_store %arg9[%swap3A_202], %gather3A_193 {strides = array<i32>} : memref<320xf32, #tpu.memory_space<vmem>>, vector<16xf32>,
    %swap3A_204 = arith.constant 64 : index
    %swap3A_205 = tpu.vector_load %arg10[%swap3A_204] {strides = array<i32>} : memref<320xf32, #tpu.memory_space<vmem>>, vector<16xf32>,
    tpu.vector_store %arg10[%swap3A_204], %gather3A_197 {strides = array<i32>} : memref<320xf32, #tpu.memory_space<vmem>>, vector<16xf32>,
    %sub3A_206 = arith.subf %gather3A_193, %gather3A_185 : vector<16xf32>
    %max3A_207 = arith.constant 0.000000e+00 : f32
    %max3A_208 = vector.broadcast %max3A_207 : f32 to vector<16xf32>
    %max3A_209 = arith.maximumf %sub3A_206, %max3A_208 : vector<16xf32>
    %sub3A_210 = arith.subf %gather3A_197, %gather3A_189 : vector<16xf32>
    %max3A_211 = arith.constant 0.000000e+00 : f32
    %max3A_212 = vector.broadcast %max3A_211 : f32 to vector<16xf32>
    %max3A_213 = arith.maximumf %sub3A_210, %max3A_212 : vector<16xf32>
    %mul3A_214 = arith.mulf %max3A_209, %max3A_213 : vector<16xf32>
    %swap3A_215 = arith.constant 64 : index
    %swap3A_216 = tpu.vector_load %arg12[%swap3A_215] {strides = array<i32>} : memref<320xf32, #tpu.memory_space<vmem>>, vector<16xf32>,
    tpu.vector_store %arg12[%swap3A_215], %mul3A_214 {strides = array<i32>} : memref<320xf32, #tpu.memory_space<vmem>>, vector<16xf32>,
    %get3A_217 = arith.constant 64 : index
    %get3A_218 = tpu.vector_load %arg11[%get3A_217] {strides = array<i32>} : memref<320xf32, #tpu.memory_space<vmem>>, vector<16xf32>,
    %gt3A_219 = arith.cmpf ogt, %get3A_218, %select_n3A_174 : vector<16xf32>
    %select_n3A_220 = arith.select %gt3A_219, %get3A_218, %select_n3A_174 : vector<16xi1>, vector<16xf32>
    %add3A_221 = arith.constant 64 : i32
    %add3A_222 = vector.broadcast %add3A_221 : i32 to vector<16xi32>
    %add3A_223 = arith.addi %add3A_5, %add3A_222 : vector<16xi32>
    %select_n3A_224 = arith.select %gt3A_219, %add3A_223, %select_n3A_178 : vector<16xi1>, vector<16xi32>
    %add3A_225 = arith.constant 80 : i32
    %add3A_226 = vector.broadcast %add3A_225 : i32 to vector<16xi32>
    %add3A_227 = arith.addi %add3A_226, %iota3A : vector<16xi32>
    %mul3A_228 = arith.constant 4 : i32
    %mul3A_229 = vector.broadcast %mul3A_228 : i32 to vector<16xi32>
    %mul3A_230 = arith.muli %add3A_227, %mul3A_229 : vector<16xi32>
    %gather3A_231 = tpu.vector_load_idx %arg6[%mul3A_230] : memref<1280xf32, #tpu.memory_space<vmem>>[vector<16xi32>], vector<16xf32>,
    %add3A_232 = arith.constant 1 : i32
    %add3A_233 = vector.broadcast %add3A_232 : i32 to vector<16xi32>
    %add3A_234 = arith.addi %mul3A_230, %add3A_233 : vector<16xi32>
    %gather3A_235 = tpu.vector_load_idx %arg6[%add3A_234] : memref<1280xf32, #tpu.memory_space<vmem>>[vector<16xi32>], vector<16xf32>,
    %add3A_236 = arith.constant 2 : i32
    %add3A_237 = vector.broadcast %add3A_236 : i32 to vector<16xi32>
    %add3A_238 = arith.addi %mul3A_230, %add3A_237 : vector<16xi32>
    %gather3A_239 = tpu.vector_load_idx %arg6[%add3A_238] : memref<1280xf32, #tpu.memory_space<vmem>>[vector<16xi32>], vector<16xf32>,
    %add3A_240 = arith.constant 3 : i32
    %add3A_241 = vector.broadcast %add3A_240 : i32 to vector<16xi32>
    %add3A_242 = arith.addi %mul3A_230, %add3A_241 : vector<16xi32>
    %gather3A_243 = tpu.vector_load_idx %arg6[%add3A_242] : memref<1280xf32, #tpu.memory_space<vmem>>[vector<16xi32>], vector<16xf32>,
    %swap3A_244 = arith.constant 80 : index
    %swap3A_245 = tpu.vector_load %arg7[%swap3A_244] {strides = array<i32>} : memref<320xf32, #tpu.memory_space<vmem>>, vector<16xf32>,
    tpu.vector_store %arg7[%swap3A_244], %gather3A_231 {strides = array<i32>} : memref<320xf32, #tpu.memory_space<vmem>>, vector<16xf32>,
    %swap3A_246 = arith.constant 80 : index
    %swap3A_247 = tpu.vector_load %arg8[%swap3A_246] {strides = array<i32>} : memref<320xf32, #tpu.memory_space<vmem>>, vector<16xf32>,
    tpu.vector_store %arg8[%swap3A_246], %gather3A_235 {strides = array<i32>} : memref<320xf32, #tpu.memory_space<vmem>>, vector<16xf32>,
    %swap3A_248 = arith.constant 80 : index
    %swap3A_249 = tpu.vector_load %arg9[%swap3A_248] {strides = array<i32>} : memref<320xf32, #tpu.memory_space<vmem>>, vector<16xf32>,
    tpu.vector_store %arg9[%swap3A_248], %gather3A_239 {strides = array<i32>} : memref<320xf32, #tpu.memory_space<vmem>>, vector<16xf32>,
    %swap3A_250 = arith.constant 80 : index
    %swap3A_251 = tpu.vector_load %arg10[%swap3A_250] {strides = array<i32>} : memref<320xf32, #tpu.memory_space<vmem>>, vector<16xf32>,
    tpu.vector_store %arg10[%swap3A_250], %gather3A_243 {strides = array<i32>} : memref<320xf32, #tpu.memory_space<vmem>>, vector<16xf32>,
    %sub3A_252 = arith.subf %gather3A_239, %gather3A_231 : vector<16xf32>
    %max3A_253 = arith.constant 0.000000e+00 : f32
    %max3A_254 = vector.broadcast %max3A_253 : f32 to vector<16xf32>
    %max3A_255 = arith.maximumf %sub3A_252, %max3A_254 : vector<16xf32>
    %sub3A_256 = arith.subf %gather3A_243, %gather3A_235 : vector<16xf32>
    %max3A_257 = arith.constant 0.000000e+00 : f32
    %max3A_258 = vector.broadcast %max3A_257 : f32 to vector<16xf32>
    %max3A_259 = arith.maximumf %sub3A_256, %max3A_258 : vector<16xf32>
    %mul3A_260 = arith.mulf %max3A_255, %max3A_259 : vector<16xf32>
    %swap3A_261 = arith.constant 80 : index
    %swap3A_262 = tpu.vector_load %arg12[%swap3A_261] {strides = array<i32>} : memref<320xf32, #tpu.memory_space<vmem>>, vector<16xf32>,
    tpu.vector_store %arg12[%swap3A_261], %mul3A_260 {strides = array<i32>} : memref<320xf32, #tpu.memory_space<vmem>>, vector<16xf32>,
    %get3A_263 = arith.constant 80 : index
    %get3A_264 = tpu.vector_load %arg11[%get3A_263] {strides = array<i32>} : memref<320xf32, #tpu.memory_space<vmem>>, vector<16xf32>,
    %gt3A_265 = arith.cmpf ogt, %get3A_264, %select_n3A_220 : vector<16xf32>
    %select_n3A_266 = arith.select %gt3A_265, %get3A_264, %select_n3A_220 : vector<16xi1>, vector<16xf32>
    %add3A_267 = arith.constant 80 : i32
    %add3A_268 = vector.broadcast %add3A_267 : i32 to vector<16xi32>
    %add3A_269 = arith.addi %add3A_5, %add3A_268 : vector<16xi32>
    %select_n3A_270 = arith.select %gt3A_265, %add3A_269, %select_n3A_224 : vector<16xi1>, vector<16xi32>
    %add3A_271 = arith.constant 96 : i32
    %add3A_272 = vector.broadcast %add3A_271 : i32 to vector<16xi32>
    %add3A_273 = arith.addi %add3A_272, %iota3A : vector<16xi32>
    %mul3A_274 = arith.constant 4 : i32
    %mul3A_275 = vector.broadcast %mul3A_274 : i32 to vector<16xi32>
    %mul3A_276 = arith.muli %add3A_273, %mul3A_275 : vector<16xi32>
    %gather3A_277 = tpu.vector_load_idx %arg6[%mul3A_276] : memref<1280xf32, #tpu.memory_space<vmem>>[vector<16xi32>], vector<16xf32>,
    %add3A_278 = arith.constant 1 : i32
    %add3A_279 = vector.broadcast %add3A_278 : i32 to vector<16xi32>
    %add3A_280 = arith.addi %mul3A_276, %add3A_279 : vector<16xi32>
    %gather3A_281 = tpu.vector_load_idx %arg6[%add3A_280] : memref<1280xf32, #tpu.memory_space<vmem>>[vector<16xi32>], vector<16xf32>,
    %add3A_282 = arith.constant 2 : i32
    %add3A_283 = vector.broadcast %add3A_282 : i32 to vector<16xi32>
    %add3A_284 = arith.addi %mul3A_276, %add3A_283 : vector<16xi32>
    %gather3A_285 = tpu.vector_load_idx %arg6[%add3A_284] : memref<1280xf32, #tpu.memory_space<vmem>>[vector<16xi32>], vector<16xf32>,
    %add3A_286 = arith.constant 3 : i32
    %add3A_287 = vector.broadcast %add3A_286 : i32 to vector<16xi32>
    %add3A_288 = arith.addi %mul3A_276, %add3A_287 : vector<16xi32>
    %gather3A_289 = tpu.vector_load_idx %arg6[%add3A_288] : memref<1280xf32, #tpu.memory_space<vmem>>[vector<16xi32>], vector<16xf32>,
    %swap3A_290 = arith.constant 96 : index
    %swap3A_291 = tpu.vector_load %arg7[%swap3A_290] {strides = array<i32>} : memref<320xf32, #tpu.memory_space<vmem>>, vector<16xf32>,
    tpu.vector_store %arg7[%swap3A_290], %gather3A_277 {strides = array<i32>} : memref<320xf32, #tpu.memory_space<vmem>>, vector<16xf32>,
    %swap3A_292 = arith.constant 96 : index
    %swap3A_293 = tpu.vector_load %arg8[%swap3A_292] {strides = array<i32>} : memref<320xf32, #tpu.memory_space<vmem>>, vector<16xf32>,
    tpu.vector_store %arg8[%swap3A_292], %gather3A_281 {strides = array<i32>} : memref<320xf32, #tpu.memory_space<vmem>>, vector<16xf32>,
    %swap3A_294 = arith.constant 96 : index
    %swap3A_295 = tpu.vector_load %arg9[%swap3A_294] {strides = array<i32>} : memref<320xf32, #tpu.memory_space<vmem>>, vector<16xf32>,
    tpu.vector_store %arg9[%swap3A_294], %gather3A_285 {strides = array<i32>} : memref<320xf32, #tpu.memory_space<vmem>>, vector<16xf32>,
    %swap3A_296 = arith.constant 96 : index
    %swap3A_297 = tpu.vector_load %arg10[%swap3A_296] {strides = array<i32>} : memref<320xf32, #tpu.memory_space<vmem>>, vector<16xf32>,
    tpu.vector_store %arg10[%swap3A_296], %gather3A_289 {strides = array<i32>} : memref<320xf32, #tpu.memory_space<vmem>>, vector<16xf32>,
    %sub3A_298 = arith.subf %gather3A_285, %gather3A_277 : vector<16xf32>
    %max3A_299 = arith.constant 0.000000e+00 : f32
    %max3A_300 = vector.broadcast %max3A_299 : f32 to vector<16xf32>
    %max3A_301 = arith.maximumf %sub3A_298, %max3A_300 : vector<16xf32>
    %sub3A_302 = arith.subf %gather3A_289, %gather3A_281 : vector<16xf32>
    %max3A_303 = arith.constant 0.000000e+00 : f32
    %max3A_304 = vector.broadcast %max3A_303 : f32 to vector<16xf32>
    %max3A_305 = arith.maximumf %sub3A_302, %max3A_304 : vector<16xf32>
    %mul3A_306 = arith.mulf %max3A_301, %max3A_305 : vector<16xf32>
    %swap3A_307 = arith.constant 96 : index
    %swap3A_308 = tpu.vector_load %arg12[%swap3A_307] {strides = array<i32>} : memref<320xf32, #tpu.memory_space<vmem>>, vector<16xf32>,
    tpu.vector_store %arg12[%swap3A_307], %mul3A_306 {strides = array<i32>} : memref<320xf32, #tpu.memory_space<vmem>>, vector<16xf32>,
    %get3A_309 = arith.constant 96 : index
    %get3A_310 = tpu.vector_load %arg11[%get3A_309] {strides = array<i32>} : memref<320xf32, #tpu.memory_space<vmem>>, vector<16xf32>,
    %gt3A_311 = arith.cmpf ogt, %get3A_310, %select_n3A_266 : vector<16xf32>
    %select_n3A_312 = arith.select %gt3A_311, %get3A_310, %select_n3A_266 : vector<16xi1>, vector<16xf32>
    %add3A_313 = arith.constant 96 : i32
    %add3A_314 = vector.broadcast %add3A_313 : i32 to vector<16xi32>
    %add3A_315 = arith.addi %add3A_5, %add3A_314 : vector<16xi32>
    %select_n3A_316 = arith.select %gt3A_311, %add3A_315, %select_n3A_270 : vector<16xi1>, vector<16xi32>
    %add3A_317 = arith.constant 112 : i32
    %add3A_318 = vector.broadcast %add3A_317 : i32 to vector<16xi32>
    %add3A_319 = arith.addi %add3A_318, %iota3A : vector<16xi32>
    %mul3A_320 = arith.constant 4 : i32
    %mul3A_321 = vector.broadcast %mul3A_320 : i32 to vector<16xi32>
    %mul3A_322 = arith.muli %add3A_319, %mul3A_321 : vector<16xi32>
    %gather3A_323 = tpu.vector_load_idx %arg6[%mul3A_322] : memref<1280xf32, #tpu.memory_space<vmem>>[vector<16xi32>], vector<16xf32>,
    %add3A_324 = arith.constant 1 : i32
    %add3A_325 = vector.broadcast %add3A_324 : i32 to vector<16xi32>
    %add3A_326 = arith.addi %mul3A_322, %add3A_325 : vector<16xi32>
    %gather3A_327 = tpu.vector_load_idx %arg6[%add3A_326] : memref<1280xf32, #tpu.memory_space<vmem>>[vector<16xi32>], vector<16xf32>,
    %add3A_328 = arith.constant 2 : i32
    %add3A_329 = vector.broadcast %add3A_328 : i32 to vector<16xi32>
    %add3A_330 = arith.addi %mul3A_322, %add3A_329 : vector<16xi32>
    %gather3A_331 = tpu.vector_load_idx %arg6[%add3A_330] : memref<1280xf32, #tpu.memory_space<vmem>>[vector<16xi32>], vector<16xf32>,
    %add3A_332 = arith.constant 3 : i32
    %add3A_333 = vector.broadcast %add3A_332 : i32 to vector<16xi32>
    %add3A_334 = arith.addi %mul3A_322, %add3A_333 : vector<16xi32>
    %gather3A_335 = tpu.vector_load_idx %arg6[%add3A_334] : memref<1280xf32, #tpu.memory_space<vmem>>[vector<16xi32>], vector<16xf32>,
    %swap3A_336 = arith.constant 112 : index
    %swap3A_337 = tpu.vector_load %arg7[%swap3A_336] {strides = array<i32>} : memref<320xf32, #tpu.memory_space<vmem>>, vector<16xf32>,
    tpu.vector_store %arg7[%swap3A_336], %gather3A_323 {strides = array<i32>} : memref<320xf32, #tpu.memory_space<vmem>>, vector<16xf32>,
    %swap3A_338 = arith.constant 112 : index
    %swap3A_339 = tpu.vector_load %arg8[%swap3A_338] {strides = array<i32>} : memref<320xf32, #tpu.memory_space<vmem>>, vector<16xf32>,
    tpu.vector_store %arg8[%swap3A_338], %gather3A_327 {strides = array<i32>} : memref<320xf32, #tpu.memory_space<vmem>>, vector<16xf32>,
    %swap3A_340 = arith.constant 112 : index
    %swap3A_341 = tpu.vector_load %arg9[%swap3A_340] {strides = array<i32>} : memref<320xf32, #tpu.memory_space<vmem>>, vector<16xf32>,
    tpu.vector_store %arg9[%swap3A_340], %gather3A_331 {strides = array<i32>} : memref<320xf32, #tpu.memory_space<vmem>>, vector<16xf32>,
    %swap3A_342 = arith.constant 112 : index
    %swap3A_343 = tpu.vector_load %arg10[%swap3A_342] {strides = array<i32>} : memref<320xf32, #tpu.memory_space<vmem>>, vector<16xf32>,
    tpu.vector_store %arg10[%swap3A_342], %gather3A_335 {strides = array<i32>} : memref<320xf32, #tpu.memory_space<vmem>>, vector<16xf32>,
    %sub3A_344 = arith.subf %gather3A_331, %gather3A_323 : vector<16xf32>
    %max3A_345 = arith.constant 0.000000e+00 : f32
    %max3A_346 = vector.broadcast %max3A_345 : f32 to vector<16xf32>
    %max3A_347 = arith.maximumf %sub3A_344, %max3A_346 : vector<16xf32>
    %sub3A_348 = arith.subf %gather3A_335, %gather3A_327 : vector<16xf32>
    %max3A_349 = arith.constant 0.000000e+00 : f32
    %max3A_350 = vector.broadcast %max3A_349 : f32 to vector<16xf32>
    %max3A_351 = arith.maximumf %sub3A_348, %max3A_350 : vector<16xf32>
    %mul3A_352 = arith.mulf %max3A_347, %max3A_351 : vector<16xf32>
    %swap3A_353 = arith.constant 112 : index
    %swap3A_354 = tpu.vector_load %arg12[%swap3A_353] {strides = array<i32>} : memref<320xf32, #tpu.memory_space<vmem>>, vector<16xf32>,
    tpu.vector_store %arg12[%swap3A_353], %mul3A_352 {strides = array<i32>} : memref<320xf32, #tpu.memory_space<vmem>>, vector<16xf32>,
    %get3A_355 = arith.constant 112 : index
    %get3A_356 = tpu.vector_load %arg11[%get3A_355] {strides = array<i32>} : memref<320xf32, #tpu.memory_space<vmem>>, vector<16xf32>,
    %gt3A_357 = arith.cmpf ogt, %get3A_356, %select_n3A_312 : vector<16xf32>
    %select_n3A_358 = arith.select %gt3A_357, %get3A_356, %select_n3A_312 : vector<16xi1>, vector<16xf32>
    %add3A_359 = arith.constant 112 : i32
    %add3A_360 = vector.broadcast %add3A_359 : i32 to vector<16xi32>
    %add3A_361 = arith.addi %add3A_5, %add3A_360 : vector<16xi32>
    %select_n3A_362 = arith.select %gt3A_357, %add3A_361, %select_n3A_316 : vector<16xi1>, vector<16xi32>
    %add3A_363 = arith.constant 128 : i32
    %add3A_364 = vector.broadcast %add3A_363 : i32 to vector<16xi32>
    %add3A_365 = arith.addi %add3A_364, %iota3A : vector<16xi32>
    %mul3A_366 = arith.constant 4 : i32
    %mul3A_367 = vector.broadcast %mul3A_366 : i32 to vector<16xi32>
    %mul3A_368 = arith.muli %add3A_365, %mul3A_367 : vector<16xi32>
    %gather3A_369 = tpu.vector_load_idx %arg6[%mul3A_368] : memref<1280xf32, #tpu.memory_space<vmem>>[vector<16xi32>], vector<16xf32>,
    %add3A_370 = arith.constant 1 : i32
    %add3A_371 = vector.broadcast %add3A_370 : i32 to vector<16xi32>
    %add3A_372 = arith.addi %mul3A_368, %add3A_371 : vector<16xi32>
    %gather3A_373 = tpu.vector_load_idx %arg6[%add3A_372] : memref<1280xf32, #tpu.memory_space<vmem>>[vector<16xi32>], vector<16xf32>,
    %add3A_374 = arith.constant 2 : i32
    %add3A_375 = vector.broadcast %add3A_374 : i32 to vector<16xi32>
    %add3A_376 = arith.addi %mul3A_368, %add3A_375 : vector<16xi32>
    %gather3A_377 = tpu.vector_load_idx %arg6[%add3A_376] : memref<1280xf32, #tpu.memory_space<vmem>>[vector<16xi32>], vector<16xf32>,
    %add3A_378 = arith.constant 3 : i32
    %add3A_379 = vector.broadcast %add3A_378 : i32 to vector<16xi32>
    %add3A_380 = arith.addi %mul3A_368, %add3A_379 : vector<16xi32>
    %gather3A_381 = tpu.vector_load_idx %arg6[%add3A_380] : memref<1280xf32, #tpu.memory_space<vmem>>[vector<16xi32>], vector<16xf32>,
    %swap3A_382 = arith.constant 128 : index
    %swap3A_383 = tpu.vector_load %arg7[%swap3A_382] {strides = array<i32>} : memref<320xf32, #tpu.memory_space<vmem>>, vector<16xf32>,
    tpu.vector_store %arg7[%swap3A_382], %gather3A_369 {strides = array<i32>} : memref<320xf32, #tpu.memory_space<vmem>>, vector<16xf32>,
    %swap3A_384 = arith.constant 128 : index
    %swap3A_385 = tpu.vector_load %arg8[%swap3A_384] {strides = array<i32>} : memref<320xf32, #tpu.memory_space<vmem>>, vector<16xf32>,
    tpu.vector_store %arg8[%swap3A_384], %gather3A_373 {strides = array<i32>} : memref<320xf32, #tpu.memory_space<vmem>>, vector<16xf32>,
    %swap3A_386 = arith.constant 128 : index
    %swap3A_387 = tpu.vector_load %arg9[%swap3A_386] {strides = array<i32>} : memref<320xf32, #tpu.memory_space<vmem>>, vector<16xf32>,
    tpu.vector_store %arg9[%swap3A_386], %gather3A_377 {strides = array<i32>} : memref<320xf32, #tpu.memory_space<vmem>>, vector<16xf32>,
    %swap3A_388 = arith.constant 128 : index
    %swap3A_389 = tpu.vector_load %arg10[%swap3A_388] {strides = array<i32>} : memref<320xf32, #tpu.memory_space<vmem>>, vector<16xf32>,
    tpu.vector_store %arg10[%swap3A_388], %gather3A_381 {strides = array<i32>} : memref<320xf32, #tpu.memory_space<vmem>>, vector<16xf32>,
    %sub3A_390 = arith.subf %gather3A_377, %gather3A_369 : vector<16xf32>
    %max3A_391 = arith.constant 0.000000e+00 : f32
    %max3A_392 = vector.broadcast %max3A_391 : f32 to vector<16xf32>
    %max3A_393 = arith.maximumf %sub3A_390, %max3A_392 : vector<16xf32>
    %sub3A_394 = arith.subf %gather3A_381, %gather3A_373 : vector<16xf32>
    %max3A_395 = arith.constant 0.000000e+00 : f32
    %max3A_396 = vector.broadcast %max3A_395 : f32 to vector<16xf32>
    %max3A_397 = arith.maximumf %sub3A_394, %max3A_396 : vector<16xf32>
    %mul3A_398 = arith.mulf %max3A_393, %max3A_397 : vector<16xf32>
    %swap3A_399 = arith.constant 128 : index
    %swap3A_400 = tpu.vector_load %arg12[%swap3A_399] {strides = array<i32>} : memref<320xf32, #tpu.memory_space<vmem>>, vector<16xf32>,
    tpu.vector_store %arg12[%swap3A_399], %mul3A_398 {strides = array<i32>} : memref<320xf32, #tpu.memory_space<vmem>>, vector<16xf32>,
    %get3A_401 = arith.constant 128 : index
    %get3A_402 = tpu.vector_load %arg11[%get3A_401] {strides = array<i32>} : memref<320xf32, #tpu.memory_space<vmem>>, vector<16xf32>,
    %gt3A_403 = arith.cmpf ogt, %get3A_402, %select_n3A_358 : vector<16xf32>
    %select_n3A_404 = arith.select %gt3A_403, %get3A_402, %select_n3A_358 : vector<16xi1>, vector<16xf32>
    %add3A_405 = arith.constant 128 : i32
    %add3A_406 = vector.broadcast %add3A_405 : i32 to vector<16xi32>
    %add3A_407 = arith.addi %add3A_5, %add3A_406 : vector<16xi32>
    %select_n3A_408 = arith.select %gt3A_403, %add3A_407, %select_n3A_362 : vector<16xi1>, vector<16xi32>
    %add3A_409 = arith.constant 144 : i32
    %add3A_410 = vector.broadcast %add3A_409 : i32 to vector<16xi32>
    %add3A_411 = arith.addi %add3A_410, %iota3A : vector<16xi32>
    %mul3A_412 = arith.constant 4 : i32
    %mul3A_413 = vector.broadcast %mul3A_412 : i32 to vector<16xi32>
    %mul3A_414 = arith.muli %add3A_411, %mul3A_413 : vector<16xi32>
    %gather3A_415 = tpu.vector_load_idx %arg6[%mul3A_414] : memref<1280xf32, #tpu.memory_space<vmem>>[vector<16xi32>], vector<16xf32>,
    %add3A_416 = arith.constant 1 : i32
    %add3A_417 = vector.broadcast %add3A_416 : i32 to vector<16xi32>
    %add3A_418 = arith.addi %mul3A_414, %add3A_417 : vector<16xi32>
    %gather3A_419 = tpu.vector_load_idx %arg6[%add3A_418] : memref<1280xf32, #tpu.memory_space<vmem>>[vector<16xi32>], vector<16xf32>,
    %add3A_420 = arith.constant 2 : i32
    %add3A_421 = vector.broadcast %add3A_420 : i32 to vector<16xi32>
    %add3A_422 = arith.addi %mul3A_414, %add3A_421 : vector<16xi32>
    %gather3A_423 = tpu.vector_load_idx %arg6[%add3A_422] : memref<1280xf32, #tpu.memory_space<vmem>>[vector<16xi32>], vector<16xf32>,
    %add3A_424 = arith.constant 3 : i32
    %add3A_425 = vector.broadcast %add3A_424 : i32 to vector<16xi32>
    %add3A_426 = arith.addi %mul3A_414, %add3A_425 : vector<16xi32>
    %gather3A_427 = tpu.vector_load_idx %arg6[%add3A_426] : memref<1280xf32, #tpu.memory_space<vmem>>[vector<16xi32>], vector<16xf32>,
    %swap3A_428 = arith.constant 144 : index
    %swap3A_429 = tpu.vector_load %arg7[%swap3A_428] {strides = array<i32>} : memref<320xf32, #tpu.memory_space<vmem>>, vector<16xf32>,
    tpu.vector_store %arg7[%swap3A_428], %gather3A_415 {strides = array<i32>} : memref<320xf32, #tpu.memory_space<vmem>>, vector<16xf32>,
    %swap3A_430 = arith.constant 144 : index
    %swap3A_431 = tpu.vector_load %arg8[%swap3A_430] {strides = array<i32>} : memref<320xf32, #tpu.memory_space<vmem>>, vector<16xf32>,
    tpu.vector_store %arg8[%swap3A_430], %gather3A_419 {strides = array<i32>} : memref<320xf32, #tpu.memory_space<vmem>>, vector<16xf32>,
    %swap3A_432 = arith.constant 144 : index
    %swap3A_433 = tpu.vector_load %arg9[%swap3A_432] {strides = array<i32>} : memref<320xf32, #tpu.memory_space<vmem>>, vector<16xf32>,
    tpu.vector_store %arg9[%swap3A_432], %gather3A_423 {strides = array<i32>} : memref<320xf32, #tpu.memory_space<vmem>>, vector<16xf32>,
    %swap3A_434 = arith.constant 144 : index
    %swap3A_435 = tpu.vector_load %arg10[%swap3A_434] {strides = array<i32>} : memref<320xf32, #tpu.memory_space<vmem>>, vector<16xf32>,
    tpu.vector_store %arg10[%swap3A_434], %gather3A_427 {strides = array<i32>} : memref<320xf32, #tpu.memory_space<vmem>>, vector<16xf32>,
    %sub3A_436 = arith.subf %gather3A_423, %gather3A_415 : vector<16xf32>
    %max3A_437 = arith.constant 0.000000e+00 : f32
    %max3A_438 = vector.broadcast %max3A_437 : f32 to vector<16xf32>
    %max3A_439 = arith.maximumf %sub3A_436, %max3A_438 : vector<16xf32>
    %sub3A_440 = arith.subf %gather3A_427, %gather3A_419 : vector<16xf32>
    %max3A_441 = arith.constant 0.000000e+00 : f32
    %max3A_442 = vector.broadcast %max3A_441 : f32 to vector<16xf32>
    %max3A_443 = arith.maximumf %sub3A_440, %max3A_442 : vector<16xf32>
    %mul3A_444 = arith.mulf %max3A_439, %max3A_443 : vector<16xf32>
    %swap3A_445 = arith.constant 144 : index
    %swap3A_446 = tpu.vector_load %arg12[%swap3A_445] {strides = array<i32>} : memref<320xf32, #tpu.memory_space<vmem>>, vector<16xf32>,
    tpu.vector_store %arg12[%swap3A_445], %mul3A_444 {strides = array<i32>} : memref<320xf32, #tpu.memory_space<vmem>>, vector<16xf32>,
    %get3A_447 = arith.constant 144 : index
    %get3A_448 = tpu.vector_load %arg11[%get3A_447] {strides = array<i32>} : memref<320xf32, #tpu.memory_space<vmem>>, vector<16xf32>,
    %gt3A_449 = arith.cmpf ogt, %get3A_448, %select_n3A_404 : vector<16xf32>
    %select_n3A_450 = arith.select %gt3A_449, %get3A_448, %select_n3A_404 : vector<16xi1>, vector<16xf32>
    %add3A_451 = arith.constant 144 : i32
    %add3A_452 = vector.broadcast %add3A_451 : i32 to vector<16xi32>
    %add3A_453 = arith.addi %add3A_5, %add3A_452 : vector<16xi32>
    %select_n3A_454 = arith.select %gt3A_449, %add3A_453, %select_n3A_408 : vector<16xi1>, vector<16xi32>
    %add3A_455 = arith.constant 160 : i32
    %add3A_456 = vector.broadcast %add3A_455 : i32 to vector<16xi32>
    %add3A_457 = arith.addi %add3A_456, %iota3A : vector<16xi32>
    %mul3A_458 = arith.constant 4 : i32
    %mul3A_459 = vector.broadcast %mul3A_458 : i32 to vector<16xi32>
    %mul3A_460 = arith.muli %add3A_457, %mul3A_459 : vector<16xi32>
    %gather3A_461 = tpu.vector_load_idx %arg6[%mul3A_460] : memref<1280xf32, #tpu.memory_space<vmem>>[vector<16xi32>], vector<16xf32>,
    %add3A_462 = arith.constant 1 : i32
    %add3A_463 = vector.broadcast %add3A_462 : i32 to vector<16xi32>
    %add3A_464 = arith.addi %mul3A_460, %add3A_463 : vector<16xi32>
    %gather3A_465 = tpu.vector_load_idx %arg6[%add3A_464] : memref<1280xf32, #tpu.memory_space<vmem>>[vector<16xi32>], vector<16xf32>,
    %add3A_466 = arith.constant 2 : i32
    %add3A_467 = vector.broadcast %add3A_466 : i32 to vector<16xi32>
    %add3A_468 = arith.addi %mul3A_460, %add3A_467 : vector<16xi32>
    %gather3A_469 = tpu.vector_load_idx %arg6[%add3A_468] : memref<1280xf32, #tpu.memory_space<vmem>>[vector<16xi32>], vector<16xf32>,
    %add3A_470 = arith.constant 3 : i32
    %add3A_471 = vector.broadcast %add3A_470 : i32 to vector<16xi32>
    %add3A_472 = arith.addi %mul3A_460, %add3A_471 : vector<16xi32>
    %gather3A_473 = tpu.vector_load_idx %arg6[%add3A_472] : memref<1280xf32, #tpu.memory_space<vmem>>[vector<16xi32>], vector<16xf32>,
    %swap3A_474 = arith.constant 160 : index
    %swap3A_475 = tpu.vector_load %arg7[%swap3A_474] {strides = array<i32>} : memref<320xf32, #tpu.memory_space<vmem>>, vector<16xf32>,
    tpu.vector_store %arg7[%swap3A_474], %gather3A_461 {strides = array<i32>} : memref<320xf32, #tpu.memory_space<vmem>>, vector<16xf32>,
    %swap3A_476 = arith.constant 160 : index
    %swap3A_477 = tpu.vector_load %arg8[%swap3A_476] {strides = array<i32>} : memref<320xf32, #tpu.memory_space<vmem>>, vector<16xf32>,
    tpu.vector_store %arg8[%swap3A_476], %gather3A_465 {strides = array<i32>} : memref<320xf32, #tpu.memory_space<vmem>>, vector<16xf32>,
    %swap3A_478 = arith.constant 160 : index
    %swap3A_479 = tpu.vector_load %arg9[%swap3A_478] {strides = array<i32>} : memref<320xf32, #tpu.memory_space<vmem>>, vector<16xf32>,
    tpu.vector_store %arg9[%swap3A_478], %gather3A_469 {strides = array<i32>} : memref<320xf32, #tpu.memory_space<vmem>>, vector<16xf32>,
    %swap3A_480 = arith.constant 160 : index
    %swap3A_481 = tpu.vector_load %arg10[%swap3A_480] {strides = array<i32>} : memref<320xf32, #tpu.memory_space<vmem>>, vector<16xf32>,
    tpu.vector_store %arg10[%swap3A_480], %gather3A_473 {strides = array<i32>} : memref<320xf32, #tpu.memory_space<vmem>>, vector<16xf32>,
    %sub3A_482 = arith.subf %gather3A_469, %gather3A_461 : vector<16xf32>
    %max3A_483 = arith.constant 0.000000e+00 : f32
    %max3A_484 = vector.broadcast %max3A_483 : f32 to vector<16xf32>
    %max3A_485 = arith.maximumf %sub3A_482, %max3A_484 : vector<16xf32>
    %sub3A_486 = arith.subf %gather3A_473, %gather3A_465 : vector<16xf32>
    %max3A_487 = arith.constant 0.000000e+00 : f32
    %max3A_488 = vector.broadcast %max3A_487 : f32 to vector<16xf32>
    %max3A_489 = arith.maximumf %sub3A_486, %max3A_488 : vector<16xf32>
    %mul3A_490 = arith.mulf %max3A_485, %max3A_489 : vector<16xf32>
    %swap3A_491 = arith.constant 160 : index
    %swap3A_492 = tpu.vector_load %arg12[%swap3A_491] {strides = array<i32>} : memref<320xf32, #tpu.memory_space<vmem>>, vector<16xf32>,
    tpu.vector_store %arg12[%swap3A_491], %mul3A_490 {strides = array<i32>} : memref<320xf32, #tpu.memory_space<vmem>>, vector<16xf32>,
    %get3A_493 = arith.constant 160 : index
    %get3A_494 = tpu.vector_load %arg11[%get3A_493] {strides = array<i32>} : memref<320xf32, #tpu.memory_space<vmem>>, vector<16xf32>,
    %gt3A_495 = arith.cmpf ogt, %get3A_494, %select_n3A_450 : vector<16xf32>
    %select_n3A_496 = arith.select %gt3A_495, %get3A_494, %select_n3A_450 : vector<16xi1>, vector<16xf32>
    %add3A_497 = arith.constant 160 : i32
    %add3A_498 = vector.broadcast %add3A_497 : i32 to vector<16xi32>
    %add3A_499 = arith.addi %add3A_5, %add3A_498 : vector<16xi32>
    %select_n3A_500 = arith.select %gt3A_495, %add3A_499, %select_n3A_454 : vector<16xi1>, vector<16xi32>
    %add3A_501 = arith.constant 176 : i32
    %add3A_502 = vector.broadcast %add3A_501 : i32 to vector<16xi32>
    %add3A_503 = arith.addi %add3A_502, %iota3A : vector<16xi32>
    %mul3A_504 = arith.constant 4 : i32
    %mul3A_505 = vector.broadcast %mul3A_504 : i32 to vector<16xi32>
    %mul3A_506 = arith.muli %add3A_503, %mul3A_505 : vector<16xi32>
    %gather3A_507 = tpu.vector_load_idx %arg6[%mul3A_506] : memref<1280xf32, #tpu.memory_space<vmem>>[vector<16xi32>], vector<16xf32>,
    %add3A_508 = arith.constant 1 : i32
    %add3A_509 = vector.broadcast %add3A_508 : i32 to vector<16xi32>
    %add3A_510 = arith.addi %mul3A_506, %add3A_509 : vector<16xi32>
    %gather3A_511 = tpu.vector_load_idx %arg6[%add3A_510] : memref<1280xf32, #tpu.memory_space<vmem>>[vector<16xi32>], vector<16xf32>,
    %add3A_512 = arith.constant 2 : i32
    %add3A_513 = vector.broadcast %add3A_512 : i32 to vector<16xi32>
    %add3A_514 = arith.addi %mul3A_506, %add3A_513 : vector<16xi32>
    %gather3A_515 = tpu.vector_load_idx %arg6[%add3A_514] : memref<1280xf32, #tpu.memory_space<vmem>>[vector<16xi32>], vector<16xf32>,
    %add3A_516 = arith.constant 3 : i32
    %add3A_517 = vector.broadcast %add3A_516 : i32 to vector<16xi32>
    %add3A_518 = arith.addi %mul3A_506, %add3A_517 : vector<16xi32>
    %gather3A_519 = tpu.vector_load_idx %arg6[%add3A_518] : memref<1280xf32, #tpu.memory_space<vmem>>[vector<16xi32>], vector<16xf32>,
    %swap3A_520 = arith.constant 176 : index
    %swap3A_521 = tpu.vector_load %arg7[%swap3A_520] {strides = array<i32>} : memref<320xf32, #tpu.memory_space<vmem>>, vector<16xf32>,
    tpu.vector_store %arg7[%swap3A_520], %gather3A_507 {strides = array<i32>} : memref<320xf32, #tpu.memory_space<vmem>>, vector<16xf32>,
    %swap3A_522 = arith.constant 176 : index
    %swap3A_523 = tpu.vector_load %arg8[%swap3A_522] {strides = array<i32>} : memref<320xf32, #tpu.memory_space<vmem>>, vector<16xf32>,
    tpu.vector_store %arg8[%swap3A_522], %gather3A_511 {strides = array<i32>} : memref<320xf32, #tpu.memory_space<vmem>>, vector<16xf32>,
    %swap3A_524 = arith.constant 176 : index
    %swap3A_525 = tpu.vector_load %arg9[%swap3A_524] {strides = array<i32>} : memref<320xf32, #tpu.memory_space<vmem>>, vector<16xf32>,
    tpu.vector_store %arg9[%swap3A_524], %gather3A_515 {strides = array<i32>} : memref<320xf32, #tpu.memory_space<vmem>>, vector<16xf32>,
    %swap3A_526 = arith.constant 176 : index
    %swap3A_527 = tpu.vector_load %arg10[%swap3A_526] {strides = array<i32>} : memref<320xf32, #tpu.memory_space<vmem>>, vector<16xf32>,
    tpu.vector_store %arg10[%swap3A_526], %gather3A_519 {strides = array<i32>} : memref<320xf32, #tpu.memory_space<vmem>>, vector<16xf32>,
    %sub3A_528 = arith.subf %gather3A_515, %gather3A_507 : vector<16xf32>
    %max3A_529 = arith.constant 0.000000e+00 : f32
    %max3A_530 = vector.broadcast %max3A_529 : f32 to vector<16xf32>
    %max3A_531 = arith.maximumf %sub3A_528, %max3A_530 : vector<16xf32>
    %sub3A_532 = arith.subf %gather3A_519, %gather3A_511 : vector<16xf32>
    %max3A_533 = arith.constant 0.000000e+00 : f32
    %max3A_534 = vector.broadcast %max3A_533 : f32 to vector<16xf32>
    %max3A_535 = arith.maximumf %sub3A_532, %max3A_534 : vector<16xf32>
    %mul3A_536 = arith.mulf %max3A_531, %max3A_535 : vector<16xf32>
    %swap3A_537 = arith.constant 176 : index
    %swap3A_538 = tpu.vector_load %arg12[%swap3A_537] {strides = array<i32>} : memref<320xf32, #tpu.memory_space<vmem>>, vector<16xf32>,
    tpu.vector_store %arg12[%swap3A_537], %mul3A_536 {strides = array<i32>} : memref<320xf32, #tpu.memory_space<vmem>>, vector<16xf32>,
    %get3A_539 = arith.constant 176 : index
    %get3A_540 = tpu.vector_load %arg11[%get3A_539] {strides = array<i32>} : memref<320xf32, #tpu.memory_space<vmem>>, vector<16xf32>,
    %gt3A_541 = arith.cmpf ogt, %get3A_540, %select_n3A_496 : vector<16xf32>
    %select_n3A_542 = arith.select %gt3A_541, %get3A_540, %select_n3A_496 : vector<16xi1>, vector<16xf32>
    %add3A_543 = arith.constant 176 : i32
    %add3A_544 = vector.broadcast %add3A_543 : i32 to vector<16xi32>
    %add3A_545 = arith.addi %add3A_5, %add3A_544 : vector<16xi32>
    %select_n3A_546 = arith.select %gt3A_541, %add3A_545, %select_n3A_500 : vector<16xi1>, vector<16xi32>
    %add3A_547 = arith.constant 192 : i32
    %add3A_548 = vector.broadcast %add3A_547 : i32 to vector<16xi32>
    %add3A_549 = arith.addi %add3A_548, %iota3A : vector<16xi32>
    %mul3A_550 = arith.constant 4 : i32
    %mul3A_551 = vector.broadcast %mul3A_550 : i32 to vector<16xi32>
    %mul3A_552 = arith.muli %add3A_549, %mul3A_551 : vector<16xi32>
    %gather3A_553 = tpu.vector_load_idx %arg6[%mul3A_552] : memref<1280xf32, #tpu.memory_space<vmem>>[vector<16xi32>], vector<16xf32>,
    %add3A_554 = arith.constant 1 : i32
    %add3A_555 = vector.broadcast %add3A_554 : i32 to vector<16xi32>
    %add3A_556 = arith.addi %mul3A_552, %add3A_555 : vector<16xi32>
    %gather3A_557 = tpu.vector_load_idx %arg6[%add3A_556] : memref<1280xf32, #tpu.memory_space<vmem>>[vector<16xi32>], vector<16xf32>,
    %add3A_558 = arith.constant 2 : i32
    %add3A_559 = vector.broadcast %add3A_558 : i32 to vector<16xi32>
    %add3A_560 = arith.addi %mul3A_552, %add3A_559 : vector<16xi32>
    %gather3A_561 = tpu.vector_load_idx %arg6[%add3A_560] : memref<1280xf32, #tpu.memory_space<vmem>>[vector<16xi32>], vector<16xf32>,
    %add3A_562 = arith.constant 3 : i32
    %add3A_563 = vector.broadcast %add3A_562 : i32 to vector<16xi32>
    %add3A_564 = arith.addi %mul3A_552, %add3A_563 : vector<16xi32>
    %gather3A_565 = tpu.vector_load_idx %arg6[%add3A_564] : memref<1280xf32, #tpu.memory_space<vmem>>[vector<16xi32>], vector<16xf32>,
    %swap3A_566 = arith.constant 192 : index
    %swap3A_567 = tpu.vector_load %arg7[%swap3A_566] {strides = array<i32>} : memref<320xf32, #tpu.memory_space<vmem>>, vector<16xf32>,
    tpu.vector_store %arg7[%swap3A_566], %gather3A_553 {strides = array<i32>} : memref<320xf32, #tpu.memory_space<vmem>>, vector<16xf32>,
    %swap3A_568 = arith.constant 192 : index
    %swap3A_569 = tpu.vector_load %arg8[%swap3A_568] {strides = array<i32>} : memref<320xf32, #tpu.memory_space<vmem>>, vector<16xf32>,
    tpu.vector_store %arg8[%swap3A_568], %gather3A_557 {strides = array<i32>} : memref<320xf32, #tpu.memory_space<vmem>>, vector<16xf32>,
    %swap3A_570 = arith.constant 192 : index
    %swap3A_571 = tpu.vector_load %arg9[%swap3A_570] {strides = array<i32>} : memref<320xf32, #tpu.memory_space<vmem>>, vector<16xf32>,
    tpu.vector_store %arg9[%swap3A_570], %gather3A_561 {strides = array<i32>} : memref<320xf32, #tpu.memory_space<vmem>>, vector<16xf32>,
    %swap3A_572 = arith.constant 192 : index
    %swap3A_573 = tpu.vector_load %arg10[%swap3A_572] {strides = array<i32>} : memref<320xf32, #tpu.memory_space<vmem>>, vector<16xf32>,
    tpu.vector_store %arg10[%swap3A_572], %gather3A_565 {strides = array<i32>} : memref<320xf32, #tpu.memory_space<vmem>>, vector<16xf32>,
    %sub3A_574 = arith.subf %gather3A_561, %gather3A_553 : vector<16xf32>
    %max3A_575 = arith.constant 0.000000e+00 : f32
    %max3A_576 = vector.broadcast %max3A_575 : f32 to vector<16xf32>
    %max3A_577 = arith.maximumf %sub3A_574, %max3A_576 : vector<16xf32>
    %sub3A_578 = arith.subf %gather3A_565, %gather3A_557 : vector<16xf32>
    %max3A_579 = arith.constant 0.000000e+00 : f32
    %max3A_580 = vector.broadcast %max3A_579 : f32 to vector<16xf32>
    %max3A_581 = arith.maximumf %sub3A_578, %max3A_580 : vector<16xf32>
    %mul3A_582 = arith.mulf %max3A_577, %max3A_581 : vector<16xf32>
    %swap3A_583 = arith.constant 192 : index
    %swap3A_584 = tpu.vector_load %arg12[%swap3A_583] {strides = array<i32>} : memref<320xf32, #tpu.memory_space<vmem>>, vector<16xf32>,
    tpu.vector_store %arg12[%swap3A_583], %mul3A_582 {strides = array<i32>} : memref<320xf32, #tpu.memory_space<vmem>>, vector<16xf32>,
    %get3A_585 = arith.constant 192 : index
    %get3A_586 = tpu.vector_load %arg11[%get3A_585] {strides = array<i32>} : memref<320xf32, #tpu.memory_space<vmem>>, vector<16xf32>,
    %gt3A_587 = arith.cmpf ogt, %get3A_586, %select_n3A_542 : vector<16xf32>
    %select_n3A_588 = arith.select %gt3A_587, %get3A_586, %select_n3A_542 : vector<16xi1>, vector<16xf32>
    %add3A_589 = arith.constant 192 : i32
    %add3A_590 = vector.broadcast %add3A_589 : i32 to vector<16xi32>
    %add3A_591 = arith.addi %add3A_5, %add3A_590 : vector<16xi32>
    %select_n3A_592 = arith.select %gt3A_587, %add3A_591, %select_n3A_546 : vector<16xi1>, vector<16xi32>
    %add3A_593 = arith.constant 208 : i32
    %add3A_594 = vector.broadcast %add3A_593 : i32 to vector<16xi32>
    %add3A_595 = arith.addi %add3A_594, %iota3A : vector<16xi32>
    %mul3A_596 = arith.constant 4 : i32
    %mul3A_597 = vector.broadcast %mul3A_596 : i32 to vector<16xi32>
    %mul3A_598 = arith.muli %add3A_595, %mul3A_597 : vector<16xi32>
    %gather3A_599 = tpu.vector_load_idx %arg6[%mul3A_598] : memref<1280xf32, #tpu.memory_space<vmem>>[vector<16xi32>], vector<16xf32>,
    %add3A_600 = arith.constant 1 : i32
    %add3A_601 = vector.broadcast %add3A_600 : i32 to vector<16xi32>
    %add3A_602 = arith.addi %mul3A_598, %add3A_601 : vector<16xi32>
    %gather3A_603 = tpu.vector_load_idx %arg6[%add3A_602] : memref<1280xf32, #tpu.memory_space<vmem>>[vector<16xi32>], vector<16xf32>,
    %add3A_604 = arith.constant 2 : i32
    %add3A_605 = vector.broadcast %add3A_604 : i32 to vector<16xi32>
    %add3A_606 = arith.addi %mul3A_598, %add3A_605 : vector<16xi32>
    %gather3A_607 = tpu.vector_load_idx %arg6[%add3A_606] : memref<1280xf32, #tpu.memory_space<vmem>>[vector<16xi32>], vector<16xf32>,
    %add3A_608 = arith.constant 3 : i32
    %add3A_609 = vector.broadcast %add3A_608 : i32 to vector<16xi32>
    %add3A_610 = arith.addi %mul3A_598, %add3A_609 : vector<16xi32>
    %gather3A_611 = tpu.vector_load_idx %arg6[%add3A_610] : memref<1280xf32, #tpu.memory_space<vmem>>[vector<16xi32>], vector<16xf32>,
    %swap3A_612 = arith.constant 208 : index
    %swap3A_613 = tpu.vector_load %arg7[%swap3A_612] {strides = array<i32>} : memref<320xf32, #tpu.memory_space<vmem>>, vector<16xf32>,
    tpu.vector_store %arg7[%swap3A_612], %gather3A_599 {strides = array<i32>} : memref<320xf32, #tpu.memory_space<vmem>>, vector<16xf32>,
    %swap3A_614 = arith.constant 208 : index
    %swap3A_615 = tpu.vector_load %arg8[%swap3A_614] {strides = array<i32>} : memref<320xf32, #tpu.memory_space<vmem>>, vector<16xf32>,
    tpu.vector_store %arg8[%swap3A_614], %gather3A_603 {strides = array<i32>} : memref<320xf32, #tpu.memory_space<vmem>>, vector<16xf32>,
    %swap3A_616 = arith.constant 208 : index
    %swap3A_617 = tpu.vector_load %arg9[%swap3A_616] {strides = array<i32>} : memref<320xf32, #tpu.memory_space<vmem>>, vector<16xf32>,
    tpu.vector_store %arg9[%swap3A_616], %gather3A_607 {strides = array<i32>} : memref<320xf32, #tpu.memory_space<vmem>>, vector<16xf32>,
    %swap3A_618 = arith.constant 208 : index
    %swap3A_619 = tpu.vector_load %arg10[%swap3A_618] {strides = array<i32>} : memref<320xf32, #tpu.memory_space<vmem>>, vector<16xf32>,
    tpu.vector_store %arg10[%swap3A_618], %gather3A_611 {strides = array<i32>} : memref<320xf32, #tpu.memory_space<vmem>>, vector<16xf32>,
    %sub3A_620 = arith.subf %gather3A_607, %gather3A_599 : vector<16xf32>
    %max3A_621 = arith.constant 0.000000e+00 : f32
    %max3A_622 = vector.broadcast %max3A_621 : f32 to vector<16xf32>
    %max3A_623 = arith.maximumf %sub3A_620, %max3A_622 : vector<16xf32>
    %sub3A_624 = arith.subf %gather3A_611, %gather3A_603 : vector<16xf32>
    %max3A_625 = arith.constant 0.000000e+00 : f32
    %max3A_626 = vector.broadcast %max3A_625 : f32 to vector<16xf32>
    %max3A_627 = arith.maximumf %sub3A_624, %max3A_626 : vector<16xf32>
    %mul3A_628 = arith.mulf %max3A_623, %max3A_627 : vector<16xf32>
    %swap3A_629 = arith.constant 208 : index
    %swap3A_630 = tpu.vector_load %arg12[%swap3A_629] {strides = array<i32>} : memref<320xf32, #tpu.memory_space<vmem>>, vector<16xf32>,
    tpu.vector_store %arg12[%swap3A_629], %mul3A_628 {strides = array<i32>} : memref<320xf32, #tpu.memory_space<vmem>>, vector<16xf32>,
    %get3A_631 = arith.constant 208 : index
    %get3A_632 = tpu.vector_load %arg11[%get3A_631] {strides = array<i32>} : memref<320xf32, #tpu.memory_space<vmem>>, vector<16xf32>,
    %gt3A_633 = arith.cmpf ogt, %get3A_632, %select_n3A_588 : vector<16xf32>
    %select_n3A_634 = arith.select %gt3A_633, %get3A_632, %select_n3A_588 : vector<16xi1>, vector<16xf32>
    %add3A_635 = arith.constant 208 : i32
    %add3A_636 = vector.broadcast %add3A_635 : i32 to vector<16xi32>
    %add3A_637 = arith.addi %add3A_5, %add3A_636 : vector<16xi32>
    %select_n3A_638 = arith.select %gt3A_633, %add3A_637, %select_n3A_592 : vector<16xi1>, vector<16xi32>
    %add3A_639 = arith.constant 224 : i32
    %add3A_640 = vector.broadcast %add3A_639 : i32 to vector<16xi32>
    %add3A_641 = arith.addi %add3A_640, %iota3A : vector<16xi32>
    %mul3A_642 = arith.constant 4 : i32
    %mul3A_643 = vector.broadcast %mul3A_642 : i32 to vector<16xi32>
    %mul3A_644 = arith.muli %add3A_641, %mul3A_643 : vector<16xi32>
    %gather3A_645 = tpu.vector_load_idx %arg6[%mul3A_644] : memref<1280xf32, #tpu.memory_space<vmem>>[vector<16xi32>], vector<16xf32>,
    %add3A_646 = arith.constant 1 : i32
    %add3A_647 = vector.broadcast %add3A_646 : i32 to vector<16xi32>
    %add3A_648 = arith.addi %mul3A_644, %add3A_647 : vector<16xi32>
    %gather3A_649 = tpu.vector_load_idx %arg6[%add3A_648] : memref<1280xf32, #tpu.memory_space<vmem>>[vector<16xi32>], vector<16xf32>,
    %add3A_650 = arith.constant 2 : i32
    %add3A_651 = vector.broadcast %add3A_650 : i32 to vector<16xi32>
    %add3A_652 = arith.addi %mul3A_644, %add3A_651 : vector<16xi32>
    %gather3A_653 = tpu.vector_load_idx %arg6[%add3A_652] : memref<1280xf32, #tpu.memory_space<vmem>>[vector<16xi32>], vector<16xf32>,
    %add3A_654 = arith.constant 3 : i32
    %add3A_655 = vector.broadcast %add3A_654 : i32 to vector<16xi32>
    %add3A_656 = arith.addi %mul3A_644, %add3A_655 : vector<16xi32>
    %gather3A_657 = tpu.vector_load_idx %arg6[%add3A_656] : memref<1280xf32, #tpu.memory_space<vmem>>[vector<16xi32>], vector<16xf32>,
    %swap3A_658 = arith.constant 224 : index
    %swap3A_659 = tpu.vector_load %arg7[%swap3A_658] {strides = array<i32>} : memref<320xf32, #tpu.memory_space<vmem>>, vector<16xf32>,
    tpu.vector_store %arg7[%swap3A_658], %gather3A_645 {strides = array<i32>} : memref<320xf32, #tpu.memory_space<vmem>>, vector<16xf32>,
    %swap3A_660 = arith.constant 224 : index
    %swap3A_661 = tpu.vector_load %arg8[%swap3A_660] {strides = array<i32>} : memref<320xf32, #tpu.memory_space<vmem>>, vector<16xf32>,
    tpu.vector_store %arg8[%swap3A_660], %gather3A_649 {strides = array<i32>} : memref<320xf32, #tpu.memory_space<vmem>>, vector<16xf32>,
    %swap3A_662 = arith.constant 224 : index
    %swap3A_663 = tpu.vector_load %arg9[%swap3A_662] {strides = array<i32>} : memref<320xf32, #tpu.memory_space<vmem>>, vector<16xf32>,
    tpu.vector_store %arg9[%swap3A_662], %gather3A_653 {strides = array<i32>} : memref<320xf32, #tpu.memory_space<vmem>>, vector<16xf32>,
    %swap3A_664 = arith.constant 224 : index
    %swap3A_665 = tpu.vector_load %arg10[%swap3A_664] {strides = array<i32>} : memref<320xf32, #tpu.memory_space<vmem>>, vector<16xf32>,
    tpu.vector_store %arg10[%swap3A_664], %gather3A_657 {strides = array<i32>} : memref<320xf32, #tpu.memory_space<vmem>>, vector<16xf32>,
    %sub3A_666 = arith.subf %gather3A_653, %gather3A_645 : vector<16xf32>
    %max3A_667 = arith.constant 0.000000e+00 : f32
    %max3A_668 = vector.broadcast %max3A_667 : f32 to vector<16xf32>
    %max3A_669 = arith.maximumf %sub3A_666, %max3A_668 : vector<16xf32>
    %sub3A_670 = arith.subf %gather3A_657, %gather3A_649 : vector<16xf32>
    %max3A_671 = arith.constant 0.000000e+00 : f32
    %max3A_672 = vector.broadcast %max3A_671 : f32 to vector<16xf32>
    %max3A_673 = arith.maximumf %sub3A_670, %max3A_672 : vector<16xf32>
    %mul3A_674 = arith.mulf %max3A_669, %max3A_673 : vector<16xf32>
    %swap3A_675 = arith.constant 224 : index
    %swap3A_676 = tpu.vector_load %arg12[%swap3A_675] {strides = array<i32>} : memref<320xf32, #tpu.memory_space<vmem>>, vector<16xf32>,
    tpu.vector_store %arg12[%swap3A_675], %mul3A_674 {strides = array<i32>} : memref<320xf32, #tpu.memory_space<vmem>>, vector<16xf32>,
    %get3A_677 = arith.constant 224 : index
    %get3A_678 = tpu.vector_load %arg11[%get3A_677] {strides = array<i32>} : memref<320xf32, #tpu.memory_space<vmem>>, vector<16xf32>,
    %gt3A_679 = arith.cmpf ogt, %get3A_678, %select_n3A_634 : vector<16xf32>
    %select_n3A_680 = arith.select %gt3A_679, %get3A_678, %select_n3A_634 : vector<16xi1>, vector<16xf32>
    %add3A_681 = arith.constant 224 : i32
    %add3A_682 = vector.broadcast %add3A_681 : i32 to vector<16xi32>
    %add3A_683 = arith.addi %add3A_5, %add3A_682 : vector<16xi32>
    %select_n3A_684 = arith.select %gt3A_679, %add3A_683, %select_n3A_638 : vector<16xi1>, vector<16xi32>
    %add3A_685 = arith.constant 240 : i32
    %add3A_686 = vector.broadcast %add3A_685 : i32 to vector<16xi32>
    %add3A_687 = arith.addi %add3A_686, %iota3A : vector<16xi32>
    %mul3A_688 = arith.constant 4 : i32
    %mul3A_689 = vector.broadcast %mul3A_688 : i32 to vector<16xi32>
    %mul3A_690 = arith.muli %add3A_687, %mul3A_689 : vector<16xi32>
    %gather3A_691 = tpu.vector_load_idx %arg6[%mul3A_690] : memref<1280xf32, #tpu.memory_space<vmem>>[vector<16xi32>], vector<16xf32>,
    %add3A_692 = arith.constant 1 : i32
    %add3A_693 = vector.broadcast %add3A_692 : i32 to vector<16xi32>
    %add3A_694 = arith.addi %mul3A_690, %add3A_693 : vector<16xi32>
    %gather3A_695 = tpu.vector_load_idx %arg6[%add3A_694] : memref<1280xf32, #tpu.memory_space<vmem>>[vector<16xi32>], vector<16xf32>,
    %add3A_696 = arith.constant 2 : i32
    %add3A_697 = vector.broadcast %add3A_696 : i32 to vector<16xi32>
    %add3A_698 = arith.addi %mul3A_690, %add3A_697 : vector<16xi32>
    %gather3A_699 = tpu.vector_load_idx %arg6[%add3A_698] : memref<1280xf32, #tpu.memory_space<vmem>>[vector<16xi32>], vector<16xf32>,
    %add3A_700 = arith.constant 3 : i32
    %add3A_701 = vector.broadcast %add3A_700 : i32 to vector<16xi32>
    %add3A_702 = arith.addi %mul3A_690, %add3A_701 : vector<16xi32>
    %gather3A_703 = tpu.vector_load_idx %arg6[%add3A_702] : memref<1280xf32, #tpu.memory_space<vmem>>[vector<16xi32>], vector<16xf32>,
    %swap3A_704 = arith.constant 240 : index
    %swap3A_705 = tpu.vector_load %arg7[%swap3A_704] {strides = array<i32>} : memref<320xf32, #tpu.memory_space<vmem>>, vector<16xf32>,
    tpu.vector_store %arg7[%swap3A_704], %gather3A_691 {strides = array<i32>} : memref<320xf32, #tpu.memory_space<vmem>>, vector<16xf32>,
    %swap3A_706 = arith.constant 240 : index
    %swap3A_707 = tpu.vector_load %arg8[%swap3A_706] {strides = array<i32>} : memref<320xf32, #tpu.memory_space<vmem>>, vector<16xf32>,
    tpu.vector_store %arg8[%swap3A_706], %gather3A_695 {strides = array<i32>} : memref<320xf32, #tpu.memory_space<vmem>>, vector<16xf32>,
    %swap3A_708 = arith.constant 240 : index
    %swap3A_709 = tpu.vector_load %arg9[%swap3A_708] {strides = array<i32>} : memref<320xf32, #tpu.memory_space<vmem>>, vector<16xf32>,
    tpu.vector_store %arg9[%swap3A_708], %gather3A_699 {strides = array<i32>} : memref<320xf32, #tpu.memory_space<vmem>>, vector<16xf32>,
    %swap3A_710 = arith.constant 240 : index
    %swap3A_711 = tpu.vector_load %arg10[%swap3A_710] {strides = array<i32>} : memref<320xf32, #tpu.memory_space<vmem>>, vector<16xf32>,
    tpu.vector_store %arg10[%swap3A_710], %gather3A_703 {strides = array<i32>} : memref<320xf32, #tpu.memory_space<vmem>>, vector<16xf32>,
    %sub3A_712 = arith.subf %gather3A_699, %gather3A_691 : vector<16xf32>
    %max3A_713 = arith.constant 0.000000e+00 : f32
    %max3A_714 = vector.broadcast %max3A_713 : f32 to vector<16xf32>
    %max3A_715 = arith.maximumf %sub3A_712, %max3A_714 : vector<16xf32>
    %sub3A_716 = arith.subf %gather3A_703, %gather3A_695 : vector<16xf32>
    %max3A_717 = arith.constant 0.000000e+00 : f32
    %max3A_718 = vector.broadcast %max3A_717 : f32 to vector<16xf32>
    %max3A_719 = arith.maximumf %sub3A_716, %max3A_718 : vector<16xf32>
    %mul3A_720 = arith.mulf %max3A_715, %max3A_719 : vector<16xf32>
    %swap3A_721 = arith.constant 240 : index
    %swap3A_722 = tpu.vector_load %arg12[%swap3A_721] {strides = array<i32>} : memref<320xf32, #tpu.memory_space<vmem>>, vector<16xf32>,
    tpu.vector_store %arg12[%swap3A_721], %mul3A_720 {strides = array<i32>} : memref<320xf32, #tpu.memory_space<vmem>>, vector<16xf32>,
    %get3A_723 = arith.constant 240 : index
    %get3A_724 = tpu.vector_load %arg11[%get3A_723] {strides = array<i32>} : memref<320xf32, #tpu.memory_space<vmem>>, vector<16xf32>,
    %gt3A_725 = arith.cmpf ogt, %get3A_724, %select_n3A_680 : vector<16xf32>
    %select_n3A_726 = arith.select %gt3A_725, %get3A_724, %select_n3A_680 : vector<16xi1>, vector<16xf32>
    %add3A_727 = arith.constant 240 : i32
    %add3A_728 = vector.broadcast %add3A_727 : i32 to vector<16xi32>
    %add3A_729 = arith.addi %add3A_5, %add3A_728 : vector<16xi32>
    %select_n3A_730 = arith.select %gt3A_725, %add3A_729, %select_n3A_684 : vector<16xi1>, vector<16xi32>
    %add3A_731 = arith.constant 256 : i32
    %add3A_732 = vector.broadcast %add3A_731 : i32 to vector<16xi32>
    %add3A_733 = arith.addi %add3A_732, %iota3A : vector<16xi32>
    %mul3A_734 = arith.constant 4 : i32
    %mul3A_735 = vector.broadcast %mul3A_734 : i32 to vector<16xi32>
    %mul3A_736 = arith.muli %add3A_733, %mul3A_735 : vector<16xi32>
    %gather3A_737 = tpu.vector_load_idx %arg6[%mul3A_736] : memref<1280xf32, #tpu.memory_space<vmem>>[vector<16xi32>], vector<16xf32>,
    %add3A_738 = arith.constant 1 : i32
    %add3A_739 = vector.broadcast %add3A_738 : i32 to vector<16xi32>
    %add3A_740 = arith.addi %mul3A_736, %add3A_739 : vector<16xi32>
    %gather3A_741 = tpu.vector_load_idx %arg6[%add3A_740] : memref<1280xf32, #tpu.memory_space<vmem>>[vector<16xi32>], vector<16xf32>,
    %add3A_742 = arith.constant 2 : i32
    %add3A_743 = vector.broadcast %add3A_742 : i32 to vector<16xi32>
    %add3A_744 = arith.addi %mul3A_736, %add3A_743 : vector<16xi32>
    %gather3A_745 = tpu.vector_load_idx %arg6[%add3A_744] : memref<1280xf32, #tpu.memory_space<vmem>>[vector<16xi32>], vector<16xf32>,
    %add3A_746 = arith.constant 3 : i32
    %add3A_747 = vector.broadcast %add3A_746 : i32 to vector<16xi32>
    %add3A_748 = arith.addi %mul3A_736, %add3A_747 : vector<16xi32>
    %gather3A_749 = tpu.vector_load_idx %arg6[%add3A_748] : memref<1280xf32, #tpu.memory_space<vmem>>[vector<16xi32>], vector<16xf32>,
    %swap3A_750 = arith.constant 256 : index
    %swap3A_751 = tpu.vector_load %arg7[%swap3A_750] {strides = array<i32>} : memref<320xf32, #tpu.memory_space<vmem>>, vector<16xf32>,
    tpu.vector_store %arg7[%swap3A_750], %gather3A_737 {strides = array<i32>} : memref<320xf32, #tpu.memory_space<vmem>>, vector<16xf32>,
    %swap3A_752 = arith.constant 256 : index
    %swap3A_753 = tpu.vector_load %arg8[%swap3A_752] {strides = array<i32>} : memref<320xf32, #tpu.memory_space<vmem>>, vector<16xf32>,
    tpu.vector_store %arg8[%swap3A_752], %gather3A_741 {strides = array<i32>} : memref<320xf32, #tpu.memory_space<vmem>>, vector<16xf32>,
    %swap3A_754 = arith.constant 256 : index
    %swap3A_755 = tpu.vector_load %arg9[%swap3A_754] {strides = array<i32>} : memref<320xf32, #tpu.memory_space<vmem>>, vector<16xf32>,
    tpu.vector_store %arg9[%swap3A_754], %gather3A_745 {strides = array<i32>} : memref<320xf32, #tpu.memory_space<vmem>>, vector<16xf32>,
    %swap3A_756 = arith.constant 256 : index
    %swap3A_757 = tpu.vector_load %arg10[%swap3A_756] {strides = array<i32>} : memref<320xf32, #tpu.memory_space<vmem>>, vector<16xf32>,
    tpu.vector_store %arg10[%swap3A_756], %gather3A_749 {strides = array<i32>} : memref<320xf32, #tpu.memory_space<vmem>>, vector<16xf32>,
    %sub3A_758 = arith.subf %gather3A_745, %gather3A_737 : vector<16xf32>
    %max3A_759 = arith.constant 0.000000e+00 : f32
    %max3A_760 = vector.broadcast %max3A_759 : f32 to vector<16xf32>
    %max3A_761 = arith.maximumf %sub3A_758, %max3A_760 : vector<16xf32>
    %sub3A_762 = arith.subf %gather3A_749, %gather3A_741 : vector<16xf32>
    %max3A_763 = arith.constant 0.000000e+00 : f32
    %max3A_764 = vector.broadcast %max3A_763 : f32 to vector<16xf32>
    %max3A_765 = arith.maximumf %sub3A_762, %max3A_764 : vector<16xf32>
    %mul3A_766 = arith.mulf %max3A_761, %max3A_765 : vector<16xf32>
    %swap3A_767 = arith.constant 256 : index
    %swap3A_768 = tpu.vector_load %arg12[%swap3A_767] {strides = array<i32>} : memref<320xf32, #tpu.memory_space<vmem>>, vector<16xf32>,
    tpu.vector_store %arg12[%swap3A_767], %mul3A_766 {strides = array<i32>} : memref<320xf32, #tpu.memory_space<vmem>>, vector<16xf32>,
    %get3A_769 = arith.constant 256 : index
    %get3A_770 = tpu.vector_load %arg11[%get3A_769] {strides = array<i32>} : memref<320xf32, #tpu.memory_space<vmem>>, vector<16xf32>,
    %gt3A_771 = arith.cmpf ogt, %get3A_770, %select_n3A_726 : vector<16xf32>
    %select_n3A_772 = arith.select %gt3A_771, %get3A_770, %select_n3A_726 : vector<16xi1>, vector<16xf32>
    %add3A_773 = arith.constant 256 : i32
    %add3A_774 = vector.broadcast %add3A_773 : i32 to vector<16xi32>
    %add3A_775 = arith.addi %add3A_5, %add3A_774 : vector<16xi32>
    %select_n3A_776 = arith.select %gt3A_771, %add3A_775, %select_n3A_730 : vector<16xi1>, vector<16xi32>
    %add3A_777 = arith.constant 272 : i32
    %add3A_778 = vector.broadcast %add3A_777 : i32 to vector<16xi32>
    %add3A_779 = arith.addi %add3A_778, %iota3A : vector<16xi32>
    %mul3A_780 = arith.constant 4 : i32
    %mul3A_781 = vector.broadcast %mul3A_780 : i32 to vector<16xi32>
    %mul3A_782 = arith.muli %add3A_779, %mul3A_781 : vector<16xi32>
    %gather3A_783 = tpu.vector_load_idx %arg6[%mul3A_782] : memref<1280xf32, #tpu.memory_space<vmem>>[vector<16xi32>], vector<16xf32>,
    %add3A_784 = arith.constant 1 : i32
    %add3A_785 = vector.broadcast %add3A_784 : i32 to vector<16xi32>
    %add3A_786 = arith.addi %mul3A_782, %add3A_785 : vector<16xi32>
    %gather3A_787 = tpu.vector_load_idx %arg6[%add3A_786] : memref<1280xf32, #tpu.memory_space<vmem>>[vector<16xi32>], vector<16xf32>,
    %add3A_788 = arith.constant 2 : i32
    %add3A_789 = vector.broadcast %add3A_788 : i32 to vector<16xi32>
    %add3A_790 = arith.addi %mul3A_782, %add3A_789 : vector<16xi32>
    %gather3A_791 = tpu.vector_load_idx %arg6[%add3A_790] : memref<1280xf32, #tpu.memory_space<vmem>>[vector<16xi32>], vector<16xf32>,
    %add3A_792 = arith.constant 3 : i32
    %add3A_793 = vector.broadcast %add3A_792 : i32 to vector<16xi32>
    %add3A_794 = arith.addi %mul3A_782, %add3A_793 : vector<16xi32>
    %gather3A_795 = tpu.vector_load_idx %arg6[%add3A_794] : memref<1280xf32, #tpu.memory_space<vmem>>[vector<16xi32>], vector<16xf32>,
    %swap3A_796 = arith.constant 272 : index
    %swap3A_797 = tpu.vector_load %arg7[%swap3A_796] {strides = array<i32>} : memref<320xf32, #tpu.memory_space<vmem>>, vector<16xf32>,
    tpu.vector_store %arg7[%swap3A_796], %gather3A_783 {strides = array<i32>} : memref<320xf32, #tpu.memory_space<vmem>>, vector<16xf32>,
    %swap3A_798 = arith.constant 272 : index
    %swap3A_799 = tpu.vector_load %arg8[%swap3A_798] {strides = array<i32>} : memref<320xf32, #tpu.memory_space<vmem>>, vector<16xf32>,
    tpu.vector_store %arg8[%swap3A_798], %gather3A_787 {strides = array<i32>} : memref<320xf32, #tpu.memory_space<vmem>>, vector<16xf32>,
    %swap3A_800 = arith.constant 272 : index
    %swap3A_801 = tpu.vector_load %arg9[%swap3A_800] {strides = array<i32>} : memref<320xf32, #tpu.memory_space<vmem>>, vector<16xf32>,
    tpu.vector_store %arg9[%swap3A_800], %gather3A_791 {strides = array<i32>} : memref<320xf32, #tpu.memory_space<vmem>>, vector<16xf32>,
    %swap3A_802 = arith.constant 272 : index
    %swap3A_803 = tpu.vector_load %arg10[%swap3A_802] {strides = array<i32>} : memref<320xf32, #tpu.memory_space<vmem>>, vector<16xf32>,
    tpu.vector_store %arg10[%swap3A_802], %gather3A_795 {strides = array<i32>} : memref<320xf32, #tpu.memory_space<vmem>>, vector<16xf32>,
    %sub3A_804 = arith.subf %gather3A_791, %gather3A_783 : vector<16xf32>
    %max3A_805 = arith.constant 0.000000e+00 : f32
    %max3A_806 = vector.broadcast %max3A_805 : f32 to vector<16xf32>
    %max3A_807 = arith.maximumf %sub3A_804, %max3A_806 : vector<16xf32>
    %sub3A_808 = arith.subf %gather3A_795, %gather3A_787 : vector<16xf32>
    %max3A_809 = arith.constant 0.000000e+00 : f32
    %max3A_810 = vector.broadcast %max3A_809 : f32 to vector<16xf32>
    %max3A_811 = arith.maximumf %sub3A_808, %max3A_810 : vector<16xf32>
    %mul3A_812 = arith.mulf %max3A_807, %max3A_811 : vector<16xf32>
    %swap3A_813 = arith.constant 272 : index
    %swap3A_814 = tpu.vector_load %arg12[%swap3A_813] {strides = array<i32>} : memref<320xf32, #tpu.memory_space<vmem>>, vector<16xf32>,
    tpu.vector_store %arg12[%swap3A_813], %mul3A_812 {strides = array<i32>} : memref<320xf32, #tpu.memory_space<vmem>>, vector<16xf32>,
    %get3A_815 = arith.constant 272 : index
    %get3A_816 = tpu.vector_load %arg11[%get3A_815] {strides = array<i32>} : memref<320xf32, #tpu.memory_space<vmem>>, vector<16xf32>,
    %gt3A_817 = arith.cmpf ogt, %get3A_816, %select_n3A_772 : vector<16xf32>
    %select_n3A_818 = arith.select %gt3A_817, %get3A_816, %select_n3A_772 : vector<16xi1>, vector<16xf32>
    %add3A_819 = arith.constant 272 : i32
    %add3A_820 = vector.broadcast %add3A_819 : i32 to vector<16xi32>
    %add3A_821 = arith.addi %add3A_5, %add3A_820 : vector<16xi32>
    %select_n3A_822 = arith.select %gt3A_817, %add3A_821, %select_n3A_776 : vector<16xi1>, vector<16xi32>
    %add3A_823 = arith.constant 288 : i32
    %add3A_824 = vector.broadcast %add3A_823 : i32 to vector<16xi32>
    %add3A_825 = arith.addi %add3A_824, %iota3A : vector<16xi32>
    %mul3A_826 = arith.constant 4 : i32
    %mul3A_827 = vector.broadcast %mul3A_826 : i32 to vector<16xi32>
    %mul3A_828 = arith.muli %add3A_825, %mul3A_827 : vector<16xi32>
    %gather3A_829 = tpu.vector_load_idx %arg6[%mul3A_828] : memref<1280xf32, #tpu.memory_space<vmem>>[vector<16xi32>], vector<16xf32>,
    %add3A_830 = arith.constant 1 : i32
    %add3A_831 = vector.broadcast %add3A_830 : i32 to vector<16xi32>
    %add3A_832 = arith.addi %mul3A_828, %add3A_831 : vector<16xi32>
    %gather3A_833 = tpu.vector_load_idx %arg6[%add3A_832] : memref<1280xf32, #tpu.memory_space<vmem>>[vector<16xi32>], vector<16xf32>,
    %add3A_834 = arith.constant 2 : i32
    %add3A_835 = vector.broadcast %add3A_834 : i32 to vector<16xi32>
    %add3A_836 = arith.addi %mul3A_828, %add3A_835 : vector<16xi32>
    %gather3A_837 = tpu.vector_load_idx %arg6[%add3A_836] : memref<1280xf32, #tpu.memory_space<vmem>>[vector<16xi32>], vector<16xf32>,
    %add3A_838 = arith.constant 3 : i32
    %add3A_839 = vector.broadcast %add3A_838 : i32 to vector<16xi32>
    %add3A_840 = arith.addi %mul3A_828, %add3A_839 : vector<16xi32>
    %gather3A_841 = tpu.vector_load_idx %arg6[%add3A_840] : memref<1280xf32, #tpu.memory_space<vmem>>[vector<16xi32>], vector<16xf32>,
    %swap3A_842 = arith.constant 288 : index
    %swap3A_843 = tpu.vector_load %arg7[%swap3A_842] {strides = array<i32>} : memref<320xf32, #tpu.memory_space<vmem>>, vector<16xf32>,
    tpu.vector_store %arg7[%swap3A_842], %gather3A_829 {strides = array<i32>} : memref<320xf32, #tpu.memory_space<vmem>>, vector<16xf32>,
    %swap3A_844 = arith.constant 288 : index
    %swap3A_845 = tpu.vector_load %arg8[%swap3A_844] {strides = array<i32>} : memref<320xf32, #tpu.memory_space<vmem>>, vector<16xf32>,
    tpu.vector_store %arg8[%swap3A_844], %gather3A_833 {strides = array<i32>} : memref<320xf32, #tpu.memory_space<vmem>>, vector<16xf32>,
    %swap3A_846 = arith.constant 288 : index
    %swap3A_847 = tpu.vector_load %arg9[%swap3A_846] {strides = array<i32>} : memref<320xf32, #tpu.memory_space<vmem>>, vector<16xf32>,
    tpu.vector_store %arg9[%swap3A_846], %gather3A_837 {strides = array<i32>} : memref<320xf32, #tpu.memory_space<vmem>>, vector<16xf32>,
    %swap3A_848 = arith.constant 288 : index
    %swap3A_849 = tpu.vector_load %arg10[%swap3A_848] {strides = array<i32>} : memref<320xf32, #tpu.memory_space<vmem>>, vector<16xf32>,
    tpu.vector_store %arg10[%swap3A_848], %gather3A_841 {strides = array<i32>} : memref<320xf32, #tpu.memory_space<vmem>>, vector<16xf32>,
    %sub3A_850 = arith.subf %gather3A_837, %gather3A_829 : vector<16xf32>
    %max3A_851 = arith.constant 0.000000e+00 : f32
    %max3A_852 = vector.broadcast %max3A_851 : f32 to vector<16xf32>
    %max3A_853 = arith.maximumf %sub3A_850, %max3A_852 : vector<16xf32>
    %sub3A_854 = arith.subf %gather3A_841, %gather3A_833 : vector<16xf32>
    %max3A_855 = arith.constant 0.000000e+00 : f32
    %max3A_856 = vector.broadcast %max3A_855 : f32 to vector<16xf32>
    %max3A_857 = arith.maximumf %sub3A_854, %max3A_856 : vector<16xf32>
    %mul3A_858 = arith.mulf %max3A_853, %max3A_857 : vector<16xf32>
    %swap3A_859 = arith.constant 288 : index
    %swap3A_860 = tpu.vector_load %arg12[%swap3A_859] {strides = array<i32>} : memref<320xf32, #tpu.memory_space<vmem>>, vector<16xf32>,
    tpu.vector_store %arg12[%swap3A_859], %mul3A_858 {strides = array<i32>} : memref<320xf32, #tpu.memory_space<vmem>>, vector<16xf32>,
    %get3A_861 = arith.constant 288 : index
    %get3A_862 = tpu.vector_load %arg11[%get3A_861] {strides = array<i32>} : memref<320xf32, #tpu.memory_space<vmem>>, vector<16xf32>,
    %gt3A_863 = arith.cmpf ogt, %get3A_862, %select_n3A_818 : vector<16xf32>
    %select_n3A_864 = arith.select %gt3A_863, %get3A_862, %select_n3A_818 : vector<16xi1>, vector<16xf32>
    %add3A_865 = arith.constant 288 : i32
    %add3A_866 = vector.broadcast %add3A_865 : i32 to vector<16xi32>
    %add3A_867 = arith.addi %add3A_5, %add3A_866 : vector<16xi32>
    %select_n3A_868 = arith.select %gt3A_863, %add3A_867, %select_n3A_822 : vector<16xi1>, vector<16xi32>
    %add3A_869 = arith.constant 304 : i32
    %add3A_870 = vector.broadcast %add3A_869 : i32 to vector<16xi32>
    %add3A_871 = arith.addi %add3A_870, %iota3A : vector<16xi32>
    %mul3A_872 = arith.constant 4 : i32
    %mul3A_873 = vector.broadcast %mul3A_872 : i32 to vector<16xi32>
    %mul3A_874 = arith.muli %add3A_871, %mul3A_873 : vector<16xi32>
    %gather3A_875 = tpu.vector_load_idx %arg6[%mul3A_874] : memref<1280xf32, #tpu.memory_space<vmem>>[vector<16xi32>], vector<16xf32>,
    %add3A_876 = arith.constant 1 : i32
    %add3A_877 = vector.broadcast %add3A_876 : i32 to vector<16xi32>
    %add3A_878 = arith.addi %mul3A_874, %add3A_877 : vector<16xi32>
    %gather3A_879 = tpu.vector_load_idx %arg6[%add3A_878] : memref<1280xf32, #tpu.memory_space<vmem>>[vector<16xi32>], vector<16xf32>,
    %add3A_880 = arith.constant 2 : i32
    %add3A_881 = vector.broadcast %add3A_880 : i32 to vector<16xi32>
    %add3A_882 = arith.addi %mul3A_874, %add3A_881 : vector<16xi32>
    %gather3A_883 = tpu.vector_load_idx %arg6[%add3A_882] : memref<1280xf32, #tpu.memory_space<vmem>>[vector<16xi32>], vector<16xf32>,
    %add3A_884 = arith.constant 3 : i32
    %add3A_885 = vector.broadcast %add3A_884 : i32 to vector<16xi32>
    %add3A_886 = arith.addi %mul3A_874, %add3A_885 : vector<16xi32>
    %gather3A_887 = tpu.vector_load_idx %arg6[%add3A_886] : memref<1280xf32, #tpu.memory_space<vmem>>[vector<16xi32>], vector<16xf32>,
    %swap3A_888 = arith.constant 304 : index
    %swap3A_889 = tpu.vector_load %arg7[%swap3A_888] {strides = array<i32>} : memref<320xf32, #tpu.memory_space<vmem>>, vector<16xf32>,
    tpu.vector_store %arg7[%swap3A_888], %gather3A_875 {strides = array<i32>} : memref<320xf32, #tpu.memory_space<vmem>>, vector<16xf32>,
    %swap3A_890 = arith.constant 304 : index
    %swap3A_891 = tpu.vector_load %arg8[%swap3A_890] {strides = array<i32>} : memref<320xf32, #tpu.memory_space<vmem>>, vector<16xf32>,
    tpu.vector_store %arg8[%swap3A_890], %gather3A_879 {strides = array<i32>} : memref<320xf32, #tpu.memory_space<vmem>>, vector<16xf32>,
    %swap3A_892 = arith.constant 304 : index
    %swap3A_893 = tpu.vector_load %arg9[%swap3A_892] {strides = array<i32>} : memref<320xf32, #tpu.memory_space<vmem>>, vector<16xf32>,
    tpu.vector_store %arg9[%swap3A_892], %gather3A_883 {strides = array<i32>} : memref<320xf32, #tpu.memory_space<vmem>>, vector<16xf32>,
    %swap3A_894 = arith.constant 304 : index
    %swap3A_895 = tpu.vector_load %arg10[%swap3A_894] {strides = array<i32>} : memref<320xf32, #tpu.memory_space<vmem>>, vector<16xf32>,
    tpu.vector_store %arg10[%swap3A_894], %gather3A_887 {strides = array<i32>} : memref<320xf32, #tpu.memory_space<vmem>>, vector<16xf32>,
    %sub3A_896 = arith.subf %gather3A_883, %gather3A_875 : vector<16xf32>
    %max3A_897 = arith.constant 0.000000e+00 : f32
    %max3A_898 = vector.broadcast %max3A_897 : f32 to vector<16xf32>
    %max3A_899 = arith.maximumf %sub3A_896, %max3A_898 : vector<16xf32>
    %sub3A_900 = arith.subf %gather3A_887, %gather3A_879 : vector<16xf32>
    %max3A_901 = arith.constant 0.000000e+00 : f32
    %max3A_902 = vector.broadcast %max3A_901 : f32 to vector<16xf32>
    %max3A_903 = arith.maximumf %sub3A_900, %max3A_902 : vector<16xf32>
    %mul3A_904 = arith.mulf %max3A_899, %max3A_903 : vector<16xf32>
    %swap3A_905 = arith.constant 304 : index
    %swap3A_906 = tpu.vector_load %arg12[%swap3A_905] {strides = array<i32>} : memref<320xf32, #tpu.memory_space<vmem>>, vector<16xf32>,
    tpu.vector_store %arg12[%swap3A_905], %mul3A_904 {strides = array<i32>} : memref<320xf32, #tpu.memory_space<vmem>>, vector<16xf32>,
    %get3A_907 = arith.constant 304 : index
    %get3A_908 = tpu.vector_load %arg11[%get3A_907] {strides = array<i32>} : memref<320xf32, #tpu.memory_space<vmem>>, vector<16xf32>,
    %gt3A_909 = arith.cmpf ogt, %get3A_908, %select_n3A_864 : vector<16xf32>
    %select_n3A_910 = arith.select %gt3A_909, %get3A_908, %select_n3A_864 : vector<16xi1>, vector<16xf32>
    %add3A_911 = arith.constant 304 : i32
    %add3A_912 = vector.broadcast %add3A_911 : i32 to vector<16xi32>
    %add3A_913 = arith.addi %add3A_5, %add3A_912 : vector<16xi32>
    %select_n3A_914 = arith.select %gt3A_909, %add3A_913, %select_n3A_868 : vector<16xi1>, vector<16xi32>
    %swap3A_915 = arith.constant 0 : index
    %swap3A_916 = tpu.vector_load %arg15[%swap3A_915] {strides = array<i32>} : memref<16xf32, #tpu.memory_space<vmem>>, vector<16xf32>,
    tpu.vector_store %arg15[%swap3A_915], %select_n3A_910 {strides = array<i32>} : memref<16xf32, #tpu.memory_space<vmem>>, vector<16xf32>,
    %swap3A_917 = arith.constant 0 : index
    %swap3A_918 = tpu.vector_load %arg16[%swap3A_917] {strides = array<i32>} : memref<16xi32, #tpu.memory_space<vmem>>, vector<16xi32>,
    tpu.vector_store %arg16[%swap3A_917], %select_n3A_914 {strides = array<i32>} : memref<16xi32, #tpu.memory_space<vmem>>, vector<16xi32>,
    %convert_element_type3A = arith.extui %and3A : i1 to i32
    %cond3A = arith.constant 0 : i32
    %cond3A_919 = arith.cmpi ne, %convert_element_type3A, %cond3A : i32
    scf.if %cond3A_919 {
      %broadcast_in_dim3A = arith.constant 0.000000e+00 : f32
      %broadcast_in_dim3A_930 = vector.broadcast %broadcast_in_dim3A : f32 to vector<16xf32>
      %swap3A_931 = arith.constant 0 : index
      %swap3A_932 = tpu.vector_load %arg17[%swap3A_931] {strides = array<i32>} : memref<1600xf32, #tpu.memory_space<vmem>>, vector<16xf32>,
      tpu.vector_store %arg17[%swap3A_931], %broadcast_in_dim3A_930 {strides = array<i32>} : memref<1600xf32, #tpu.memory_space<vmem>>, vector<16xf32>,
      %swap3A_933 = arith.constant 16 : index
      %swap3A_934 = tpu.vector_load %arg17[%swap3A_933] {strides = array<i32>} : memref<1600xf32, #tpu.memory_space<vmem>>, vector<16xf32>,
      tpu.vector_store %arg17[%swap3A_933], %broadcast_in_dim3A_930 {strides = array<i32>} : memref<1600xf32, #tpu.memory_space<vmem>>, vector<16xf32>,
      %swap3A_935 = arith.constant 32 : index
      %swap3A_936 = tpu.vector_load %arg17[%swap3A_935] {strides = array<i32>} : memref<1600xf32, #tpu.memory_space<vmem>>, vector<16xf32>,
      tpu.vector_store %arg17[%swap3A_935], %broadcast_in_dim3A_930 {strides = array<i32>} : memref<1600xf32, #tpu.memory_space<vmem>>, vector<16xf32>,
      %swap3A_937 = arith.constant 48 : index
      %swap3A_938 = tpu.vector_load %arg17[%swap3A_937] {strides = array<i32>} : memref<1600xf32, #tpu.memory_space<vmem>>, vector<16xf32>,
      tpu.vector_store %arg17[%swap3A_937], %broadcast_in_dim3A_930 {strides = array<i32>} : memref<1600xf32, #tpu.memory_space<vmem>>, vector<16xf32>,
      %swap3A_939 = arith.constant 64 : index
      %swap3A_940 = tpu.vector_load %arg17[%swap3A_939] {strides = array<i32>} : memref<1600xf32, #tpu.memory_space<vmem>>, vector<16xf32>,
      tpu.vector_store %arg17[%swap3A_939], %broadcast_in_dim3A_930 {strides = array<i32>} : memref<1600xf32, #tpu.memory_space<vmem>>, vector<16xf32>,
      %swap3A_941 = arith.constant 80 : index
      %swap3A_942 = tpu.vector_load %arg17[%swap3A_941] {strides = array<i32>} : memref<1600xf32, #tpu.memory_space<vmem>>, vector<16xf32>,
      tpu.vector_store %arg17[%swap3A_941], %broadcast_in_dim3A_930 {strides = array<i32>} : memref<1600xf32, #tpu.memory_space<vmem>>, vector<16xf32>,
      %swap3A_943 = arith.constant 96 : index
      %swap3A_944 = tpu.vector_load %arg17[%swap3A_943] {strides = array<i32>} : memref<1600xf32, #tpu.memory_space<vmem>>, vector<16xf32>,
      tpu.vector_store %arg17[%swap3A_943], %broadcast_in_dim3A_930 {strides = array<i32>} : memref<1600xf32, #tpu.memory_space<vmem>>, vector<16xf32>,
      %swap3A_945 = arith.constant 112 : index
      %swap3A_946 = tpu.vector_load %arg17[%swap3A_945] {strides = array<i32>} : memref<1600xf32, #tpu.memory_space<vmem>>, vector<16xf32>,
      tpu.vector_store %arg17[%swap3A_945], %broadcast_in_dim3A_930 {strides = array<i32>} : memref<1600xf32, #tpu.memory_space<vmem>>, vector<16xf32>,
      %swap3A_947 = arith.constant 128 : index
      %swap3A_948 = tpu.vector_load %arg17[%swap3A_947] {strides = array<i32>} : memref<1600xf32, #tpu.memory_space<vmem>>, vector<16xf32>,
      tpu.vector_store %arg17[%swap3A_947], %broadcast_in_dim3A_930 {strides = array<i32>} : memref<1600xf32, #tpu.memory_space<vmem>>, vector<16xf32>,
      %swap3A_949 = arith.constant 144 : index
      %swap3A_950 = tpu.vector_load %arg17[%swap3A_949] {strides = array<i32>} : memref<1600xf32, #tpu.memory_space<vmem>>, vector<16xf32>,
      tpu.vector_store %arg17[%swap3A_949], %broadcast_in_dim3A_930 {strides = array<i32>} : memref<1600xf32, #tpu.memory_space<vmem>>, vector<16xf32>,
      %swap3A_951 = arith.constant 160 : index
      %swap3A_952 = tpu.vector_load %arg17[%swap3A_951] {strides = array<i32>} : memref<1600xf32, #tpu.memory_space<vmem>>, vector<16xf32>,
      tpu.vector_store %arg17[%swap3A_951], %broadcast_in_dim3A_930 {strides = array<i32>} : memref<1600xf32, #tpu.memory_space<vmem>>, vector<16xf32>,
      %swap3A_953 = arith.constant 176 : index
      %swap3A_954 = tpu.vector_load %arg17[%swap3A_953] {strides = array<i32>} : memref<1600xf32, #tpu.memory_space<vmem>>, vector<16xf32>,
      tpu.vector_store %arg17[%swap3A_953], %broadcast_in_dim3A_930 {strides = array<i32>} : memref<1600xf32, #tpu.memory_space<vmem>>, vector<16xf32>,
      %swap3A_955 = arith.constant 192 : index
      %swap3A_956 = tpu.vector_load %arg17[%swap3A_955] {strides = array<i32>} : memref<1600xf32, #tpu.memory_space<vmem>>, vector<16xf32>,
      tpu.vector_store %arg17[%swap3A_955], %broadcast_in_dim3A_930 {strides = array<i32>} : memref<1600xf32, #tpu.memory_space<vmem>>, vector<16xf32>,
      %swap3A_957 = arith.constant 208 : index
      %swap3A_958 = tpu.vector_load %arg17[%swap3A_957] {strides = array<i32>} : memref<1600xf32, #tpu.memory_space<vmem>>, vector<16xf32>,
      tpu.vector_store %arg17[%swap3A_957], %broadcast_in_dim3A_930 {strides = array<i32>} : memref<1600xf32, #tpu.memory_space<vmem>>, vector<16xf32>,
      %swap3A_959 = arith.constant 224 : index
      %swap3A_960 = tpu.vector_load %arg17[%swap3A_959] {strides = array<i32>} : memref<1600xf32, #tpu.memory_space<vmem>>, vector<16xf32>,
      tpu.vector_store %arg17[%swap3A_959], %broadcast_in_dim3A_930 {strides = array<i32>} : memref<1600xf32, #tpu.memory_space<vmem>>, vector<16xf32>,
      %swap3A_961 = arith.constant 240 : index
      %swap3A_962 = tpu.vector_load %arg17[%swap3A_961] {strides = array<i32>} : memref<1600xf32, #tpu.memory_space<vmem>>, vector<16xf32>,
      tpu.vector_store %arg17[%swap3A_961], %broadcast_in_dim3A_930 {strides = array<i32>} : memref<1600xf32, #tpu.memory_space<vmem>>, vector<16xf32>,
      %swap3A_963 = arith.constant 256 : index
      %swap3A_964 = tpu.vector_load %arg17[%swap3A_963] {strides = array<i32>} : memref<1600xf32, #tpu.memory_space<vmem>>, vector<16xf32>,
      tpu.vector_store %arg17[%swap3A_963], %broadcast_in_dim3A_930 {strides = array<i32>} : memref<1600xf32, #tpu.memory_space<vmem>>, vector<16xf32>,
      %swap3A_965 = arith.constant 272 : index
      %swap3A_966 = tpu.vector_load %arg17[%swap3A_965] {strides = array<i32>} : memref<1600xf32, #tpu.memory_space<vmem>>, vector<16xf32>,
      tpu.vector_store %arg17[%swap3A_965], %broadcast_in_dim3A_930 {strides = array<i32>} : memref<1600xf32, #tpu.memory_space<vmem>>, vector<16xf32>,
      %swap3A_967 = arith.constant 288 : index
      %swap3A_968 = tpu.vector_load %arg17[%swap3A_967] {strides = array<i32>} : memref<1600xf32, #tpu.memory_space<vmem>>, vector<16xf32>,
      tpu.vector_store %arg17[%swap3A_967], %broadcast_in_dim3A_930 {strides = array<i32>} : memref<1600xf32, #tpu.memory_space<vmem>>, vector<16xf32>,
      %swap3A_969 = arith.constant 304 : index
      %swap3A_970 = tpu.vector_load %arg17[%swap3A_969] {strides = array<i32>} : memref<1600xf32, #tpu.memory_space<vmem>>, vector<16xf32>,
      tpu.vector_store %arg17[%swap3A_969], %broadcast_in_dim3A_930 {strides = array<i32>} : memref<1600xf32, #tpu.memory_space<vmem>>, vector<16xf32>,
      %swap3A_971 = arith.constant 320 : index
      %swap3A_972 = tpu.vector_load %arg17[%swap3A_971] {strides = array<i32>} : memref<1600xf32, #tpu.memory_space<vmem>>, vector<16xf32>,
      tpu.vector_store %arg17[%swap3A_971], %broadcast_in_dim3A_930 {strides = array<i32>} : memref<1600xf32, #tpu.memory_space<vmem>>, vector<16xf32>,
      %swap3A_973 = arith.constant 336 : index
      %swap3A_974 = tpu.vector_load %arg17[%swap3A_973] {strides = array<i32>} : memref<1600xf32, #tpu.memory_space<vmem>>, vector<16xf32>,
      tpu.vector_store %arg17[%swap3A_973], %broadcast_in_dim3A_930 {strides = array<i32>} : memref<1600xf32, #tpu.memory_space<vmem>>, vector<16xf32>,
      %swap3A_975 = arith.constant 352 : index
      %swap3A_976 = tpu.vector_load %arg17[%swap3A_975] {strides = array<i32>} : memref<1600xf32, #tpu.memory_space<vmem>>, vector<16xf32>,
      tpu.vector_store %arg17[%swap3A_975], %broadcast_in_dim3A_930 {strides = array<i32>} : memref<1600xf32, #tpu.memory_space<vmem>>, vector<16xf32>,
      %swap3A_977 = arith.constant 368 : index
      %swap3A_978 = tpu.vector_load %arg17[%swap3A_977] {strides = array<i32>} : memref<1600xf32, #tpu.memory_space<vmem>>, vector<16xf32>,
      tpu.vector_store %arg17[%swap3A_977], %broadcast_in_dim3A_930 {strides = array<i32>} : memref<1600xf32, #tpu.memory_space<vmem>>, vector<16xf32>,
      %swap3A_979 = arith.constant 384 : index
      %swap3A_980 = tpu.vector_load %arg17[%swap3A_979] {strides = array<i32>} : memref<1600xf32, #tpu.memory_space<vmem>>, vector<16xf32>,
      tpu.vector_store %arg17[%swap3A_979], %broadcast_in_dim3A_930 {strides = array<i32>} : memref<1600xf32, #tpu.memory_space<vmem>>, vector<16xf32>,
      %swap3A_981 = arith.constant 400 : index
      %swap3A_982 = tpu.vector_load %arg17[%swap3A_981] {strides = array<i32>} : memref<1600xf32, #tpu.memory_space<vmem>>, vector<16xf32>,
      tpu.vector_store %arg17[%swap3A_981], %broadcast_in_dim3A_930 {strides = array<i32>} : memref<1600xf32, #tpu.memory_space<vmem>>, vector<16xf32>,
      %swap3A_983 = arith.constant 416 : index
      %swap3A_984 = tpu.vector_load %arg17[%swap3A_983] {strides = array<i32>} : memref<1600xf32, #tpu.memory_space<vmem>>, vector<16xf32>,
      tpu.vector_store %arg17[%swap3A_983], %broadcast_in_dim3A_930 {strides = array<i32>} : memref<1600xf32, #tpu.memory_space<vmem>>, vector<16xf32>,
      %swap3A_985 = arith.constant 432 : index
      %swap3A_986 = tpu.vector_load %arg17[%swap3A_985] {strides = array<i32>} : memref<1600xf32, #tpu.memory_space<vmem>>, vector<16xf32>,
      tpu.vector_store %arg17[%swap3A_985], %broadcast_in_dim3A_930 {strides = array<i32>} : memref<1600xf32, #tpu.memory_space<vmem>>, vector<16xf32>,
      %swap3A_987 = arith.constant 448 : index
      %swap3A_988 = tpu.vector_load %arg17[%swap3A_987] {strides = array<i32>} : memref<1600xf32, #tpu.memory_space<vmem>>, vector<16xf32>,
      tpu.vector_store %arg17[%swap3A_987], %broadcast_in_dim3A_930 {strides = array<i32>} : memref<1600xf32, #tpu.memory_space<vmem>>, vector<16xf32>,
      %swap3A_989 = arith.constant 464 : index
      %swap3A_990 = tpu.vector_load %arg17[%swap3A_989] {strides = array<i32>} : memref<1600xf32, #tpu.memory_space<vmem>>, vector<16xf32>,
      tpu.vector_store %arg17[%swap3A_989], %broadcast_in_dim3A_930 {strides = array<i32>} : memref<1600xf32, #tpu.memory_space<vmem>>, vector<16xf32>,
      %swap3A_991 = arith.constant 480 : index
      %swap3A_992 = tpu.vector_load %arg17[%swap3A_991] {strides = array<i32>} : memref<1600xf32, #tpu.memory_space<vmem>>, vector<16xf32>,
      tpu.vector_store %arg17[%swap3A_991], %broadcast_in_dim3A_930 {strides = array<i32>} : memref<1600xf32, #tpu.memory_space<vmem>>, vector<16xf32>,
      %swap3A_993 = arith.constant 496 : index
      %swap3A_994 = tpu.vector_load %arg17[%swap3A_993] {strides = array<i32>} : memref<1600xf32, #tpu.memory_space<vmem>>, vector<16xf32>,
      tpu.vector_store %arg17[%swap3A_993], %broadcast_in_dim3A_930 {strides = array<i32>} : memref<1600xf32, #tpu.memory_space<vmem>>, vector<16xf32>,
      %swap3A_995 = arith.constant 512 : index
      %swap3A_996 = tpu.vector_load %arg17[%swap3A_995] {strides = array<i32>} : memref<1600xf32, #tpu.memory_space<vmem>>, vector<16xf32>,
      tpu.vector_store %arg17[%swap3A_995], %broadcast_in_dim3A_930 {strides = array<i32>} : memref<1600xf32, #tpu.memory_space<vmem>>, vector<16xf32>,
      %swap3A_997 = arith.constant 528 : index
      %swap3A_998 = tpu.vector_load %arg17[%swap3A_997] {strides = array<i32>} : memref<1600xf32, #tpu.memory_space<vmem>>, vector<16xf32>,
      tpu.vector_store %arg17[%swap3A_997], %broadcast_in_dim3A_930 {strides = array<i32>} : memref<1600xf32, #tpu.memory_space<vmem>>, vector<16xf32>,
      %swap3A_999 = arith.constant 544 : index
      %swap3A_1000 = tpu.vector_load %arg17[%swap3A_999] {strides = array<i32>} : memref<1600xf32, #tpu.memory_space<vmem>>, vector<16xf32>,
      tpu.vector_store %arg17[%swap3A_999], %broadcast_in_dim3A_930 {strides = array<i32>} : memref<1600xf32, #tpu.memory_space<vmem>>, vector<16xf32>,
      %swap3A_1001 = arith.constant 560 : index
      %swap3A_1002 = tpu.vector_load %arg17[%swap3A_1001] {strides = array<i32>} : memref<1600xf32, #tpu.memory_space<vmem>>, vector<16xf32>,
      tpu.vector_store %arg17[%swap3A_1001], %broadcast_in_dim3A_930 {strides = array<i32>} : memref<1600xf32, #tpu.memory_space<vmem>>, vector<16xf32>,
      %swap3A_1003 = arith.constant 576 : index
      %swap3A_1004 = tpu.vector_load %arg17[%swap3A_1003] {strides = array<i32>} : memref<1600xf32, #tpu.memory_space<vmem>>, vector<16xf32>,
      tpu.vector_store %arg17[%swap3A_1003], %broadcast_in_dim3A_930 {strides = array<i32>} : memref<1600xf32, #tpu.memory_space<vmem>>, vector<16xf32>,
      %swap3A_1005 = arith.constant 592 : index
      %swap3A_1006 = tpu.vector_load %arg17[%swap3A_1005] {strides = array<i32>} : memref<1600xf32, #tpu.memory_space<vmem>>, vector<16xf32>,
      tpu.vector_store %arg17[%swap3A_1005], %broadcast_in_dim3A_930 {strides = array<i32>} : memref<1600xf32, #tpu.memory_space<vmem>>, vector<16xf32>,
      %swap3A_1007 = arith.constant 608 : index
      %swap3A_1008 = tpu.vector_load %arg17[%swap3A_1007] {strides = array<i32>} : memref<1600xf32, #tpu.memory_space<vmem>>, vector<16xf32>,
      tpu.vector_store %arg17[%swap3A_1007], %broadcast_in_dim3A_930 {strides = array<i32>} : memref<1600xf32, #tpu.memory_space<vmem>>, vector<16xf32>,
      %swap3A_1009 = arith.constant 624 : index
      %swap3A_1010 = tpu.vector_load %arg17[%swap3A_1009] {strides = array<i32>} : memref<1600xf32, #tpu.memory_space<vmem>>, vector<16xf32>,
      tpu.vector_store %arg17[%swap3A_1009], %broadcast_in_dim3A_930 {strides = array<i32>} : memref<1600xf32, #tpu.memory_space<vmem>>, vector<16xf32>,
      %swap3A_1011 = arith.constant 640 : index
      %swap3A_1012 = tpu.vector_load %arg17[%swap3A_1011] {strides = array<i32>} : memref<1600xf32, #tpu.memory_space<vmem>>, vector<16xf32>,
      tpu.vector_store %arg17[%swap3A_1011], %broadcast_in_dim3A_930 {strides = array<i32>} : memref<1600xf32, #tpu.memory_space<vmem>>, vector<16xf32>,
      %swap3A_1013 = arith.constant 656 : index
      %swap3A_1014 = tpu.vector_load %arg17[%swap3A_1013] {strides = array<i32>} : memref<1600xf32, #tpu.memory_space<vmem>>, vector<16xf32>,
      tpu.vector_store %arg17[%swap3A_1013], %broadcast_in_dim3A_930 {strides = array<i32>} : memref<1600xf32, #tpu.memory_space<vmem>>, vector<16xf32>,
      %swap3A_1015 = arith.constant 672 : index
      %swap3A_1016 = tpu.vector_load %arg17[%swap3A_1015] {strides = array<i32>} : memref<1600xf32, #tpu.memory_space<vmem>>, vector<16xf32>,
      tpu.vector_store %arg17[%swap3A_1015], %broadcast_in_dim3A_930 {strides = array<i32>} : memref<1600xf32, #tpu.memory_space<vmem>>, vector<16xf32>,
      %swap3A_1017 = arith.constant 688 : index
      %swap3A_1018 = tpu.vector_load %arg17[%swap3A_1017] {strides = array<i32>} : memref<1600xf32, #tpu.memory_space<vmem>>, vector<16xf32>,
      tpu.vector_store %arg17[%swap3A_1017], %broadcast_in_dim3A_930 {strides = array<i32>} : memref<1600xf32, #tpu.memory_space<vmem>>, vector<16xf32>,
      %swap3A_1019 = arith.constant 704 : index
      %swap3A_1020 = tpu.vector_load %arg17[%swap3A_1019] {strides = array<i32>} : memref<1600xf32, #tpu.memory_space<vmem>>, vector<16xf32>,
      tpu.vector_store %arg17[%swap3A_1019], %broadcast_in_dim3A_930 {strides = array<i32>} : memref<1600xf32, #tpu.memory_space<vmem>>, vector<16xf32>,
      %swap3A_1021 = arith.constant 720 : index
      %swap3A_1022 = tpu.vector_load %arg17[%swap3A_1021] {strides = array<i32>} : memref<1600xf32, #tpu.memory_space<vmem>>, vector<16xf32>,
      tpu.vector_store %arg17[%swap3A_1021], %broadcast_in_dim3A_930 {strides = array<i32>} : memref<1600xf32, #tpu.memory_space<vmem>>, vector<16xf32>,
      %swap3A_1023 = arith.constant 736 : index
      %swap3A_1024 = tpu.vector_load %arg17[%swap3A_1023] {strides = array<i32>} : memref<1600xf32, #tpu.memory_space<vmem>>, vector<16xf32>,
      tpu.vector_store %arg17[%swap3A_1023], %broadcast_in_dim3A_930 {strides = array<i32>} : memref<1600xf32, #tpu.memory_space<vmem>>, vector<16xf32>,
      %swap3A_1025 = arith.constant 752 : index
      %swap3A_1026 = tpu.vector_load %arg17[%swap3A_1025] {strides = array<i32>} : memref<1600xf32, #tpu.memory_space<vmem>>, vector<16xf32>,
      tpu.vector_store %arg17[%swap3A_1025], %broadcast_in_dim3A_930 {strides = array<i32>} : memref<1600xf32, #tpu.memory_space<vmem>>, vector<16xf32>,
      %swap3A_1027 = arith.constant 768 : index
      %swap3A_1028 = tpu.vector_load %arg17[%swap3A_1027] {strides = array<i32>} : memref<1600xf32, #tpu.memory_space<vmem>>, vector<16xf32>,
      tpu.vector_store %arg17[%swap3A_1027], %broadcast_in_dim3A_930 {strides = array<i32>} : memref<1600xf32, #tpu.memory_space<vmem>>, vector<16xf32>,
      %swap3A_1029 = arith.constant 784 : index
      %swap3A_1030 = tpu.vector_load %arg17[%swap3A_1029] {strides = array<i32>} : memref<1600xf32, #tpu.memory_space<vmem>>, vector<16xf32>,
      tpu.vector_store %arg17[%swap3A_1029], %broadcast_in_dim3A_930 {strides = array<i32>} : memref<1600xf32, #tpu.memory_space<vmem>>, vector<16xf32>,
      %swap3A_1031 = arith.constant 800 : index
      %swap3A_1032 = tpu.vector_load %arg17[%swap3A_1031] {strides = array<i32>} : memref<1600xf32, #tpu.memory_space<vmem>>, vector<16xf32>,
      tpu.vector_store %arg17[%swap3A_1031], %broadcast_in_dim3A_930 {strides = array<i32>} : memref<1600xf32, #tpu.memory_space<vmem>>, vector<16xf32>,
      %swap3A_1033 = arith.constant 816 : index
      %swap3A_1034 = tpu.vector_load %arg17[%swap3A_1033] {strides = array<i32>} : memref<1600xf32, #tpu.memory_space<vmem>>, vector<16xf32>,
      tpu.vector_store %arg17[%swap3A_1033], %broadcast_in_dim3A_930 {strides = array<i32>} : memref<1600xf32, #tpu.memory_space<vmem>>, vector<16xf32>,
      %swap3A_1035 = arith.constant 832 : index
      %swap3A_1036 = tpu.vector_load %arg17[%swap3A_1035] {strides = array<i32>} : memref<1600xf32, #tpu.memory_space<vmem>>, vector<16xf32>,
      tpu.vector_store %arg17[%swap3A_1035], %broadcast_in_dim3A_930 {strides = array<i32>} : memref<1600xf32, #tpu.memory_space<vmem>>, vector<16xf32>,
      %swap3A_1037 = arith.constant 848 : index
      %swap3A_1038 = tpu.vector_load %arg17[%swap3A_1037] {strides = array<i32>} : memref<1600xf32, #tpu.memory_space<vmem>>, vector<16xf32>,
      tpu.vector_store %arg17[%swap3A_1037], %broadcast_in_dim3A_930 {strides = array<i32>} : memref<1600xf32, #tpu.memory_space<vmem>>, vector<16xf32>,
      %swap3A_1039 = arith.constant 864 : index
      %swap3A_1040 = tpu.vector_load %arg17[%swap3A_1039] {strides = array<i32>} : memref<1600xf32, #tpu.memory_space<vmem>>, vector<16xf32>,
      tpu.vector_store %arg17[%swap3A_1039], %broadcast_in_dim3A_930 {strides = array<i32>} : memref<1600xf32, #tpu.memory_space<vmem>>, vector<16xf32>,
      %swap3A_1041 = arith.constant 880 : index
      %swap3A_1042 = tpu.vector_load %arg17[%swap3A_1041] {strides = array<i32>} : memref<1600xf32, #tpu.memory_space<vmem>>, vector<16xf32>,
      tpu.vector_store %arg17[%swap3A_1041], %broadcast_in_dim3A_930 {strides = array<i32>} : memref<1600xf32, #tpu.memory_space<vmem>>, vector<16xf32>,
      %swap3A_1043 = arith.constant 896 : index
      %swap3A_1044 = tpu.vector_load %arg17[%swap3A_1043] {strides = array<i32>} : memref<1600xf32, #tpu.memory_space<vmem>>, vector<16xf32>,
      tpu.vector_store %arg17[%swap3A_1043], %broadcast_in_dim3A_930 {strides = array<i32>} : memref<1600xf32, #tpu.memory_space<vmem>>, vector<16xf32>,
      %swap3A_1045 = arith.constant 912 : index
      %swap3A_1046 = tpu.vector_load %arg17[%swap3A_1045] {strides = array<i32>} : memref<1600xf32, #tpu.memory_space<vmem>>, vector<16xf32>,
      tpu.vector_store %arg17[%swap3A_1045], %broadcast_in_dim3A_930 {strides = array<i32>} : memref<1600xf32, #tpu.memory_space<vmem>>, vector<16xf32>,
      %swap3A_1047 = arith.constant 928 : index
      %swap3A_1048 = tpu.vector_load %arg17[%swap3A_1047] {strides = array<i32>} : memref<1600xf32, #tpu.memory_space<vmem>>, vector<16xf32>,
      tpu.vector_store %arg17[%swap3A_1047], %broadcast_in_dim3A_930 {strides = array<i32>} : memref<1600xf32, #tpu.memory_space<vmem>>, vector<16xf32>,
      %swap3A_1049 = arith.constant 944 : index
      %swap3A_1050 = tpu.vector_load %arg17[%swap3A_1049] {strides = array<i32>} : memref<1600xf32, #tpu.memory_space<vmem>>, vector<16xf32>,
      tpu.vector_store %arg17[%swap3A_1049], %broadcast_in_dim3A_930 {strides = array<i32>} : memref<1600xf32, #tpu.memory_space<vmem>>, vector<16xf32>,
      %swap3A_1051 = arith.constant 960 : index
      %swap3A_1052 = tpu.vector_load %arg17[%swap3A_1051] {strides = array<i32>} : memref<1600xf32, #tpu.memory_space<vmem>>, vector<16xf32>,
      tpu.vector_store %arg17[%swap3A_1051], %broadcast_in_dim3A_930 {strides = array<i32>} : memref<1600xf32, #tpu.memory_space<vmem>>, vector<16xf32>,
      %swap3A_1053 = arith.constant 976 : index
      %swap3A_1054 = tpu.vector_load %arg17[%swap3A_1053] {strides = array<i32>} : memref<1600xf32, #tpu.memory_space<vmem>>, vector<16xf32>,
      tpu.vector_store %arg17[%swap3A_1053], %broadcast_in_dim3A_930 {strides = array<i32>} : memref<1600xf32, #tpu.memory_space<vmem>>, vector<16xf32>,
      %swap3A_1055 = arith.constant 992 : index
      %swap3A_1056 = tpu.vector_load %arg17[%swap3A_1055] {strides = array<i32>} : memref<1600xf32, #tpu.memory_space<vmem>>, vector<16xf32>,
      tpu.vector_store %arg17[%swap3A_1055], %broadcast_in_dim3A_930 {strides = array<i32>} : memref<1600xf32, #tpu.memory_space<vmem>>, vector<16xf32>,
      %swap3A_1057 = arith.constant 1008 : index
      %swap3A_1058 = tpu.vector_load %arg17[%swap3A_1057] {strides = array<i32>} : memref<1600xf32, #tpu.memory_space<vmem>>, vector<16xf32>,
      tpu.vector_store %arg17[%swap3A_1057], %broadcast_in_dim3A_930 {strides = array<i32>} : memref<1600xf32, #tpu.memory_space<vmem>>, vector<16xf32>,
      %swap3A_1059 = arith.constant 1024 : index
      %swap3A_1060 = tpu.vector_load %arg17[%swap3A_1059] {strides = array<i32>} : memref<1600xf32, #tpu.memory_space<vmem>>, vector<16xf32>,
      tpu.vector_store %arg17[%swap3A_1059], %broadcast_in_dim3A_930 {strides = array<i32>} : memref<1600xf32, #tpu.memory_space<vmem>>, vector<16xf32>,
      %swap3A_1061 = arith.constant 1040 : index
      %swap3A_1062 = tpu.vector_load %arg17[%swap3A_1061] {strides = array<i32>} : memref<1600xf32, #tpu.memory_space<vmem>>, vector<16xf32>,
      tpu.vector_store %arg17[%swap3A_1061], %broadcast_in_dim3A_930 {strides = array<i32>} : memref<1600xf32, #tpu.memory_space<vmem>>, vector<16xf32>,
      %swap3A_1063 = arith.constant 1056 : index
      %swap3A_1064 = tpu.vector_load %arg17[%swap3A_1063] {strides = array<i32>} : memref<1600xf32, #tpu.memory_space<vmem>>, vector<16xf32>,
      tpu.vector_store %arg17[%swap3A_1063], %broadcast_in_dim3A_930 {strides = array<i32>} : memref<1600xf32, #tpu.memory_space<vmem>>, vector<16xf32>,
      %swap3A_1065 = arith.constant 1072 : index
      %swap3A_1066 = tpu.vector_load %arg17[%swap3A_1065] {strides = array<i32>} : memref<1600xf32, #tpu.memory_space<vmem>>, vector<16xf32>,
      tpu.vector_store %arg17[%swap3A_1065], %broadcast_in_dim3A_930 {strides = array<i32>} : memref<1600xf32, #tpu.memory_space<vmem>>, vector<16xf32>,
      %swap3A_1067 = arith.constant 1088 : index
      %swap3A_1068 = tpu.vector_load %arg17[%swap3A_1067] {strides = array<i32>} : memref<1600xf32, #tpu.memory_space<vmem>>, vector<16xf32>,
      tpu.vector_store %arg17[%swap3A_1067], %broadcast_in_dim3A_930 {strides = array<i32>} : memref<1600xf32, #tpu.memory_space<vmem>>, vector<16xf32>,
      %swap3A_1069 = arith.constant 1104 : index
      %swap3A_1070 = tpu.vector_load %arg17[%swap3A_1069] {strides = array<i32>} : memref<1600xf32, #tpu.memory_space<vmem>>, vector<16xf32>,
      tpu.vector_store %arg17[%swap3A_1069], %broadcast_in_dim3A_930 {strides = array<i32>} : memref<1600xf32, #tpu.memory_space<vmem>>, vector<16xf32>,
      %swap3A_1071 = arith.constant 1120 : index
      %swap3A_1072 = tpu.vector_load %arg17[%swap3A_1071] {strides = array<i32>} : memref<1600xf32, #tpu.memory_space<vmem>>, vector<16xf32>,
      tpu.vector_store %arg17[%swap3A_1071], %broadcast_in_dim3A_930 {strides = array<i32>} : memref<1600xf32, #tpu.memory_space<vmem>>, vector<16xf32>,
      %swap3A_1073 = arith.constant 1136 : index
      %swap3A_1074 = tpu.vector_load %arg17[%swap3A_1073] {strides = array<i32>} : memref<1600xf32, #tpu.memory_space<vmem>>, vector<16xf32>,
      tpu.vector_store %arg17[%swap3A_1073], %broadcast_in_dim3A_930 {strides = array<i32>} : memref<1600xf32, #tpu.memory_space<vmem>>, vector<16xf32>,
      %swap3A_1075 = arith.constant 1152 : index
      %swap3A_1076 = tpu.vector_load %arg17[%swap3A_1075] {strides = array<i32>} : memref<1600xf32, #tpu.memory_space<vmem>>, vector<16xf32>,
      tpu.vector_store %arg17[%swap3A_1075], %broadcast_in_dim3A_930 {strides = array<i32>} : memref<1600xf32, #tpu.memory_space<vmem>>, vector<16xf32>,
      %swap3A_1077 = arith.constant 1168 : index
      %swap3A_1078 = tpu.vector_load %arg17[%swap3A_1077] {strides = array<i32>} : memref<1600xf32, #tpu.memory_space<vmem>>, vector<16xf32>,
      tpu.vector_store %arg17[%swap3A_1077], %broadcast_in_dim3A_930 {strides = array<i32>} : memref<1600xf32, #tpu.memory_space<vmem>>, vector<16xf32>,
      %swap3A_1079 = arith.constant 1184 : index
      %swap3A_1080 = tpu.vector_load %arg17[%swap3A_1079] {strides = array<i32>} : memref<1600xf32, #tpu.memory_space<vmem>>, vector<16xf32>,
      tpu.vector_store %arg17[%swap3A_1079], %broadcast_in_dim3A_930 {strides = array<i32>} : memref<1600xf32, #tpu.memory_space<vmem>>, vector<16xf32>,
      %swap3A_1081 = arith.constant 1200 : index
      %swap3A_1082 = tpu.vector_load %arg17[%swap3A_1081] {strides = array<i32>} : memref<1600xf32, #tpu.memory_space<vmem>>, vector<16xf32>,
      tpu.vector_store %arg17[%swap3A_1081], %broadcast_in_dim3A_930 {strides = array<i32>} : memref<1600xf32, #tpu.memory_space<vmem>>, vector<16xf32>,
      %swap3A_1083 = arith.constant 1216 : index
      %swap3A_1084 = tpu.vector_load %arg17[%swap3A_1083] {strides = array<i32>} : memref<1600xf32, #tpu.memory_space<vmem>>, vector<16xf32>,
      tpu.vector_store %arg17[%swap3A_1083], %broadcast_in_dim3A_930 {strides = array<i32>} : memref<1600xf32, #tpu.memory_space<vmem>>, vector<16xf32>,
      %swap3A_1085 = arith.constant 1232 : index
      %swap3A_1086 = tpu.vector_load %arg17[%swap3A_1085] {strides = array<i32>} : memref<1600xf32, #tpu.memory_space<vmem>>, vector<16xf32>,
      tpu.vector_store %arg17[%swap3A_1085], %broadcast_in_dim3A_930 {strides = array<i32>} : memref<1600xf32, #tpu.memory_space<vmem>>, vector<16xf32>,
      %swap3A_1087 = arith.constant 1248 : index
      %swap3A_1088 = tpu.vector_load %arg17[%swap3A_1087] {strides = array<i32>} : memref<1600xf32, #tpu.memory_space<vmem>>, vector<16xf32>,
      tpu.vector_store %arg17[%swap3A_1087], %broadcast_in_dim3A_930 {strides = array<i32>} : memref<1600xf32, #tpu.memory_space<vmem>>, vector<16xf32>,
      %swap3A_1089 = arith.constant 1264 : index
      %swap3A_1090 = tpu.vector_load %arg17[%swap3A_1089] {strides = array<i32>} : memref<1600xf32, #tpu.memory_space<vmem>>, vector<16xf32>,
      tpu.vector_store %arg17[%swap3A_1089], %broadcast_in_dim3A_930 {strides = array<i32>} : memref<1600xf32, #tpu.memory_space<vmem>>, vector<16xf32>,
      %swap3A_1091 = arith.constant 1280 : index
      %swap3A_1092 = tpu.vector_load %arg17[%swap3A_1091] {strides = array<i32>} : memref<1600xf32, #tpu.memory_space<vmem>>, vector<16xf32>,
      tpu.vector_store %arg17[%swap3A_1091], %broadcast_in_dim3A_930 {strides = array<i32>} : memref<1600xf32, #tpu.memory_space<vmem>>, vector<16xf32>,
      %swap3A_1093 = arith.constant 1296 : index
      %swap3A_1094 = tpu.vector_load %arg17[%swap3A_1093] {strides = array<i32>} : memref<1600xf32, #tpu.memory_space<vmem>>, vector<16xf32>,
      tpu.vector_store %arg17[%swap3A_1093], %broadcast_in_dim3A_930 {strides = array<i32>} : memref<1600xf32, #tpu.memory_space<vmem>>, vector<16xf32>,
      %swap3A_1095 = arith.constant 1312 : index
      %swap3A_1096 = tpu.vector_load %arg17[%swap3A_1095] {strides = array<i32>} : memref<1600xf32, #tpu.memory_space<vmem>>, vector<16xf32>,
      tpu.vector_store %arg17[%swap3A_1095], %broadcast_in_dim3A_930 {strides = array<i32>} : memref<1600xf32, #tpu.memory_space<vmem>>, vector<16xf32>,
      %swap3A_1097 = arith.constant 1328 : index
      %swap3A_1098 = tpu.vector_load %arg17[%swap3A_1097] {strides = array<i32>} : memref<1600xf32, #tpu.memory_space<vmem>>, vector<16xf32>,
      tpu.vector_store %arg17[%swap3A_1097], %broadcast_in_dim3A_930 {strides = array<i32>} : memref<1600xf32, #tpu.memory_space<vmem>>, vector<16xf32>,
      %swap3A_1099 = arith.constant 1344 : index
      %swap3A_1100 = tpu.vector_load %arg17[%swap3A_1099] {strides = array<i32>} : memref<1600xf32, #tpu.memory_space<vmem>>, vector<16xf32>,
      tpu.vector_store %arg17[%swap3A_1099], %broadcast_in_dim3A_930 {strides = array<i32>} : memref<1600xf32, #tpu.memory_space<vmem>>, vector<16xf32>,
      %swap3A_1101 = arith.constant 1360 : index
      %swap3A_1102 = tpu.vector_load %arg17[%swap3A_1101] {strides = array<i32>} : memref<1600xf32, #tpu.memory_space<vmem>>, vector<16xf32>,
      tpu.vector_store %arg17[%swap3A_1101], %broadcast_in_dim3A_930 {strides = array<i32>} : memref<1600xf32, #tpu.memory_space<vmem>>, vector<16xf32>,
      %swap3A_1103 = arith.constant 1376 : index
      %swap3A_1104 = tpu.vector_load %arg17[%swap3A_1103] {strides = array<i32>} : memref<1600xf32, #tpu.memory_space<vmem>>, vector<16xf32>,
      tpu.vector_store %arg17[%swap3A_1103], %broadcast_in_dim3A_930 {strides = array<i32>} : memref<1600xf32, #tpu.memory_space<vmem>>, vector<16xf32>,
      %swap3A_1105 = arith.constant 1392 : index
      %swap3A_1106 = tpu.vector_load %arg17[%swap3A_1105] {strides = array<i32>} : memref<1600xf32, #tpu.memory_space<vmem>>, vector<16xf32>,
      tpu.vector_store %arg17[%swap3A_1105], %broadcast_in_dim3A_930 {strides = array<i32>} : memref<1600xf32, #tpu.memory_space<vmem>>, vector<16xf32>,
      %swap3A_1107 = arith.constant 1408 : index
      %swap3A_1108 = tpu.vector_load %arg17[%swap3A_1107] {strides = array<i32>} : memref<1600xf32, #tpu.memory_space<vmem>>, vector<16xf32>,
      tpu.vector_store %arg17[%swap3A_1107], %broadcast_in_dim3A_930 {strides = array<i32>} : memref<1600xf32, #tpu.memory_space<vmem>>, vector<16xf32>,
      %swap3A_1109 = arith.constant 1424 : index
      %swap3A_1110 = tpu.vector_load %arg17[%swap3A_1109] {strides = array<i32>} : memref<1600xf32, #tpu.memory_space<vmem>>, vector<16xf32>,
      tpu.vector_store %arg17[%swap3A_1109], %broadcast_in_dim3A_930 {strides = array<i32>} : memref<1600xf32, #tpu.memory_space<vmem>>, vector<16xf32>,
      %swap3A_1111 = arith.constant 1440 : index
      %swap3A_1112 = tpu.vector_load %arg17[%swap3A_1111] {strides = array<i32>} : memref<1600xf32, #tpu.memory_space<vmem>>, vector<16xf32>,
      tpu.vector_store %arg17[%swap3A_1111], %broadcast_in_dim3A_930 {strides = array<i32>} : memref<1600xf32, #tpu.memory_space<vmem>>, vector<16xf32>,
      %swap3A_1113 = arith.constant 1456 : index
      %swap3A_1114 = tpu.vector_load %arg17[%swap3A_1113] {strides = array<i32>} : memref<1600xf32, #tpu.memory_space<vmem>>, vector<16xf32>,
      tpu.vector_store %arg17[%swap3A_1113], %broadcast_in_dim3A_930 {strides = array<i32>} : memref<1600xf32, #tpu.memory_space<vmem>>, vector<16xf32>,
      %swap3A_1115 = arith.constant 1472 : index
      %swap3A_1116 = tpu.vector_load %arg17[%swap3A_1115] {strides = array<i32>} : memref<1600xf32, #tpu.memory_space<vmem>>, vector<16xf32>,
      tpu.vector_store %arg17[%swap3A_1115], %broadcast_in_dim3A_930 {strides = array<i32>} : memref<1600xf32, #tpu.memory_space<vmem>>, vector<16xf32>,
      %swap3A_1117 = arith.constant 1488 : index
      %swap3A_1118 = tpu.vector_load %arg17[%swap3A_1117] {strides = array<i32>} : memref<1600xf32, #tpu.memory_space<vmem>>, vector<16xf32>,
      tpu.vector_store %arg17[%swap3A_1117], %broadcast_in_dim3A_930 {strides = array<i32>} : memref<1600xf32, #tpu.memory_space<vmem>>, vector<16xf32>,
      %swap3A_1119 = arith.constant 1504 : index
      %swap3A_1120 = tpu.vector_load %arg17[%swap3A_1119] {strides = array<i32>} : memref<1600xf32, #tpu.memory_space<vmem>>, vector<16xf32>,
      tpu.vector_store %arg17[%swap3A_1119], %broadcast_in_dim3A_930 {strides = array<i32>} : memref<1600xf32, #tpu.memory_space<vmem>>, vector<16xf32>,
      %swap3A_1121 = arith.constant 1520 : index
      %swap3A_1122 = tpu.vector_load %arg17[%swap3A_1121] {strides = array<i32>} : memref<1600xf32, #tpu.memory_space<vmem>>, vector<16xf32>,
      tpu.vector_store %arg17[%swap3A_1121], %broadcast_in_dim3A_930 {strides = array<i32>} : memref<1600xf32, #tpu.memory_space<vmem>>, vector<16xf32>,
      %swap3A_1123 = arith.constant 1536 : index
      %swap3A_1124 = tpu.vector_load %arg17[%swap3A_1123] {strides = array<i32>} : memref<1600xf32, #tpu.memory_space<vmem>>, vector<16xf32>,
      tpu.vector_store %arg17[%swap3A_1123], %broadcast_in_dim3A_930 {strides = array<i32>} : memref<1600xf32, #tpu.memory_space<vmem>>, vector<16xf32>,
      %swap3A_1125 = arith.constant 1552 : index
      %swap3A_1126 = tpu.vector_load %arg17[%swap3A_1125] {strides = array<i32>} : memref<1600xf32, #tpu.memory_space<vmem>>, vector<16xf32>,
      tpu.vector_store %arg17[%swap3A_1125], %broadcast_in_dim3A_930 {strides = array<i32>} : memref<1600xf32, #tpu.memory_space<vmem>>, vector<16xf32>,
      %swap3A_1127 = arith.constant 1568 : index
      %swap3A_1128 = tpu.vector_load %arg17[%swap3A_1127] {strides = array<i32>} : memref<1600xf32, #tpu.memory_space<vmem>>, vector<16xf32>,
      tpu.vector_store %arg17[%swap3A_1127], %broadcast_in_dim3A_930 {strides = array<i32>} : memref<1600xf32, #tpu.memory_space<vmem>>, vector<16xf32>,
      %swap3A_1129 = arith.constant 1584 : index
      %swap3A_1130 = tpu.vector_load %arg17[%swap3A_1129] {strides = array<i32>} : memref<1600xf32, #tpu.memory_space<vmem>>, vector<16xf32>,
      tpu.vector_store %arg17[%swap3A_1129], %broadcast_in_dim3A_930 {strides = array<i32>} : memref<1600xf32, #tpu.memory_space<vmem>>, vector<16xf32>,
    } else {
    }
    tpu.wait_dma2 semaphore(%arg19 : memref<!tpu.dma_semaphore, #tpu.memory_space<semaphore_mem>>) src(%arg2 : memref<20000xf32, #tpu.memory_space<hbm>>) dst(%arg5 : memref<20000xf32, #tpu.memory_space<vmem>>)
    %scan3A = arith.constant 0 : i32
    %scan3A_920 = arith.constant false
    %scan3A_921 = arith.constant 0 : i32
    %scan3A_922 = arith.constant 100 : i32
    %scan3A_923 = arith.addi %scan3A_921, %scan3A_922 : i32
    %scan3A_924 = arith.constant 1 : i32
    %scan3A_925:2 = scf.for %scan3A_930 = %scan3A_921 to %scan3A_923 step %scan3A_924 iter_args(%scan3A_931 = %scan3A, %scan3A_932 = %scan3A_920) -> (i32, i1)  : i32 {
      %get3A_933 = arith.constant 0 : index
      %get3A_934 = tpu.vector_load %arg15[%get3A_933] {strides = array<i32>} : memref<16xf32, #tpu.memory_space<vmem>>, vector<16xf32>,
      %get3A_935 = arith.constant 0 : index
      %get3A_936 = tpu.vector_load %arg16[%get3A_935] {strides = array<i32>} : memref<16xi32, #tpu.memory_space<vmem>>, vector<16xi32>,
      %reduce_max3A = arith.constant true
      %reduce_max3A_937 = vector.broadcast %reduce_max3A : i1 to vector<16xi1>
      %reduce_max3A_938 = tpu.scan <max>, %get3A_934 masked %reduce_max3A_937 : vector<16xf32>, vector<16xi1> -> vector<16xf32>
      %reduce_max3A_939 = vector.extract %reduce_max3A_938[15] : f32 from vector<16xf32>
      %eq3A_940 = vector.broadcast %reduce_max3A_939 : f32 to vector<16xf32>
      %eq3A_941 = arith.cmpf oeq, %get3A_934, %eq3A_940 : vector<16xf32>
      %jit3A = arith.constant 1073741824 : i32
      %broadcast_in_dim3A = vector.broadcast %jit3A : i32 to vector<16xi32>
      %select_n3A_942 = arith.select %eq3A_941, %get3A_936, %broadcast_in_dim3A : vector<16xi1>, vector<16xi32>
      %reduce_min3A = arith.constant true
      %reduce_min3A_943 = vector.broadcast %reduce_min3A : i1 to vector<16xi1>
      %reduce_min3A_944 = arith.constant -2147483648 : i32
      %reduce_min3A_945 = vector.broadcast %reduce_min3A_944 : i32 to vector<16xi32>
      %reduce_min3A_946 = arith.xori %select_n3A_942, %reduce_min3A_945 : vector<16xi32>
      %reduce_min3A_947 = tpu.scan <min>, %reduce_min3A_946 masked %reduce_min3A_943 : vector<16xi32>, vector<16xi1> -> vector<16xi32>
      %reduce_min3A_948 = arith.xori %reduce_min3A_947, %reduce_min3A_945 : vector<16xi32>
      %reduce_min3A_949 = vector.extract %reduce_min3A_948[15] : i32 from vector<16xi32>
      %jit3A_950 = arith.constant 2 : i32
      %eq3A_951 = arith.constant 0 : i32
      %eq3A_952 = arith.cmpi eq, %jit3A_950, %eq3A_951 : i32
      %jit3A_953 = arith.constant 1 : i32
      %select_n3A_954 = arith.select %eq3A_952, %jit3A_953, %jit3A_950 : i32
      %rem3A = arith.remsi %scan3A_930, %select_n3A_954 : i32
      %ne3A = arith.constant 0 : i32
      %ne3A_955 = arith.cmpi ne, %rem3A, %ne3A : i32
      %lt3A = arith.constant 0 : i32
      %lt3A_956 = arith.cmpi slt, %rem3A, %lt3A : i32
      %lt3A_957 = arith.constant 0 : i32
      %lt3A_958 = arith.cmpi slt, %select_n3A_954, %lt3A_957 : i32
      %ne3A_959 = arith.xori %lt3A_956, %lt3A_958 : i1
      %and3A_960 = arith.andi %ne3A_959, %ne3A_955 : i1
      %add3A_961 = arith.addi %rem3A, %select_n3A_954 : i32
      %select_n3A_962 = arith.select %and3A_960, %add3A_961, %rem3A : i32
      %mul3A_963 = arith.constant 256 : i32
      %mul3A_964 = arith.muli %select_n3A_962, %mul3A_963 : i32
      %multiple_of3A = tpu.assume_multiple %mul3A_964, 256 : i32
      %eq3A_965 = arith.constant 1 : i32
      %eq3A_966 = vector.broadcast %eq3A_965 : i32 to vector<16xi32>
      %eq3A_967 = arith.cmpi eq, %iota3A, %eq3A_966 : vector<16xi32>
      %jit3A_968 = arith.constant 0 : i32
      %broadcast_in_dim3A_969 = vector.broadcast %reduce_min3A_949 : i32 to vector<16xi32>
      %broadcast_in_dim3A_970 = vector.broadcast %jit3A_968 : i32 to vector<16xi32>
      %select_n3A_971 = arith.select %eq3A_967, %broadcast_in_dim3A_969, %broadcast_in_dim3A_970 : vector<16xi1>, vector<16xi32>
      %bitcast3A = vector.bitcast %select_n3A_971 : vector<16xi32> to vector<16xf32>
      %eq3A_972 = arith.constant 0 : i32
      %eq3A_973 = vector.broadcast %eq3A_972 : i32 to vector<16xi32>
      %eq3A_974 = arith.cmpi eq, %iota3A, %eq3A_973 : vector<16xi32>
      %broadcast_in_dim3A_975 = vector.broadcast %reduce_max3A_939 : f32 to vector<16xf32>
      %select_n3A_976 = arith.select %eq3A_974, %broadcast_in_dim3A_975, %bitcast3A : vector<16xi1>, vector<16xf32>
      %swap3A_977 = arith.constant 0 : index
      %swap3A_978 = tpu.vector_load %arg13[%swap3A_977] {strides = array<i32>} : memref<16xf32, #tpu.memory_space<vmem>>, vector<16xf32>,
      tpu.vector_store %arg13[%swap3A_977], %select_n3A_976 {strides = array<i32>} : memref<16xf32, #tpu.memory_space<vmem>>, vector<16xf32>,
      %mul3A_979 = arith.constant 16 : i32
      %mul3A_980 = arith.muli %arg1, %mul3A_979 : i32
      %multiple_of3A_981 = tpu.assume_multiple %mul3A_980, 16 : i32
      %add3A_982 = arith.addi %multiple_of3A, %multiple_of3A_981 : i32
      "tpu.region"() ({
        %run_scoped3A = tpu.sem_alloc : memref<!tpu.dma_semaphore, #tpu.memory_space<semaphore_mem>>
        %dma_start3A = tpu.memref_slice %arg18[%add3A_982] : memref<512xf32, #tpu.memory_space<vmem_shared>> -> memref<16xf32, #tpu.memory_space<vmem_shared>>
        %dma_start3A_1021 = tpu.memref_slice %arg18[%add3A_982] : memref<512xf32, #tpu.memory_space<vmem_shared>> -> memref<16xf32, #tpu.memory_space<vmem_shared>>
        tpu.enqueue_dma source(%arg13 : memref<16xf32, #tpu.memory_space<vmem>>) target(%dma_start3A_1021 : memref<16xf32, #tpu.memory_space<vmem_shared>>) target_semaphore(%run_scoped3A : memref<!tpu.dma_semaphore, #tpu.memory_space<semaphore_mem>>)
        %dma_wait3A = tpu.memref_slice %arg18[%add3A_982] : memref<512xf32, #tpu.memory_space<vmem_shared>> -> memref<16xf32, #tpu.memory_space<vmem_shared>>
        %dma_wait3A_1022 = tpu.memref_slice %arg18[%add3A_982] : memref<512xf32, #tpu.memory_space<vmem_shared>> -> memref<16xf32, #tpu.memory_space<vmem_shared>>
        tpu.wait_dma2 semaphore(%run_scoped3A : memref<!tpu.dma_semaphore, #tpu.memory_space<semaphore_mem>>) src(%arg13 : memref<16xf32, #tpu.memory_space<vmem>>) dst(%dma_wait3A_1022 : memref<16xf32, #tpu.memory_space<vmem_shared>>)
        tpu.yield
      }) : () -> ()
      %barrier3A = arith.constant 0 : index
      tpu.barrier barrier_id(%barrier3A)
      "tpu.region"() ({
        %run_scoped3A = tpu.sem_alloc : memref<!tpu.dma_semaphore, #tpu.memory_space<semaphore_mem>>
        %dma_start3A = tpu.memref_slice %arg18[%multiple_of3A] : memref<512xf32, #tpu.memory_space<vmem_shared>> -> memref<256xf32, #tpu.memory_space<vmem_shared>>
        %dma_start3A_1021 = tpu.memref_slice %arg18[%multiple_of3A] : memref<512xf32, #tpu.memory_space<vmem_shared>> -> memref<256xf32, #tpu.memory_space<vmem_shared>>
        tpu.enqueue_dma source(%dma_start3A_1021 : memref<256xf32, #tpu.memory_space<vmem_shared>>) target(%arg14 : memref<256xf32, #tpu.memory_space<vmem>>) target_semaphore(%run_scoped3A : memref<!tpu.dma_semaphore, #tpu.memory_space<semaphore_mem>>)
        %dma_wait3A = tpu.memref_slice %arg18[%multiple_of3A] : memref<512xf32, #tpu.memory_space<vmem_shared>> -> memref<256xf32, #tpu.memory_space<vmem_shared>>
        %dma_wait3A_1022 = tpu.memref_slice %arg18[%multiple_of3A] : memref<512xf32, #tpu.memory_space<vmem_shared>> -> memref<256xf32, #tpu.memory_space<vmem_shared>>
        tpu.wait_dma2 semaphore(%run_scoped3A : memref<!tpu.dma_semaphore, #tpu.memory_space<semaphore_mem>>) src(%dma_wait3A_1022 : memref<256xf32, #tpu.memory_space<vmem_shared>>) dst(%arg14 : memref<256xf32, #tpu.memory_space<vmem>>)
        tpu.yield
      }) : () -> ()
      %mul3A_983 = arith.constant 16 : i32
      %mul3A_984 = vector.broadcast %mul3A_983 : i32 to vector<16xi32>
      %mul3A_985 = arith.muli %iota3A, %mul3A_984 : vector<16xi32>
      %gather3A_986 = tpu.vector_load_idx %arg14[%mul3A_985] : memref<256xf32, #tpu.memory_space<vmem>>[vector<16xi32>], vector<16xf32>,
      %mul3A_987 = arith.constant 16 : i32
      %mul3A_988 = vector.broadcast %mul3A_987 : i32 to vector<16xi32>
      %mul3A_989 = arith.muli %iota3A, %mul3A_988 : vector<16xi32>
      %add3A_990 = arith.constant 1 : i32
      %add3A_991 = vector.broadcast %add3A_990 : i32 to vector<16xi32>
      %add3A_992 = arith.addi %mul3A_989, %add3A_991 : vector<16xi32>
      %gather3A_993 = tpu.vector_load_idx %arg14[%add3A_992] : memref<256xf32, #tpu.memory_space<vmem>>[vector<16xi32>], vector<16xf32>,
      %bitcast3A_994 = vector.bitcast %gather3A_993 : vector<16xf32> to vector<16xi32>
      %reduce_max3A_995 = arith.constant true
      %reduce_max3A_996 = vector.broadcast %reduce_max3A_995 : i1 to vector<16xi1>
      %reduce_max3A_997 = tpu.scan <max>, %gather3A_986 masked %reduce_max3A_996 : vector<16xf32>, vector<16xi1> -> vector<16xf32>
      %reduce_max3A_998 = vector.extract %reduce_max3A_997[15] : f32 from vector<16xf32>
      %eq3A_999 = vector.broadcast %reduce_max3A_998 : f32 to vector<16xf32>
      %eq3A_1000 = arith.cmpf oeq, %gather3A_986, %eq3A_999 : vector<16xf32>
      %jit3A_1001 = arith.constant 1073741824 : i32
      %broadcast_in_dim3A_1002 = vector.broadcast %jit3A_1001 : i32 to vector<16xi32>
      %select_n3A_1003 = arith.select %eq3A_1000, %bitcast3A_994, %broadcast_in_dim3A_1002 : vector<16xi1>, vector<16xi32>
      %reduce_min3A_1004 = arith.constant true
      %reduce_min3A_1005 = vector.broadcast %reduce_min3A_1004 : i1 to vector<16xi1>
      %reduce_min3A_1006 = arith.constant -2147483648 : i32
      %reduce_min3A_1007 = vector.broadcast %reduce_min3A_1006 : i32 to vector<16xi32>
      %reduce_min3A_1008 = arith.xori %select_n3A_1003, %reduce_min3A_1007 : vector<16xi32>
      %reduce_min3A_1009 = tpu.scan <min>, %reduce_min3A_1008 masked %reduce_min3A_1005 : vector<16xi32>, vector<16xi1> -> vector<16xi32>
      %reduce_min3A_1010 = arith.xori %reduce_min3A_1009, %reduce_min3A_1007 : vector<16xi32>
      %reduce_min3A_1011 = vector.extract %reduce_min3A_1010[15] : i32 from vector<16xi32>
      %le3A = arith.constant 5.000000e-02 : f32
      %le3A_1012 = arith.cmpf ole, %reduce_max3A_998, %le3A : f32
      %or3A = arith.ori %scan3A_932, %le3A_1012 : i1
      %not3A = arith.constant true
      %not3A_1013 = arith.xori %or3A, %not3A : i1
      %convert_element_type3A_1014 = arith.extui %not3A_1013 : i1 to i32
      %cond3A_1015 = arith.constant 0 : i32
      %cond3A_1016 = arith.cmpi ne, %convert_element_type3A_1014, %cond3A_1015 : i32
      scf.if %cond3A_1016 {
        %mul3A_1021 = arith.constant 4 : i32
        %mul3A_1022 = arith.muli %reduce_min3A_1011, %mul3A_1021 : i32
        %broadcast_in_dim3A_1023 = vector.broadcast %mul3A_1022 : i32 to vector<16xi32>
        %gather3A_1024 = tpu.vector_load_idx %arg5[%broadcast_in_dim3A_1023] : memref<20000xf32, #tpu.memory_space<vmem>>[vector<16xi32>], vector<16xf32>,
        %add3A_1025 = arith.constant 1 : i32
        %add3A_1026 = vector.broadcast %add3A_1025 : i32 to vector<16xi32>
        %add3A_1027 = arith.addi %broadcast_in_dim3A_1023, %add3A_1026 : vector<16xi32>
        %gather3A_1028 = tpu.vector_load_idx %arg5[%add3A_1027] : memref<20000xf32, #tpu.memory_space<vmem>>[vector<16xi32>], vector<16xf32>,
        %add3A_1029 = arith.constant 2 : i32
        %add3A_1030 = vector.broadcast %add3A_1029 : i32 to vector<16xi32>
        %add3A_1031 = arith.addi %broadcast_in_dim3A_1023, %add3A_1030 : vector<16xi32>
        %gather3A_1032 = tpu.vector_load_idx %arg5[%add3A_1031] : memref<20000xf32, #tpu.memory_space<vmem>>[vector<16xi32>], vector<16xf32>,
        %add3A_1033 = arith.constant 3 : i32
        %add3A_1034 = vector.broadcast %add3A_1033 : i32 to vector<16xi32>
        %add3A_1035 = arith.addi %broadcast_in_dim3A_1023, %add3A_1034 : vector<16xi32>
        %gather3A_1036 = tpu.vector_load_idx %arg5[%add3A_1035] : memref<20000xf32, #tpu.memory_space<vmem>>[vector<16xi32>], vector<16xf32>,
        %sub3A_1037 = arith.subf %gather3A_1032, %gather3A_1024 : vector<16xf32>
        %max3A_1038 = arith.constant 0.000000e+00 : f32
        %max3A_1039 = vector.broadcast %max3A_1038 : f32 to vector<16xf32>
        %max3A_1040 = arith.maximumf %sub3A_1037, %max3A_1039 : vector<16xf32>
        %sub3A_1041 = arith.subf %gather3A_1036, %gather3A_1028 : vector<16xf32>
        %max3A_1042 = arith.constant 0.000000e+00 : f32
        %max3A_1043 = vector.broadcast %max3A_1042 : f32 to vector<16xf32>
        %max3A_1044 = arith.maximumf %sub3A_1041, %max3A_1043 : vector<16xf32>
        %mul3A_1045 = arith.mulf %max3A_1040, %max3A_1044 : vector<16xf32>
        %convert_element_type3A_1046 = arith.extui %and3A : i1 to i32
        %cond3A_1047 = arith.constant 0 : i32
        %cond3A_1048 = arith.cmpi ne, %convert_element_type3A_1046, %cond3A_1047 : i32
        scf.if %cond3A_1048 {
          %broadcast_in_dim3A_2014 = vector.broadcast %reduce_max3A_998 : f32 to vector<16xf32>
          %eq3A_2015 = arith.constant 0 : i32
          %eq3A_2016 = vector.broadcast %eq3A_2015 : i32 to vector<16xi32>
          %eq3A_2017 = arith.cmpi eq, %iota3A, %eq3A_2016 : vector<16xi32>
          %eq3A_2018 = arith.constant 1 : i32
          %eq3A_2019 = vector.broadcast %eq3A_2018 : i32 to vector<16xi32>
          %eq3A_2020 = arith.cmpi eq, %iota3A, %eq3A_2019 : vector<16xi32>
          %eq3A_2021 = arith.constant 2 : i32
          %eq3A_2022 = vector.broadcast %eq3A_2021 : i32 to vector<16xi32>
          %eq3A_2023 = arith.cmpi eq, %iota3A, %eq3A_2022 : vector<16xi32>
          %eq3A_2024 = arith.constant 3 : i32
          %eq3A_2025 = vector.broadcast %eq3A_2024 : i32 to vector<16xi32>
          %eq3A_2026 = arith.cmpi eq, %iota3A, %eq3A_2025 : vector<16xi32>
          %eq3A_2027 = arith.constant 4 : i32
          %eq3A_2028 = vector.broadcast %eq3A_2027 : i32 to vector<16xi32>
          %eq3A_2029 = arith.cmpi eq, %iota3A, %eq3A_2028 : vector<16xi32>
          %jit3A_2030 = arith.constant 0.000000e+00 : f32
          %broadcast_in_dim3A_2031 = vector.broadcast %jit3A_2030 : f32 to vector<16xf32>
          %select_n3A_2032 = arith.select %eq3A_2029, %broadcast_in_dim3A_2014, %broadcast_in_dim3A_2031 : vector<16xi1>, vector<16xf32>
          %select_n3A_2033 = arith.select %eq3A_2026, %gather3A_1036, %select_n3A_2032 : vector<16xi1>, vector<16xf32>
          %select_n3A_2034 = arith.select %eq3A_2023, %gather3A_1032, %select_n3A_2033 : vector<16xi1>, vector<16xf32>
          %select_n3A_2035 = arith.select %eq3A_2020, %gather3A_1028, %select_n3A_2034 : vector<16xi1>, vector<16xf32>
          %select_n3A_2036 = arith.select %eq3A_2017, %gather3A_1024, %select_n3A_2035 : vector<16xi1>, vector<16xf32>
          %mul3A_2037 = arith.constant 16 : i32
          %mul3A_2038 = arith.muli %scan3A_931, %mul3A_2037 : i32
          %multiple_of3A_2039 = tpu.assume_multiple %mul3A_2038, 16 : i32
          %swap3A_2040 = arith.index_cast %multiple_of3A_2039 : i32 to index
          %swap3A_2041 = tpu.vector_load %arg17[%swap3A_2040] {strides = array<i32>} : memref<1600xf32, #tpu.memory_space<vmem>>, vector<16xf32>,
          tpu.vector_store %arg17[%swap3A_2040], %select_n3A_2036 {strides = array<i32>} : memref<1600xf32, #tpu.memory_space<vmem>>, vector<16xf32>,
        } else {
        }
        %broadcast_in_dim3A_1049 = arith.constant 0xFF800000 : f32
        %broadcast_in_dim3A_1050 = vector.broadcast %broadcast_in_dim3A_1049 : f32 to vector<16xf32>
        %get3A_1051 = arith.constant 0 : index
        %get3A_1052 = tpu.vector_load %arg7[%get3A_1051] {strides = array<i32>} : memref<320xf32, #tpu.memory_space<vmem>>, vector<16xf32>,
        %max3A_1053 = arith.maximumf %gather3A_1024, %get3A_1052 : vector<16xf32>
        %get3A_1054 = arith.constant 0 : index
        %get3A_1055 = tpu.vector_load %arg8[%get3A_1054] {strides = array<i32>} : memref<320xf32, #tpu.memory_space<vmem>>, vector<16xf32>,
        %max3A_1056 = arith.maximumf %gather3A_1028, %get3A_1055 : vector<16xf32>
        %get3A_1057 = arith.constant 0 : index
        %get3A_1058 = tpu.vector_load %arg9[%get3A_1057] {strides = array<i32>} : memref<320xf32, #tpu.memory_space<vmem>>, vector<16xf32>,
        %min3A_1059 = arith.minimumf %gather3A_1032, %get3A_1058 : vector<16xf32>
        %get3A_1060 = arith.constant 0 : index
        %get3A_1061 = tpu.vector_load %arg10[%get3A_1060] {strides = array<i32>} : memref<320xf32, #tpu.memory_space<vmem>>, vector<16xf32>,
        %min3A_1062 = arith.minimumf %gather3A_1036, %get3A_1061 : vector<16xf32>
        %sub3A_1063 = arith.subf %min3A_1059, %max3A_1053 : vector<16xf32>
        %max3A_1064 = arith.constant 0.000000e+00 : f32
        %max3A_1065 = vector.broadcast %max3A_1064 : f32 to vector<16xf32>
        %max3A_1066 = arith.maximumf %sub3A_1063, %max3A_1065 : vector<16xf32>
        %sub3A_1067 = arith.subf %min3A_1062, %max3A_1056 : vector<16xf32>
        %max3A_1068 = arith.constant 0.000000e+00 : f32
        %max3A_1069 = vector.broadcast %max3A_1068 : f32 to vector<16xf32>
        %max3A_1070 = arith.maximumf %sub3A_1067, %max3A_1069 : vector<16xf32>
        %mul3A_1071 = arith.mulf %max3A_1066, %max3A_1070 : vector<16xf32>
        %get3A_1072 = arith.constant 0 : index
        %get3A_1073 = tpu.vector_load %arg12[%get3A_1072] {strides = array<i32>} : memref<320xf32, #tpu.memory_space<vmem>>, vector<16xf32>,
        %add3A_1074 = arith.addf %mul3A_1045, %get3A_1073 : vector<16xf32>
        %sub3A_1075 = arith.subf %add3A_1074, %mul3A_1071 : vector<16xf32>
        %add3A_1076 = arith.constant 9.99999971E-10 : f32
        %add3A_1077 = vector.broadcast %add3A_1076 : f32 to vector<16xf32>
        %add3A_1078 = arith.addf %sub3A_1075, %add3A_1077 : vector<16xf32>
        %div3A = arith.divf %mul3A_1071, %add3A_1078 : vector<16xf32>
        %add3A_1079 = arith.constant 0 : i32
        %add3A_1080 = vector.broadcast %add3A_1079 : i32 to vector<16xi32>
        %add3A_1081 = arith.addi %add3A_5, %add3A_1080 : vector<16xi32>
        %gt3A_1082 = arith.constant 5.000000e-01 : f32
        %gt3A_1083 = vector.broadcast %gt3A_1082 : f32 to vector<16xf32>
        %gt3A_1084 = arith.cmpf ogt, %div3A, %gt3A_1083 : vector<16xf32>
        %eq3A_1085 = vector.broadcast %reduce_min3A_1011 : i32 to vector<16xi32>
        %eq3A_1086 = arith.cmpi eq, %add3A_1081, %eq3A_1085 : vector<16xi32>
        %or3A_1087 = arith.ori %gt3A_1084, %eq3A_1086 : vector<16xi1>
        %get3A_1088 = arith.constant 0 : index
        %get3A_1089 = tpu.vector_load %arg11[%get3A_1088] {strides = array<i32>} : memref<320xf32, #tpu.memory_space<vmem>>, vector<16xf32>,
        %jit3A_1090 = arith.constant 0xFF800000 : f32
        %broadcast_in_dim3A_1091 = vector.broadcast %jit3A_1090 : f32 to vector<16xf32>
        %select_n3A_1092 = arith.select %or3A_1087, %broadcast_in_dim3A_1091, %get3A_1089 : vector<16xi1>, vector<16xf32>
        %swap3A_1093 = arith.constant 0 : index
        %swap3A_1094 = tpu.vector_load %arg11[%swap3A_1093] {strides = array<i32>} : memref<320xf32, #tpu.memory_space<vmem>>, vector<16xf32>,
        tpu.vector_store %arg11[%swap3A_1093], %select_n3A_1092 {strides = array<i32>} : memref<320xf32, #tpu.memory_space<vmem>>, vector<16xf32>,
        %gt3A_1095 = arith.cmpf ogt, %select_n3A_1092, %broadcast_in_dim3A_1050 : vector<16xf32>
        %select_n3A_1096 = arith.select %gt3A_1095, %select_n3A_1092, %broadcast_in_dim3A_1050 : vector<16xi1>, vector<16xf32>
        %select_n3A_1097 = arith.select %gt3A_1095, %add3A_1081, %add3A_5 : vector<16xi1>, vector<16xi32>
        %get3A_1098 = arith.constant 16 : index
        %get3A_1099 = tpu.vector_load %arg7[%get3A_1098] {strides = array<i32>} : memref<320xf32, #tpu.memory_space<vmem>>, vector<16xf32>,
        %max3A_1100 = arith.maximumf %gather3A_1024, %get3A_1099 : vector<16xf32>
        %get3A_1101 = arith.constant 16 : index
        %get3A_1102 = tpu.vector_load %arg8[%get3A_1101] {strides = array<i32>} : memref<320xf32, #tpu.memory_space<vmem>>, vector<16xf32>,
        %max3A_1103 = arith.maximumf %gather3A_1028, %get3A_1102 : vector<16xf32>
        %get3A_1104 = arith.constant 16 : index
        %get3A_1105 = tpu.vector_load %arg9[%get3A_1104] {strides = array<i32>} : memref<320xf32, #tpu.memory_space<vmem>>, vector<16xf32>,
        %min3A_1106 = arith.minimumf %gather3A_1032, %get3A_1105 : vector<16xf32>
        %get3A_1107 = arith.constant 16 : index
        %get3A_1108 = tpu.vector_load %arg10[%get3A_1107] {strides = array<i32>} : memref<320xf32, #tpu.memory_space<vmem>>, vector<16xf32>,
        %min3A_1109 = arith.minimumf %gather3A_1036, %get3A_1108 : vector<16xf32>
        %sub3A_1110 = arith.subf %min3A_1106, %max3A_1100 : vector<16xf32>
        %max3A_1111 = arith.constant 0.000000e+00 : f32
        %max3A_1112 = vector.broadcast %max3A_1111 : f32 to vector<16xf32>
        %max3A_1113 = arith.maximumf %sub3A_1110, %max3A_1112 : vector<16xf32>
        %sub3A_1114 = arith.subf %min3A_1109, %max3A_1103 : vector<16xf32>
        %max3A_1115 = arith.constant 0.000000e+00 : f32
        %max3A_1116 = vector.broadcast %max3A_1115 : f32 to vector<16xf32>
        %max3A_1117 = arith.maximumf %sub3A_1114, %max3A_1116 : vector<16xf32>
        %mul3A_1118 = arith.mulf %max3A_1113, %max3A_1117 : vector<16xf32>
        %get3A_1119 = arith.constant 16 : index
        %get3A_1120 = tpu.vector_load %arg12[%get3A_1119] {strides = array<i32>} : memref<320xf32, #tpu.memory_space<vmem>>, vector<16xf32>,
        %add3A_1121 = arith.addf %mul3A_1045, %get3A_1120 : vector<16xf32>
        %sub3A_1122 = arith.subf %add3A_1121, %mul3A_1118 : vector<16xf32>
        %add3A_1123 = arith.constant 9.99999971E-10 : f32
        %add3A_1124 = vector.broadcast %add3A_1123 : f32 to vector<16xf32>
        %add3A_1125 = arith.addf %sub3A_1122, %add3A_1124 : vector<16xf32>
        %div3A_1126 = arith.divf %mul3A_1118, %add3A_1125 : vector<16xf32>
        %add3A_1127 = arith.constant 16 : i32
        %add3A_1128 = vector.broadcast %add3A_1127 : i32 to vector<16xi32>
        %add3A_1129 = arith.addi %add3A_5, %add3A_1128 : vector<16xi32>
        %gt3A_1130 = arith.constant 5.000000e-01 : f32
        %gt3A_1131 = vector.broadcast %gt3A_1130 : f32 to vector<16xf32>
        %gt3A_1132 = arith.cmpf ogt, %div3A_1126, %gt3A_1131 : vector<16xf32>
        %eq3A_1133 = vector.broadcast %reduce_min3A_1011 : i32 to vector<16xi32>
        %eq3A_1134 = arith.cmpi eq, %add3A_1129, %eq3A_1133 : vector<16xi32>
        %or3A_1135 = arith.ori %gt3A_1132, %eq3A_1134 : vector<16xi1>
        %get3A_1136 = arith.constant 16 : index
        %get3A_1137 = tpu.vector_load %arg11[%get3A_1136] {strides = array<i32>} : memref<320xf32, #tpu.memory_space<vmem>>, vector<16xf32>,
        %jit3A_1138 = arith.constant 0xFF800000 : f32
        %broadcast_in_dim3A_1139 = vector.broadcast %jit3A_1138 : f32 to vector<16xf32>
        %select_n3A_1140 = arith.select %or3A_1135, %broadcast_in_dim3A_1139, %get3A_1137 : vector<16xi1>, vector<16xf32>
        %swap3A_1141 = arith.constant 16 : index
        %swap3A_1142 = tpu.vector_load %arg11[%swap3A_1141] {strides = array<i32>} : memref<320xf32, #tpu.memory_space<vmem>>, vector<16xf32>,
        tpu.vector_store %arg11[%swap3A_1141], %select_n3A_1140 {strides = array<i32>} : memref<320xf32, #tpu.memory_space<vmem>>, vector<16xf32>,
        %gt3A_1143 = arith.cmpf ogt, %select_n3A_1140, %select_n3A_1096 : vector<16xf32>
        %select_n3A_1144 = arith.select %gt3A_1143, %select_n3A_1140, %select_n3A_1096 : vector<16xi1>, vector<16xf32>
        %select_n3A_1145 = arith.select %gt3A_1143, %add3A_1129, %select_n3A_1097 : vector<16xi1>, vector<16xi32>
        %get3A_1146 = arith.constant 32 : index
        %get3A_1147 = tpu.vector_load %arg7[%get3A_1146] {strides = array<i32>} : memref<320xf32, #tpu.memory_space<vmem>>, vector<16xf32>,
        %max3A_1148 = arith.maximumf %gather3A_1024, %get3A_1147 : vector<16xf32>
        %get3A_1149 = arith.constant 32 : index
        %get3A_1150 = tpu.vector_load %arg8[%get3A_1149] {strides = array<i32>} : memref<320xf32, #tpu.memory_space<vmem>>, vector<16xf32>,
        %max3A_1151 = arith.maximumf %gather3A_1028, %get3A_1150 : vector<16xf32>
        %get3A_1152 = arith.constant 32 : index
        %get3A_1153 = tpu.vector_load %arg9[%get3A_1152] {strides = array<i32>} : memref<320xf32, #tpu.memory_space<vmem>>, vector<16xf32>,
        %min3A_1154 = arith.minimumf %gather3A_1032, %get3A_1153 : vector<16xf32>
        %get3A_1155 = arith.constant 32 : index
        %get3A_1156 = tpu.vector_load %arg10[%get3A_1155] {strides = array<i32>} : memref<320xf32, #tpu.memory_space<vmem>>, vector<16xf32>,
        %min3A_1157 = arith.minimumf %gather3A_1036, %get3A_1156 : vector<16xf32>
        %sub3A_1158 = arith.subf %min3A_1154, %max3A_1148 : vector<16xf32>
        %max3A_1159 = arith.constant 0.000000e+00 : f32
        %max3A_1160 = vector.broadcast %max3A_1159 : f32 to vector<16xf32>
        %max3A_1161 = arith.maximumf %sub3A_1158, %max3A_1160 : vector<16xf32>
        %sub3A_1162 = arith.subf %min3A_1157, %max3A_1151 : vector<16xf32>
        %max3A_1163 = arith.constant 0.000000e+00 : f32
        %max3A_1164 = vector.broadcast %max3A_1163 : f32 to vector<16xf32>
        %max3A_1165 = arith.maximumf %sub3A_1162, %max3A_1164 : vector<16xf32>
        %mul3A_1166 = arith.mulf %max3A_1161, %max3A_1165 : vector<16xf32>
        %get3A_1167 = arith.constant 32 : index
        %get3A_1168 = tpu.vector_load %arg12[%get3A_1167] {strides = array<i32>} : memref<320xf32, #tpu.memory_space<vmem>>, vector<16xf32>,
        %add3A_1169 = arith.addf %mul3A_1045, %get3A_1168 : vector<16xf32>
        %sub3A_1170 = arith.subf %add3A_1169, %mul3A_1166 : vector<16xf32>
        %add3A_1171 = arith.constant 9.99999971E-10 : f32
        %add3A_1172 = vector.broadcast %add3A_1171 : f32 to vector<16xf32>
        %add3A_1173 = arith.addf %sub3A_1170, %add3A_1172 : vector<16xf32>
        %div3A_1174 = arith.divf %mul3A_1166, %add3A_1173 : vector<16xf32>
        %add3A_1175 = arith.constant 32 : i32
        %add3A_1176 = vector.broadcast %add3A_1175 : i32 to vector<16xi32>
        %add3A_1177 = arith.addi %add3A_5, %add3A_1176 : vector<16xi32>
        %gt3A_1178 = arith.constant 5.000000e-01 : f32
        %gt3A_1179 = vector.broadcast %gt3A_1178 : f32 to vector<16xf32>
        %gt3A_1180 = arith.cmpf ogt, %div3A_1174, %gt3A_1179 : vector<16xf32>
        %eq3A_1181 = vector.broadcast %reduce_min3A_1011 : i32 to vector<16xi32>
        %eq3A_1182 = arith.cmpi eq, %add3A_1177, %eq3A_1181 : vector<16xi32>
        %or3A_1183 = arith.ori %gt3A_1180, %eq3A_1182 : vector<16xi1>
        %get3A_1184 = arith.constant 32 : index
        %get3A_1185 = tpu.vector_load %arg11[%get3A_1184] {strides = array<i32>} : memref<320xf32, #tpu.memory_space<vmem>>, vector<16xf32>,
        %jit3A_1186 = arith.constant 0xFF800000 : f32
        %broadcast_in_dim3A_1187 = vector.broadcast %jit3A_1186 : f32 to vector<16xf32>
        %select_n3A_1188 = arith.select %or3A_1183, %broadcast_in_dim3A_1187, %get3A_1185 : vector<16xi1>, vector<16xf32>
        %swap3A_1189 = arith.constant 32 : index
        %swap3A_1190 = tpu.vector_load %arg11[%swap3A_1189] {strides = array<i32>} : memref<320xf32, #tpu.memory_space<vmem>>, vector<16xf32>,
        tpu.vector_store %arg11[%swap3A_1189], %select_n3A_1188 {strides = array<i32>} : memref<320xf32, #tpu.memory_space<vmem>>, vector<16xf32>,
        %gt3A_1191 = arith.cmpf ogt, %select_n3A_1188, %select_n3A_1144 : vector<16xf32>
        %select_n3A_1192 = arith.select %gt3A_1191, %select_n3A_1188, %select_n3A_1144 : vector<16xi1>, vector<16xf32>
        %select_n3A_1193 = arith.select %gt3A_1191, %add3A_1177, %select_n3A_1145 : vector<16xi1>, vector<16xi32>
        %get3A_1194 = arith.constant 48 : index
        %get3A_1195 = tpu.vector_load %arg7[%get3A_1194] {strides = array<i32>} : memref<320xf32, #tpu.memory_space<vmem>>, vector<16xf32>,
        %max3A_1196 = arith.maximumf %gather3A_1024, %get3A_1195 : vector<16xf32>
        %get3A_1197 = arith.constant 48 : index
        %get3A_1198 = tpu.vector_load %arg8[%get3A_1197] {strides = array<i32>} : memref<320xf32, #tpu.memory_space<vmem>>, vector<16xf32>,
        %max3A_1199 = arith.maximumf %gather3A_1028, %get3A_1198 : vector<16xf32>
        %get3A_1200 = arith.constant 48 : index
        %get3A_1201 = tpu.vector_load %arg9[%get3A_1200] {strides = array<i32>} : memref<320xf32, #tpu.memory_space<vmem>>, vector<16xf32>,
        %min3A_1202 = arith.minimumf %gather3A_1032, %get3A_1201 : vector<16xf32>
        %get3A_1203 = arith.constant 48 : index
        %get3A_1204 = tpu.vector_load %arg10[%get3A_1203] {strides = array<i32>} : memref<320xf32, #tpu.memory_space<vmem>>, vector<16xf32>,
        %min3A_1205 = arith.minimumf %gather3A_1036, %get3A_1204 : vector<16xf32>
        %sub3A_1206 = arith.subf %min3A_1202, %max3A_1196 : vector<16xf32>
        %max3A_1207 = arith.constant 0.000000e+00 : f32
        %max3A_1208 = vector.broadcast %max3A_1207 : f32 to vector<16xf32>
        %max3A_1209 = arith.maximumf %sub3A_1206, %max3A_1208 : vector<16xf32>
        %sub3A_1210 = arith.subf %min3A_1205, %max3A_1199 : vector<16xf32>
        %max3A_1211 = arith.constant 0.000000e+00 : f32
        %max3A_1212 = vector.broadcast %max3A_1211 : f32 to vector<16xf32>
        %max3A_1213 = arith.maximumf %sub3A_1210, %max3A_1212 : vector<16xf32>
        %mul3A_1214 = arith.mulf %max3A_1209, %max3A_1213 : vector<16xf32>
        %get3A_1215 = arith.constant 48 : index
        %get3A_1216 = tpu.vector_load %arg12[%get3A_1215] {strides = array<i32>} : memref<320xf32, #tpu.memory_space<vmem>>, vector<16xf32>,
        %add3A_1217 = arith.addf %mul3A_1045, %get3A_1216 : vector<16xf32>
        %sub3A_1218 = arith.subf %add3A_1217, %mul3A_1214 : vector<16xf32>
        %add3A_1219 = arith.constant 9.99999971E-10 : f32
        %add3A_1220 = vector.broadcast %add3A_1219 : f32 to vector<16xf32>
        %add3A_1221 = arith.addf %sub3A_1218, %add3A_1220 : vector<16xf32>
        %div3A_1222 = arith.divf %mul3A_1214, %add3A_1221 : vector<16xf32>
        %add3A_1223 = arith.constant 48 : i32
        %add3A_1224 = vector.broadcast %add3A_1223 : i32 to vector<16xi32>
        %add3A_1225 = arith.addi %add3A_5, %add3A_1224 : vector<16xi32>
        %gt3A_1226 = arith.constant 5.000000e-01 : f32
        %gt3A_1227 = vector.broadcast %gt3A_1226 : f32 to vector<16xf32>
        %gt3A_1228 = arith.cmpf ogt, %div3A_1222, %gt3A_1227 : vector<16xf32>
        %eq3A_1229 = vector.broadcast %reduce_min3A_1011 : i32 to vector<16xi32>
        %eq3A_1230 = arith.cmpi eq, %add3A_1225, %eq3A_1229 : vector<16xi32>
        %or3A_1231 = arith.ori %gt3A_1228, %eq3A_1230 : vector<16xi1>
        %get3A_1232 = arith.constant 48 : index
        %get3A_1233 = tpu.vector_load %arg11[%get3A_1232] {strides = array<i32>} : memref<320xf32, #tpu.memory_space<vmem>>, vector<16xf32>,
        %jit3A_1234 = arith.constant 0xFF800000 : f32
        %broadcast_in_dim3A_1235 = vector.broadcast %jit3A_1234 : f32 to vector<16xf32>
        %select_n3A_1236 = arith.select %or3A_1231, %broadcast_in_dim3A_1235, %get3A_1233 : vector<16xi1>, vector<16xf32>
        %swap3A_1237 = arith.constant 48 : index
        %swap3A_1238 = tpu.vector_load %arg11[%swap3A_1237] {strides = array<i32>} : memref<320xf32, #tpu.memory_space<vmem>>, vector<16xf32>,
        tpu.vector_store %arg11[%swap3A_1237], %select_n3A_1236 {strides = array<i32>} : memref<320xf32, #tpu.memory_space<vmem>>, vector<16xf32>,
        %gt3A_1239 = arith.cmpf ogt, %select_n3A_1236, %select_n3A_1192 : vector<16xf32>
        %select_n3A_1240 = arith.select %gt3A_1239, %select_n3A_1236, %select_n3A_1192 : vector<16xi1>, vector<16xf32>
        %select_n3A_1241 = arith.select %gt3A_1239, %add3A_1225, %select_n3A_1193 : vector<16xi1>, vector<16xi32>
        %get3A_1242 = arith.constant 64 : index
        %get3A_1243 = tpu.vector_load %arg7[%get3A_1242] {strides = array<i32>} : memref<320xf32, #tpu.memory_space<vmem>>, vector<16xf32>,
        %max3A_1244 = arith.maximumf %gather3A_1024, %get3A_1243 : vector<16xf32>
        %get3A_1245 = arith.constant 64 : index
        %get3A_1246 = tpu.vector_load %arg8[%get3A_1245] {strides = array<i32>} : memref<320xf32, #tpu.memory_space<vmem>>, vector<16xf32>,
        %max3A_1247 = arith.maximumf %gather3A_1028, %get3A_1246 : vector<16xf32>
        %get3A_1248 = arith.constant 64 : index
        %get3A_1249 = tpu.vector_load %arg9[%get3A_1248] {strides = array<i32>} : memref<320xf32, #tpu.memory_space<vmem>>, vector<16xf32>,
        %min3A_1250 = arith.minimumf %gather3A_1032, %get3A_1249 : vector<16xf32>
        %get3A_1251 = arith.constant 64 : index
        %get3A_1252 = tpu.vector_load %arg10[%get3A_1251] {strides = array<i32>} : memref<320xf32, #tpu.memory_space<vmem>>, vector<16xf32>,
        %min3A_1253 = arith.minimumf %gather3A_1036, %get3A_1252 : vector<16xf32>
        %sub3A_1254 = arith.subf %min3A_1250, %max3A_1244 : vector<16xf32>
        %max3A_1255 = arith.constant 0.000000e+00 : f32
        %max3A_1256 = vector.broadcast %max3A_1255 : f32 to vector<16xf32>
        %max3A_1257 = arith.maximumf %sub3A_1254, %max3A_1256 : vector<16xf32>
        %sub3A_1258 = arith.subf %min3A_1253, %max3A_1247 : vector<16xf32>
        %max3A_1259 = arith.constant 0.000000e+00 : f32
        %max3A_1260 = vector.broadcast %max3A_1259 : f32 to vector<16xf32>
        %max3A_1261 = arith.maximumf %sub3A_1258, %max3A_1260 : vector<16xf32>
        %mul3A_1262 = arith.mulf %max3A_1257, %max3A_1261 : vector<16xf32>
        %get3A_1263 = arith.constant 64 : index
        %get3A_1264 = tpu.vector_load %arg12[%get3A_1263] {strides = array<i32>} : memref<320xf32, #tpu.memory_space<vmem>>, vector<16xf32>,
        %add3A_1265 = arith.addf %mul3A_1045, %get3A_1264 : vector<16xf32>
        %sub3A_1266 = arith.subf %add3A_1265, %mul3A_1262 : vector<16xf32>
        %add3A_1267 = arith.constant 9.99999971E-10 : f32
        %add3A_1268 = vector.broadcast %add3A_1267 : f32 to vector<16xf32>
        %add3A_1269 = arith.addf %sub3A_1266, %add3A_1268 : vector<16xf32>
        %div3A_1270 = arith.divf %mul3A_1262, %add3A_1269 : vector<16xf32>
        %add3A_1271 = arith.constant 64 : i32
        %add3A_1272 = vector.broadcast %add3A_1271 : i32 to vector<16xi32>
        %add3A_1273 = arith.addi %add3A_5, %add3A_1272 : vector<16xi32>
        %gt3A_1274 = arith.constant 5.000000e-01 : f32
        %gt3A_1275 = vector.broadcast %gt3A_1274 : f32 to vector<16xf32>
        %gt3A_1276 = arith.cmpf ogt, %div3A_1270, %gt3A_1275 : vector<16xf32>
        %eq3A_1277 = vector.broadcast %reduce_min3A_1011 : i32 to vector<16xi32>
        %eq3A_1278 = arith.cmpi eq, %add3A_1273, %eq3A_1277 : vector<16xi32>
        %or3A_1279 = arith.ori %gt3A_1276, %eq3A_1278 : vector<16xi1>
        %get3A_1280 = arith.constant 64 : index
        %get3A_1281 = tpu.vector_load %arg11[%get3A_1280] {strides = array<i32>} : memref<320xf32, #tpu.memory_space<vmem>>, vector<16xf32>,
        %jit3A_1282 = arith.constant 0xFF800000 : f32
        %broadcast_in_dim3A_1283 = vector.broadcast %jit3A_1282 : f32 to vector<16xf32>
        %select_n3A_1284 = arith.select %or3A_1279, %broadcast_in_dim3A_1283, %get3A_1281 : vector<16xi1>, vector<16xf32>
        %swap3A_1285 = arith.constant 64 : index
        %swap3A_1286 = tpu.vector_load %arg11[%swap3A_1285] {strides = array<i32>} : memref<320xf32, #tpu.memory_space<vmem>>, vector<16xf32>,
        tpu.vector_store %arg11[%swap3A_1285], %select_n3A_1284 {strides = array<i32>} : memref<320xf32, #tpu.memory_space<vmem>>, vector<16xf32>,
        %gt3A_1287 = arith.cmpf ogt, %select_n3A_1284, %select_n3A_1240 : vector<16xf32>
        %select_n3A_1288 = arith.select %gt3A_1287, %select_n3A_1284, %select_n3A_1240 : vector<16xi1>, vector<16xf32>
        %select_n3A_1289 = arith.select %gt3A_1287, %add3A_1273, %select_n3A_1241 : vector<16xi1>, vector<16xi32>
        %get3A_1290 = arith.constant 80 : index
        %get3A_1291 = tpu.vector_load %arg7[%get3A_1290] {strides = array<i32>} : memref<320xf32, #tpu.memory_space<vmem>>, vector<16xf32>,
        %max3A_1292 = arith.maximumf %gather3A_1024, %get3A_1291 : vector<16xf32>
        %get3A_1293 = arith.constant 80 : index
        %get3A_1294 = tpu.vector_load %arg8[%get3A_1293] {strides = array<i32>} : memref<320xf32, #tpu.memory_space<vmem>>, vector<16xf32>,
        %max3A_1295 = arith.maximumf %gather3A_1028, %get3A_1294 : vector<16xf32>
        %get3A_1296 = arith.constant 80 : index
        %get3A_1297 = tpu.vector_load %arg9[%get3A_1296] {strides = array<i32>} : memref<320xf32, #tpu.memory_space<vmem>>, vector<16xf32>,
        %min3A_1298 = arith.minimumf %gather3A_1032, %get3A_1297 : vector<16xf32>
        %get3A_1299 = arith.constant 80 : index
        %get3A_1300 = tpu.vector_load %arg10[%get3A_1299] {strides = array<i32>} : memref<320xf32, #tpu.memory_space<vmem>>, vector<16xf32>,
        %min3A_1301 = arith.minimumf %gather3A_1036, %get3A_1300 : vector<16xf32>
        %sub3A_1302 = arith.subf %min3A_1298, %max3A_1292 : vector<16xf32>
        %max3A_1303 = arith.constant 0.000000e+00 : f32
        %max3A_1304 = vector.broadcast %max3A_1303 : f32 to vector<16xf32>
        %max3A_1305 = arith.maximumf %sub3A_1302, %max3A_1304 : vector<16xf32>
        %sub3A_1306 = arith.subf %min3A_1301, %max3A_1295 : vector<16xf32>
        %max3A_1307 = arith.constant 0.000000e+00 : f32
        %max3A_1308 = vector.broadcast %max3A_1307 : f32 to vector<16xf32>
        %max3A_1309 = arith.maximumf %sub3A_1306, %max3A_1308 : vector<16xf32>
        %mul3A_1310 = arith.mulf %max3A_1305, %max3A_1309 : vector<16xf32>
        %get3A_1311 = arith.constant 80 : index
        %get3A_1312 = tpu.vector_load %arg12[%get3A_1311] {strides = array<i32>} : memref<320xf32, #tpu.memory_space<vmem>>, vector<16xf32>,
        %add3A_1313 = arith.addf %mul3A_1045, %get3A_1312 : vector<16xf32>
        %sub3A_1314 = arith.subf %add3A_1313, %mul3A_1310 : vector<16xf32>
        %add3A_1315 = arith.constant 9.99999971E-10 : f32
        %add3A_1316 = vector.broadcast %add3A_1315 : f32 to vector<16xf32>
        %add3A_1317 = arith.addf %sub3A_1314, %add3A_1316 : vector<16xf32>
        %div3A_1318 = arith.divf %mul3A_1310, %add3A_1317 : vector<16xf32>
        %add3A_1319 = arith.constant 80 : i32
        %add3A_1320 = vector.broadcast %add3A_1319 : i32 to vector<16xi32>
        %add3A_1321 = arith.addi %add3A_5, %add3A_1320 : vector<16xi32>
        %gt3A_1322 = arith.constant 5.000000e-01 : f32
        %gt3A_1323 = vector.broadcast %gt3A_1322 : f32 to vector<16xf32>
        %gt3A_1324 = arith.cmpf ogt, %div3A_1318, %gt3A_1323 : vector<16xf32>
        %eq3A_1325 = vector.broadcast %reduce_min3A_1011 : i32 to vector<16xi32>
        %eq3A_1326 = arith.cmpi eq, %add3A_1321, %eq3A_1325 : vector<16xi32>
        %or3A_1327 = arith.ori %gt3A_1324, %eq3A_1326 : vector<16xi1>
        %get3A_1328 = arith.constant 80 : index
        %get3A_1329 = tpu.vector_load %arg11[%get3A_1328] {strides = array<i32>} : memref<320xf32, #tpu.memory_space<vmem>>, vector<16xf32>,
        %jit3A_1330 = arith.constant 0xFF800000 : f32
        %broadcast_in_dim3A_1331 = vector.broadcast %jit3A_1330 : f32 to vector<16xf32>
        %select_n3A_1332 = arith.select %or3A_1327, %broadcast_in_dim3A_1331, %get3A_1329 : vector<16xi1>, vector<16xf32>
        %swap3A_1333 = arith.constant 80 : index
        %swap3A_1334 = tpu.vector_load %arg11[%swap3A_1333] {strides = array<i32>} : memref<320xf32, #tpu.memory_space<vmem>>, vector<16xf32>,
        tpu.vector_store %arg11[%swap3A_1333], %select_n3A_1332 {strides = array<i32>} : memref<320xf32, #tpu.memory_space<vmem>>, vector<16xf32>,
        %gt3A_1335 = arith.cmpf ogt, %select_n3A_1332, %select_n3A_1288 : vector<16xf32>
        %select_n3A_1336 = arith.select %gt3A_1335, %select_n3A_1332, %select_n3A_1288 : vector<16xi1>, vector<16xf32>
        %select_n3A_1337 = arith.select %gt3A_1335, %add3A_1321, %select_n3A_1289 : vector<16xi1>, vector<16xi32>
        %get3A_1338 = arith.constant 96 : index
        %get3A_1339 = tpu.vector_load %arg7[%get3A_1338] {strides = array<i32>} : memref<320xf32, #tpu.memory_space<vmem>>, vector<16xf32>,
        %max3A_1340 = arith.maximumf %gather3A_1024, %get3A_1339 : vector<16xf32>
        %get3A_1341 = arith.constant 96 : index
        %get3A_1342 = tpu.vector_load %arg8[%get3A_1341] {strides = array<i32>} : memref<320xf32, #tpu.memory_space<vmem>>, vector<16xf32>,
        %max3A_1343 = arith.maximumf %gather3A_1028, %get3A_1342 : vector<16xf32>
        %get3A_1344 = arith.constant 96 : index
        %get3A_1345 = tpu.vector_load %arg9[%get3A_1344] {strides = array<i32>} : memref<320xf32, #tpu.memory_space<vmem>>, vector<16xf32>,
        %min3A_1346 = arith.minimumf %gather3A_1032, %get3A_1345 : vector<16xf32>
        %get3A_1347 = arith.constant 96 : index
        %get3A_1348 = tpu.vector_load %arg10[%get3A_1347] {strides = array<i32>} : memref<320xf32, #tpu.memory_space<vmem>>, vector<16xf32>,
        %min3A_1349 = arith.minimumf %gather3A_1036, %get3A_1348 : vector<16xf32>
        %sub3A_1350 = arith.subf %min3A_1346, %max3A_1340 : vector<16xf32>
        %max3A_1351 = arith.constant 0.000000e+00 : f32
        %max3A_1352 = vector.broadcast %max3A_1351 : f32 to vector<16xf32>
        %max3A_1353 = arith.maximumf %sub3A_1350, %max3A_1352 : vector<16xf32>
        %sub3A_1354 = arith.subf %min3A_1349, %max3A_1343 : vector<16xf32>
        %max3A_1355 = arith.constant 0.000000e+00 : f32
        %max3A_1356 = vector.broadcast %max3A_1355 : f32 to vector<16xf32>
        %max3A_1357 = arith.maximumf %sub3A_1354, %max3A_1356 : vector<16xf32>
        %mul3A_1358 = arith.mulf %max3A_1353, %max3A_1357 : vector<16xf32>
        %get3A_1359 = arith.constant 96 : index
        %get3A_1360 = tpu.vector_load %arg12[%get3A_1359] {strides = array<i32>} : memref<320xf32, #tpu.memory_space<vmem>>, vector<16xf32>,
        %add3A_1361 = arith.addf %mul3A_1045, %get3A_1360 : vector<16xf32>
        %sub3A_1362 = arith.subf %add3A_1361, %mul3A_1358 : vector<16xf32>
        %add3A_1363 = arith.constant 9.99999971E-10 : f32
        %add3A_1364 = vector.broadcast %add3A_1363 : f32 to vector<16xf32>
        %add3A_1365 = arith.addf %sub3A_1362, %add3A_1364 : vector<16xf32>
        %div3A_1366 = arith.divf %mul3A_1358, %add3A_1365 : vector<16xf32>
        %add3A_1367 = arith.constant 96 : i32
        %add3A_1368 = vector.broadcast %add3A_1367 : i32 to vector<16xi32>
        %add3A_1369 = arith.addi %add3A_5, %add3A_1368 : vector<16xi32>
        %gt3A_1370 = arith.constant 5.000000e-01 : f32
        %gt3A_1371 = vector.broadcast %gt3A_1370 : f32 to vector<16xf32>
        %gt3A_1372 = arith.cmpf ogt, %div3A_1366, %gt3A_1371 : vector<16xf32>
        %eq3A_1373 = vector.broadcast %reduce_min3A_1011 : i32 to vector<16xi32>
        %eq3A_1374 = arith.cmpi eq, %add3A_1369, %eq3A_1373 : vector<16xi32>
        %or3A_1375 = arith.ori %gt3A_1372, %eq3A_1374 : vector<16xi1>
        %get3A_1376 = arith.constant 96 : index
        %get3A_1377 = tpu.vector_load %arg11[%get3A_1376] {strides = array<i32>} : memref<320xf32, #tpu.memory_space<vmem>>, vector<16xf32>,
        %jit3A_1378 = arith.constant 0xFF800000 : f32
        %broadcast_in_dim3A_1379 = vector.broadcast %jit3A_1378 : f32 to vector<16xf32>
        %select_n3A_1380 = arith.select %or3A_1375, %broadcast_in_dim3A_1379, %get3A_1377 : vector<16xi1>, vector<16xf32>
        %swap3A_1381 = arith.constant 96 : index
        %swap3A_1382 = tpu.vector_load %arg11[%swap3A_1381] {strides = array<i32>} : memref<320xf32, #tpu.memory_space<vmem>>, vector<16xf32>,
        tpu.vector_store %arg11[%swap3A_1381], %select_n3A_1380 {strides = array<i32>} : memref<320xf32, #tpu.memory_space<vmem>>, vector<16xf32>,
        %gt3A_1383 = arith.cmpf ogt, %select_n3A_1380, %select_n3A_1336 : vector<16xf32>
        %select_n3A_1384 = arith.select %gt3A_1383, %select_n3A_1380, %select_n3A_1336 : vector<16xi1>, vector<16xf32>
        %select_n3A_1385 = arith.select %gt3A_1383, %add3A_1369, %select_n3A_1337 : vector<16xi1>, vector<16xi32>
        %get3A_1386 = arith.constant 112 : index
        %get3A_1387 = tpu.vector_load %arg7[%get3A_1386] {strides = array<i32>} : memref<320xf32, #tpu.memory_space<vmem>>, vector<16xf32>,
        %max3A_1388 = arith.maximumf %gather3A_1024, %get3A_1387 : vector<16xf32>
        %get3A_1389 = arith.constant 112 : index
        %get3A_1390 = tpu.vector_load %arg8[%get3A_1389] {strides = array<i32>} : memref<320xf32, #tpu.memory_space<vmem>>, vector<16xf32>,
        %max3A_1391 = arith.maximumf %gather3A_1028, %get3A_1390 : vector<16xf32>
        %get3A_1392 = arith.constant 112 : index
        %get3A_1393 = tpu.vector_load %arg9[%get3A_1392] {strides = array<i32>} : memref<320xf32, #tpu.memory_space<vmem>>, vector<16xf32>,
        %min3A_1394 = arith.minimumf %gather3A_1032, %get3A_1393 : vector<16xf32>
        %get3A_1395 = arith.constant 112 : index
        %get3A_1396 = tpu.vector_load %arg10[%get3A_1395] {strides = array<i32>} : memref<320xf32, #tpu.memory_space<vmem>>, vector<16xf32>,
        %min3A_1397 = arith.minimumf %gather3A_1036, %get3A_1396 : vector<16xf32>
        %sub3A_1398 = arith.subf %min3A_1394, %max3A_1388 : vector<16xf32>
        %max3A_1399 = arith.constant 0.000000e+00 : f32
        %max3A_1400 = vector.broadcast %max3A_1399 : f32 to vector<16xf32>
        %max3A_1401 = arith.maximumf %sub3A_1398, %max3A_1400 : vector<16xf32>
        %sub3A_1402 = arith.subf %min3A_1397, %max3A_1391 : vector<16xf32>
        %max3A_1403 = arith.constant 0.000000e+00 : f32
        %max3A_1404 = vector.broadcast %max3A_1403 : f32 to vector<16xf32>
        %max3A_1405 = arith.maximumf %sub3A_1402, %max3A_1404 : vector<16xf32>
        %mul3A_1406 = arith.mulf %max3A_1401, %max3A_1405 : vector<16xf32>
        %get3A_1407 = arith.constant 112 : index
        %get3A_1408 = tpu.vector_load %arg12[%get3A_1407] {strides = array<i32>} : memref<320xf32, #tpu.memory_space<vmem>>, vector<16xf32>,
        %add3A_1409 = arith.addf %mul3A_1045, %get3A_1408 : vector<16xf32>
        %sub3A_1410 = arith.subf %add3A_1409, %mul3A_1406 : vector<16xf32>
        %add3A_1411 = arith.constant 9.99999971E-10 : f32
        %add3A_1412 = vector.broadcast %add3A_1411 : f32 to vector<16xf32>
        %add3A_1413 = arith.addf %sub3A_1410, %add3A_1412 : vector<16xf32>
        %div3A_1414 = arith.divf %mul3A_1406, %add3A_1413 : vector<16xf32>
        %add3A_1415 = arith.constant 112 : i32
        %add3A_1416 = vector.broadcast %add3A_1415 : i32 to vector<16xi32>
        %add3A_1417 = arith.addi %add3A_5, %add3A_1416 : vector<16xi32>
        %gt3A_1418 = arith.constant 5.000000e-01 : f32
        %gt3A_1419 = vector.broadcast %gt3A_1418 : f32 to vector<16xf32>
        %gt3A_1420 = arith.cmpf ogt, %div3A_1414, %gt3A_1419 : vector<16xf32>
        %eq3A_1421 = vector.broadcast %reduce_min3A_1011 : i32 to vector<16xi32>
        %eq3A_1422 = arith.cmpi eq, %add3A_1417, %eq3A_1421 : vector<16xi32>
        %or3A_1423 = arith.ori %gt3A_1420, %eq3A_1422 : vector<16xi1>
        %get3A_1424 = arith.constant 112 : index
        %get3A_1425 = tpu.vector_load %arg11[%get3A_1424] {strides = array<i32>} : memref<320xf32, #tpu.memory_space<vmem>>, vector<16xf32>,
        %jit3A_1426 = arith.constant 0xFF800000 : f32
        %broadcast_in_dim3A_1427 = vector.broadcast %jit3A_1426 : f32 to vector<16xf32>
        %select_n3A_1428 = arith.select %or3A_1423, %broadcast_in_dim3A_1427, %get3A_1425 : vector<16xi1>, vector<16xf32>
        %swap3A_1429 = arith.constant 112 : index
        %swap3A_1430 = tpu.vector_load %arg11[%swap3A_1429] {strides = array<i32>} : memref<320xf32, #tpu.memory_space<vmem>>, vector<16xf32>,
        tpu.vector_store %arg11[%swap3A_1429], %select_n3A_1428 {strides = array<i32>} : memref<320xf32, #tpu.memory_space<vmem>>, vector<16xf32>,
        %gt3A_1431 = arith.cmpf ogt, %select_n3A_1428, %select_n3A_1384 : vector<16xf32>
        %select_n3A_1432 = arith.select %gt3A_1431, %select_n3A_1428, %select_n3A_1384 : vector<16xi1>, vector<16xf32>
        %select_n3A_1433 = arith.select %gt3A_1431, %add3A_1417, %select_n3A_1385 : vector<16xi1>, vector<16xi32>
        %get3A_1434 = arith.constant 128 : index
        %get3A_1435 = tpu.vector_load %arg7[%get3A_1434] {strides = array<i32>} : memref<320xf32, #tpu.memory_space<vmem>>, vector<16xf32>,
        %max3A_1436 = arith.maximumf %gather3A_1024, %get3A_1435 : vector<16xf32>
        %get3A_1437 = arith.constant 128 : index
        %get3A_1438 = tpu.vector_load %arg8[%get3A_1437] {strides = array<i32>} : memref<320xf32, #tpu.memory_space<vmem>>, vector<16xf32>,
        %max3A_1439 = arith.maximumf %gather3A_1028, %get3A_1438 : vector<16xf32>
        %get3A_1440 = arith.constant 128 : index
        %get3A_1441 = tpu.vector_load %arg9[%get3A_1440] {strides = array<i32>} : memref<320xf32, #tpu.memory_space<vmem>>, vector<16xf32>,
        %min3A_1442 = arith.minimumf %gather3A_1032, %get3A_1441 : vector<16xf32>
        %get3A_1443 = arith.constant 128 : index
        %get3A_1444 = tpu.vector_load %arg10[%get3A_1443] {strides = array<i32>} : memref<320xf32, #tpu.memory_space<vmem>>, vector<16xf32>,
        %min3A_1445 = arith.minimumf %gather3A_1036, %get3A_1444 : vector<16xf32>
        %sub3A_1446 = arith.subf %min3A_1442, %max3A_1436 : vector<16xf32>
        %max3A_1447 = arith.constant 0.000000e+00 : f32
        %max3A_1448 = vector.broadcast %max3A_1447 : f32 to vector<16xf32>
        %max3A_1449 = arith.maximumf %sub3A_1446, %max3A_1448 : vector<16xf32>
        %sub3A_1450 = arith.subf %min3A_1445, %max3A_1439 : vector<16xf32>
        %max3A_1451 = arith.constant 0.000000e+00 : f32
        %max3A_1452 = vector.broadcast %max3A_1451 : f32 to vector<16xf32>
        %max3A_1453 = arith.maximumf %sub3A_1450, %max3A_1452 : vector<16xf32>
        %mul3A_1454 = arith.mulf %max3A_1449, %max3A_1453 : vector<16xf32>
        %get3A_1455 = arith.constant 128 : index
        %get3A_1456 = tpu.vector_load %arg12[%get3A_1455] {strides = array<i32>} : memref<320xf32, #tpu.memory_space<vmem>>, vector<16xf32>,
        %add3A_1457 = arith.addf %mul3A_1045, %get3A_1456 : vector<16xf32>
        %sub3A_1458 = arith.subf %add3A_1457, %mul3A_1454 : vector<16xf32>
        %add3A_1459 = arith.constant 9.99999971E-10 : f32
        %add3A_1460 = vector.broadcast %add3A_1459 : f32 to vector<16xf32>
        %add3A_1461 = arith.addf %sub3A_1458, %add3A_1460 : vector<16xf32>
        %div3A_1462 = arith.divf %mul3A_1454, %add3A_1461 : vector<16xf32>
        %add3A_1463 = arith.constant 128 : i32
        %add3A_1464 = vector.broadcast %add3A_1463 : i32 to vector<16xi32>
        %add3A_1465 = arith.addi %add3A_5, %add3A_1464 : vector<16xi32>
        %gt3A_1466 = arith.constant 5.000000e-01 : f32
        %gt3A_1467 = vector.broadcast %gt3A_1466 : f32 to vector<16xf32>
        %gt3A_1468 = arith.cmpf ogt, %div3A_1462, %gt3A_1467 : vector<16xf32>
        %eq3A_1469 = vector.broadcast %reduce_min3A_1011 : i32 to vector<16xi32>
        %eq3A_1470 = arith.cmpi eq, %add3A_1465, %eq3A_1469 : vector<16xi32>
        %or3A_1471 = arith.ori %gt3A_1468, %eq3A_1470 : vector<16xi1>
        %get3A_1472 = arith.constant 128 : index
        %get3A_1473 = tpu.vector_load %arg11[%get3A_1472] {strides = array<i32>} : memref<320xf32, #tpu.memory_space<vmem>>, vector<16xf32>,
        %jit3A_1474 = arith.constant 0xFF800000 : f32
        %broadcast_in_dim3A_1475 = vector.broadcast %jit3A_1474 : f32 to vector<16xf32>
        %select_n3A_1476 = arith.select %or3A_1471, %broadcast_in_dim3A_1475, %get3A_1473 : vector<16xi1>, vector<16xf32>
        %swap3A_1477 = arith.constant 128 : index
        %swap3A_1478 = tpu.vector_load %arg11[%swap3A_1477] {strides = array<i32>} : memref<320xf32, #tpu.memory_space<vmem>>, vector<16xf32>,
        tpu.vector_store %arg11[%swap3A_1477], %select_n3A_1476 {strides = array<i32>} : memref<320xf32, #tpu.memory_space<vmem>>, vector<16xf32>,
        %gt3A_1479 = arith.cmpf ogt, %select_n3A_1476, %select_n3A_1432 : vector<16xf32>
        %select_n3A_1480 = arith.select %gt3A_1479, %select_n3A_1476, %select_n3A_1432 : vector<16xi1>, vector<16xf32>
        %select_n3A_1481 = arith.select %gt3A_1479, %add3A_1465, %select_n3A_1433 : vector<16xi1>, vector<16xi32>
        %get3A_1482 = arith.constant 144 : index
        %get3A_1483 = tpu.vector_load %arg7[%get3A_1482] {strides = array<i32>} : memref<320xf32, #tpu.memory_space<vmem>>, vector<16xf32>,
        %max3A_1484 = arith.maximumf %gather3A_1024, %get3A_1483 : vector<16xf32>
        %get3A_1485 = arith.constant 144 : index
        %get3A_1486 = tpu.vector_load %arg8[%get3A_1485] {strides = array<i32>} : memref<320xf32, #tpu.memory_space<vmem>>, vector<16xf32>,
        %max3A_1487 = arith.maximumf %gather3A_1028, %get3A_1486 : vector<16xf32>
        %get3A_1488 = arith.constant 144 : index
        %get3A_1489 = tpu.vector_load %arg9[%get3A_1488] {strides = array<i32>} : memref<320xf32, #tpu.memory_space<vmem>>, vector<16xf32>,
        %min3A_1490 = arith.minimumf %gather3A_1032, %get3A_1489 : vector<16xf32>
        %get3A_1491 = arith.constant 144 : index
        %get3A_1492 = tpu.vector_load %arg10[%get3A_1491] {strides = array<i32>} : memref<320xf32, #tpu.memory_space<vmem>>, vector<16xf32>,
        %min3A_1493 = arith.minimumf %gather3A_1036, %get3A_1492 : vector<16xf32>
        %sub3A_1494 = arith.subf %min3A_1490, %max3A_1484 : vector<16xf32>
        %max3A_1495 = arith.constant 0.000000e+00 : f32
        %max3A_1496 = vector.broadcast %max3A_1495 : f32 to vector<16xf32>
        %max3A_1497 = arith.maximumf %sub3A_1494, %max3A_1496 : vector<16xf32>
        %sub3A_1498 = arith.subf %min3A_1493, %max3A_1487 : vector<16xf32>
        %max3A_1499 = arith.constant 0.000000e+00 : f32
        %max3A_1500 = vector.broadcast %max3A_1499 : f32 to vector<16xf32>
        %max3A_1501 = arith.maximumf %sub3A_1498, %max3A_1500 : vector<16xf32>
        %mul3A_1502 = arith.mulf %max3A_1497, %max3A_1501 : vector<16xf32>
        %get3A_1503 = arith.constant 144 : index
        %get3A_1504 = tpu.vector_load %arg12[%get3A_1503] {strides = array<i32>} : memref<320xf32, #tpu.memory_space<vmem>>, vector<16xf32>,
        %add3A_1505 = arith.addf %mul3A_1045, %get3A_1504 : vector<16xf32>
        %sub3A_1506 = arith.subf %add3A_1505, %mul3A_1502 : vector<16xf32>
        %add3A_1507 = arith.constant 9.99999971E-10 : f32
        %add3A_1508 = vector.broadcast %add3A_1507 : f32 to vector<16xf32>
        %add3A_1509 = arith.addf %sub3A_1506, %add3A_1508 : vector<16xf32>
        %div3A_1510 = arith.divf %mul3A_1502, %add3A_1509 : vector<16xf32>
        %add3A_1511 = arith.constant 144 : i32
        %add3A_1512 = vector.broadcast %add3A_1511 : i32 to vector<16xi32>
        %add3A_1513 = arith.addi %add3A_5, %add3A_1512 : vector<16xi32>
        %gt3A_1514 = arith.constant 5.000000e-01 : f32
        %gt3A_1515 = vector.broadcast %gt3A_1514 : f32 to vector<16xf32>
        %gt3A_1516 = arith.cmpf ogt, %div3A_1510, %gt3A_1515 : vector<16xf32>
        %eq3A_1517 = vector.broadcast %reduce_min3A_1011 : i32 to vector<16xi32>
        %eq3A_1518 = arith.cmpi eq, %add3A_1513, %eq3A_1517 : vector<16xi32>
        %or3A_1519 = arith.ori %gt3A_1516, %eq3A_1518 : vector<16xi1>
        %get3A_1520 = arith.constant 144 : index
        %get3A_1521 = tpu.vector_load %arg11[%get3A_1520] {strides = array<i32>} : memref<320xf32, #tpu.memory_space<vmem>>, vector<16xf32>,
        %jit3A_1522 = arith.constant 0xFF800000 : f32
        %broadcast_in_dim3A_1523 = vector.broadcast %jit3A_1522 : f32 to vector<16xf32>
        %select_n3A_1524 = arith.select %or3A_1519, %broadcast_in_dim3A_1523, %get3A_1521 : vector<16xi1>, vector<16xf32>
        %swap3A_1525 = arith.constant 144 : index
        %swap3A_1526 = tpu.vector_load %arg11[%swap3A_1525] {strides = array<i32>} : memref<320xf32, #tpu.memory_space<vmem>>, vector<16xf32>,
        tpu.vector_store %arg11[%swap3A_1525], %select_n3A_1524 {strides = array<i32>} : memref<320xf32, #tpu.memory_space<vmem>>, vector<16xf32>,
        %gt3A_1527 = arith.cmpf ogt, %select_n3A_1524, %select_n3A_1480 : vector<16xf32>
        %select_n3A_1528 = arith.select %gt3A_1527, %select_n3A_1524, %select_n3A_1480 : vector<16xi1>, vector<16xf32>
        %select_n3A_1529 = arith.select %gt3A_1527, %add3A_1513, %select_n3A_1481 : vector<16xi1>, vector<16xi32>
        %get3A_1530 = arith.constant 160 : index
        %get3A_1531 = tpu.vector_load %arg7[%get3A_1530] {strides = array<i32>} : memref<320xf32, #tpu.memory_space<vmem>>, vector<16xf32>,
        %max3A_1532 = arith.maximumf %gather3A_1024, %get3A_1531 : vector<16xf32>
        %get3A_1533 = arith.constant 160 : index
        %get3A_1534 = tpu.vector_load %arg8[%get3A_1533] {strides = array<i32>} : memref<320xf32, #tpu.memory_space<vmem>>, vector<16xf32>,
        %max3A_1535 = arith.maximumf %gather3A_1028, %get3A_1534 : vector<16xf32>
        %get3A_1536 = arith.constant 160 : index
        %get3A_1537 = tpu.vector_load %arg9[%get3A_1536] {strides = array<i32>} : memref<320xf32, #tpu.memory_space<vmem>>, vector<16xf32>,
        %min3A_1538 = arith.minimumf %gather3A_1032, %get3A_1537 : vector<16xf32>
        %get3A_1539 = arith.constant 160 : index
        %get3A_1540 = tpu.vector_load %arg10[%get3A_1539] {strides = array<i32>} : memref<320xf32, #tpu.memory_space<vmem>>, vector<16xf32>,
        %min3A_1541 = arith.minimumf %gather3A_1036, %get3A_1540 : vector<16xf32>
        %sub3A_1542 = arith.subf %min3A_1538, %max3A_1532 : vector<16xf32>
        %max3A_1543 = arith.constant 0.000000e+00 : f32
        %max3A_1544 = vector.broadcast %max3A_1543 : f32 to vector<16xf32>
        %max3A_1545 = arith.maximumf %sub3A_1542, %max3A_1544 : vector<16xf32>
        %sub3A_1546 = arith.subf %min3A_1541, %max3A_1535 : vector<16xf32>
        %max3A_1547 = arith.constant 0.000000e+00 : f32
        %max3A_1548 = vector.broadcast %max3A_1547 : f32 to vector<16xf32>
        %max3A_1549 = arith.maximumf %sub3A_1546, %max3A_1548 : vector<16xf32>
        %mul3A_1550 = arith.mulf %max3A_1545, %max3A_1549 : vector<16xf32>
        %get3A_1551 = arith.constant 160 : index
        %get3A_1552 = tpu.vector_load %arg12[%get3A_1551] {strides = array<i32>} : memref<320xf32, #tpu.memory_space<vmem>>, vector<16xf32>,
        %add3A_1553 = arith.addf %mul3A_1045, %get3A_1552 : vector<16xf32>
        %sub3A_1554 = arith.subf %add3A_1553, %mul3A_1550 : vector<16xf32>
        %add3A_1555 = arith.constant 9.99999971E-10 : f32
        %add3A_1556 = vector.broadcast %add3A_1555 : f32 to vector<16xf32>
        %add3A_1557 = arith.addf %sub3A_1554, %add3A_1556 : vector<16xf32>
        %div3A_1558 = arith.divf %mul3A_1550, %add3A_1557 : vector<16xf32>
        %add3A_1559 = arith.constant 160 : i32
        %add3A_1560 = vector.broadcast %add3A_1559 : i32 to vector<16xi32>
        %add3A_1561 = arith.addi %add3A_5, %add3A_1560 : vector<16xi32>
        %gt3A_1562 = arith.constant 5.000000e-01 : f32
        %gt3A_1563 = vector.broadcast %gt3A_1562 : f32 to vector<16xf32>
        %gt3A_1564 = arith.cmpf ogt, %div3A_1558, %gt3A_1563 : vector<16xf32>
        %eq3A_1565 = vector.broadcast %reduce_min3A_1011 : i32 to vector<16xi32>
        %eq3A_1566 = arith.cmpi eq, %add3A_1561, %eq3A_1565 : vector<16xi32>
        %or3A_1567 = arith.ori %gt3A_1564, %eq3A_1566 : vector<16xi1>
        %get3A_1568 = arith.constant 160 : index
        %get3A_1569 = tpu.vector_load %arg11[%get3A_1568] {strides = array<i32>} : memref<320xf32, #tpu.memory_space<vmem>>, vector<16xf32>,
        %jit3A_1570 = arith.constant 0xFF800000 : f32
        %broadcast_in_dim3A_1571 = vector.broadcast %jit3A_1570 : f32 to vector<16xf32>
        %select_n3A_1572 = arith.select %or3A_1567, %broadcast_in_dim3A_1571, %get3A_1569 : vector<16xi1>, vector<16xf32>
        %swap3A_1573 = arith.constant 160 : index
        %swap3A_1574 = tpu.vector_load %arg11[%swap3A_1573] {strides = array<i32>} : memref<320xf32, #tpu.memory_space<vmem>>, vector<16xf32>,
        tpu.vector_store %arg11[%swap3A_1573], %select_n3A_1572 {strides = array<i32>} : memref<320xf32, #tpu.memory_space<vmem>>, vector<16xf32>,
        %gt3A_1575 = arith.cmpf ogt, %select_n3A_1572, %select_n3A_1528 : vector<16xf32>
        %select_n3A_1576 = arith.select %gt3A_1575, %select_n3A_1572, %select_n3A_1528 : vector<16xi1>, vector<16xf32>
        %select_n3A_1577 = arith.select %gt3A_1575, %add3A_1561, %select_n3A_1529 : vector<16xi1>, vector<16xi32>
        %get3A_1578 = arith.constant 176 : index
        %get3A_1579 = tpu.vector_load %arg7[%get3A_1578] {strides = array<i32>} : memref<320xf32, #tpu.memory_space<vmem>>, vector<16xf32>,
        %max3A_1580 = arith.maximumf %gather3A_1024, %get3A_1579 : vector<16xf32>
        %get3A_1581 = arith.constant 176 : index
        %get3A_1582 = tpu.vector_load %arg8[%get3A_1581] {strides = array<i32>} : memref<320xf32, #tpu.memory_space<vmem>>, vector<16xf32>,
        %max3A_1583 = arith.maximumf %gather3A_1028, %get3A_1582 : vector<16xf32>
        %get3A_1584 = arith.constant 176 : index
        %get3A_1585 = tpu.vector_load %arg9[%get3A_1584] {strides = array<i32>} : memref<320xf32, #tpu.memory_space<vmem>>, vector<16xf32>,
        %min3A_1586 = arith.minimumf %gather3A_1032, %get3A_1585 : vector<16xf32>
        %get3A_1587 = arith.constant 176 : index
        %get3A_1588 = tpu.vector_load %arg10[%get3A_1587] {strides = array<i32>} : memref<320xf32, #tpu.memory_space<vmem>>, vector<16xf32>,
        %min3A_1589 = arith.minimumf %gather3A_1036, %get3A_1588 : vector<16xf32>
        %sub3A_1590 = arith.subf %min3A_1586, %max3A_1580 : vector<16xf32>
        %max3A_1591 = arith.constant 0.000000e+00 : f32
        %max3A_1592 = vector.broadcast %max3A_1591 : f32 to vector<16xf32>
        %max3A_1593 = arith.maximumf %sub3A_1590, %max3A_1592 : vector<16xf32>
        %sub3A_1594 = arith.subf %min3A_1589, %max3A_1583 : vector<16xf32>
        %max3A_1595 = arith.constant 0.000000e+00 : f32
        %max3A_1596 = vector.broadcast %max3A_1595 : f32 to vector<16xf32>
        %max3A_1597 = arith.maximumf %sub3A_1594, %max3A_1596 : vector<16xf32>
        %mul3A_1598 = arith.mulf %max3A_1593, %max3A_1597 : vector<16xf32>
        %get3A_1599 = arith.constant 176 : index
        %get3A_1600 = tpu.vector_load %arg12[%get3A_1599] {strides = array<i32>} : memref<320xf32, #tpu.memory_space<vmem>>, vector<16xf32>,
        %add3A_1601 = arith.addf %mul3A_1045, %get3A_1600 : vector<16xf32>
        %sub3A_1602 = arith.subf %add3A_1601, %mul3A_1598 : vector<16xf32>
        %add3A_1603 = arith.constant 9.99999971E-10 : f32
        %add3A_1604 = vector.broadcast %add3A_1603 : f32 to vector<16xf32>
        %add3A_1605 = arith.addf %sub3A_1602, %add3A_1604 : vector<16xf32>
        %div3A_1606 = arith.divf %mul3A_1598, %add3A_1605 : vector<16xf32>
        %add3A_1607 = arith.constant 176 : i32
        %add3A_1608 = vector.broadcast %add3A_1607 : i32 to vector<16xi32>
        %add3A_1609 = arith.addi %add3A_5, %add3A_1608 : vector<16xi32>
        %gt3A_1610 = arith.constant 5.000000e-01 : f32
        %gt3A_1611 = vector.broadcast %gt3A_1610 : f32 to vector<16xf32>
        %gt3A_1612 = arith.cmpf ogt, %div3A_1606, %gt3A_1611 : vector<16xf32>
        %eq3A_1613 = vector.broadcast %reduce_min3A_1011 : i32 to vector<16xi32>
        %eq3A_1614 = arith.cmpi eq, %add3A_1609, %eq3A_1613 : vector<16xi32>
        %or3A_1615 = arith.ori %gt3A_1612, %eq3A_1614 : vector<16xi1>
        %get3A_1616 = arith.constant 176 : index
        %get3A_1617 = tpu.vector_load %arg11[%get3A_1616] {strides = array<i32>} : memref<320xf32, #tpu.memory_space<vmem>>, vector<16xf32>,
        %jit3A_1618 = arith.constant 0xFF800000 : f32
        %broadcast_in_dim3A_1619 = vector.broadcast %jit3A_1618 : f32 to vector<16xf32>
        %select_n3A_1620 = arith.select %or3A_1615, %broadcast_in_dim3A_1619, %get3A_1617 : vector<16xi1>, vector<16xf32>
        %swap3A_1621 = arith.constant 176 : index
        %swap3A_1622 = tpu.vector_load %arg11[%swap3A_1621] {strides = array<i32>} : memref<320xf32, #tpu.memory_space<vmem>>, vector<16xf32>,
        tpu.vector_store %arg11[%swap3A_1621], %select_n3A_1620 {strides = array<i32>} : memref<320xf32, #tpu.memory_space<vmem>>, vector<16xf32>,
        %gt3A_1623 = arith.cmpf ogt, %select_n3A_1620, %select_n3A_1576 : vector<16xf32>
        %select_n3A_1624 = arith.select %gt3A_1623, %select_n3A_1620, %select_n3A_1576 : vector<16xi1>, vector<16xf32>
        %select_n3A_1625 = arith.select %gt3A_1623, %add3A_1609, %select_n3A_1577 : vector<16xi1>, vector<16xi32>
        %get3A_1626 = arith.constant 192 : index
        %get3A_1627 = tpu.vector_load %arg7[%get3A_1626] {strides = array<i32>} : memref<320xf32, #tpu.memory_space<vmem>>, vector<16xf32>,
        %max3A_1628 = arith.maximumf %gather3A_1024, %get3A_1627 : vector<16xf32>
        %get3A_1629 = arith.constant 192 : index
        %get3A_1630 = tpu.vector_load %arg8[%get3A_1629] {strides = array<i32>} : memref<320xf32, #tpu.memory_space<vmem>>, vector<16xf32>,
        %max3A_1631 = arith.maximumf %gather3A_1028, %get3A_1630 : vector<16xf32>
        %get3A_1632 = arith.constant 192 : index
        %get3A_1633 = tpu.vector_load %arg9[%get3A_1632] {strides = array<i32>} : memref<320xf32, #tpu.memory_space<vmem>>, vector<16xf32>,
        %min3A_1634 = arith.minimumf %gather3A_1032, %get3A_1633 : vector<16xf32>
        %get3A_1635 = arith.constant 192 : index
        %get3A_1636 = tpu.vector_load %arg10[%get3A_1635] {strides = array<i32>} : memref<320xf32, #tpu.memory_space<vmem>>, vector<16xf32>,
        %min3A_1637 = arith.minimumf %gather3A_1036, %get3A_1636 : vector<16xf32>
        %sub3A_1638 = arith.subf %min3A_1634, %max3A_1628 : vector<16xf32>
        %max3A_1639 = arith.constant 0.000000e+00 : f32
        %max3A_1640 = vector.broadcast %max3A_1639 : f32 to vector<16xf32>
        %max3A_1641 = arith.maximumf %sub3A_1638, %max3A_1640 : vector<16xf32>
        %sub3A_1642 = arith.subf %min3A_1637, %max3A_1631 : vector<16xf32>
        %max3A_1643 = arith.constant 0.000000e+00 : f32
        %max3A_1644 = vector.broadcast %max3A_1643 : f32 to vector<16xf32>
        %max3A_1645 = arith.maximumf %sub3A_1642, %max3A_1644 : vector<16xf32>
        %mul3A_1646 = arith.mulf %max3A_1641, %max3A_1645 : vector<16xf32>
        %get3A_1647 = arith.constant 192 : index
        %get3A_1648 = tpu.vector_load %arg12[%get3A_1647] {strides = array<i32>} : memref<320xf32, #tpu.memory_space<vmem>>, vector<16xf32>,
        %add3A_1649 = arith.addf %mul3A_1045, %get3A_1648 : vector<16xf32>
        %sub3A_1650 = arith.subf %add3A_1649, %mul3A_1646 : vector<16xf32>
        %add3A_1651 = arith.constant 9.99999971E-10 : f32
        %add3A_1652 = vector.broadcast %add3A_1651 : f32 to vector<16xf32>
        %add3A_1653 = arith.addf %sub3A_1650, %add3A_1652 : vector<16xf32>
        %div3A_1654 = arith.divf %mul3A_1646, %add3A_1653 : vector<16xf32>
        %add3A_1655 = arith.constant 192 : i32
        %add3A_1656 = vector.broadcast %add3A_1655 : i32 to vector<16xi32>
        %add3A_1657 = arith.addi %add3A_5, %add3A_1656 : vector<16xi32>
        %gt3A_1658 = arith.constant 5.000000e-01 : f32
        %gt3A_1659 = vector.broadcast %gt3A_1658 : f32 to vector<16xf32>
        %gt3A_1660 = arith.cmpf ogt, %div3A_1654, %gt3A_1659 : vector<16xf32>
        %eq3A_1661 = vector.broadcast %reduce_min3A_1011 : i32 to vector<16xi32>
        %eq3A_1662 = arith.cmpi eq, %add3A_1657, %eq3A_1661 : vector<16xi32>
        %or3A_1663 = arith.ori %gt3A_1660, %eq3A_1662 : vector<16xi1>
        %get3A_1664 = arith.constant 192 : index
        %get3A_1665 = tpu.vector_load %arg11[%get3A_1664] {strides = array<i32>} : memref<320xf32, #tpu.memory_space<vmem>>, vector<16xf32>,
        %jit3A_1666 = arith.constant 0xFF800000 : f32
        %broadcast_in_dim3A_1667 = vector.broadcast %jit3A_1666 : f32 to vector<16xf32>
        %select_n3A_1668 = arith.select %or3A_1663, %broadcast_in_dim3A_1667, %get3A_1665 : vector<16xi1>, vector<16xf32>
        %swap3A_1669 = arith.constant 192 : index
        %swap3A_1670 = tpu.vector_load %arg11[%swap3A_1669] {strides = array<i32>} : memref<320xf32, #tpu.memory_space<vmem>>, vector<16xf32>,
        tpu.vector_store %arg11[%swap3A_1669], %select_n3A_1668 {strides = array<i32>} : memref<320xf32, #tpu.memory_space<vmem>>, vector<16xf32>,
        %gt3A_1671 = arith.cmpf ogt, %select_n3A_1668, %select_n3A_1624 : vector<16xf32>
        %select_n3A_1672 = arith.select %gt3A_1671, %select_n3A_1668, %select_n3A_1624 : vector<16xi1>, vector<16xf32>
        %select_n3A_1673 = arith.select %gt3A_1671, %add3A_1657, %select_n3A_1625 : vector<16xi1>, vector<16xi32>
        %get3A_1674 = arith.constant 208 : index
        %get3A_1675 = tpu.vector_load %arg7[%get3A_1674] {strides = array<i32>} : memref<320xf32, #tpu.memory_space<vmem>>, vector<16xf32>,
        %max3A_1676 = arith.maximumf %gather3A_1024, %get3A_1675 : vector<16xf32>
        %get3A_1677 = arith.constant 208 : index
        %get3A_1678 = tpu.vector_load %arg8[%get3A_1677] {strides = array<i32>} : memref<320xf32, #tpu.memory_space<vmem>>, vector<16xf32>,
        %max3A_1679 = arith.maximumf %gather3A_1028, %get3A_1678 : vector<16xf32>
        %get3A_1680 = arith.constant 208 : index
        %get3A_1681 = tpu.vector_load %arg9[%get3A_1680] {strides = array<i32>} : memref<320xf32, #tpu.memory_space<vmem>>, vector<16xf32>,
        %min3A_1682 = arith.minimumf %gather3A_1032, %get3A_1681 : vector<16xf32>
        %get3A_1683 = arith.constant 208 : index
        %get3A_1684 = tpu.vector_load %arg10[%get3A_1683] {strides = array<i32>} : memref<320xf32, #tpu.memory_space<vmem>>, vector<16xf32>,
        %min3A_1685 = arith.minimumf %gather3A_1036, %get3A_1684 : vector<16xf32>
        %sub3A_1686 = arith.subf %min3A_1682, %max3A_1676 : vector<16xf32>
        %max3A_1687 = arith.constant 0.000000e+00 : f32
        %max3A_1688 = vector.broadcast %max3A_1687 : f32 to vector<16xf32>
        %max3A_1689 = arith.maximumf %sub3A_1686, %max3A_1688 : vector<16xf32>
        %sub3A_1690 = arith.subf %min3A_1685, %max3A_1679 : vector<16xf32>
        %max3A_1691 = arith.constant 0.000000e+00 : f32
        %max3A_1692 = vector.broadcast %max3A_1691 : f32 to vector<16xf32>
        %max3A_1693 = arith.maximumf %sub3A_1690, %max3A_1692 : vector<16xf32>
        %mul3A_1694 = arith.mulf %max3A_1689, %max3A_1693 : vector<16xf32>
        %get3A_1695 = arith.constant 208 : index
        %get3A_1696 = tpu.vector_load %arg12[%get3A_1695] {strides = array<i32>} : memref<320xf32, #tpu.memory_space<vmem>>, vector<16xf32>,
        %add3A_1697 = arith.addf %mul3A_1045, %get3A_1696 : vector<16xf32>
        %sub3A_1698 = arith.subf %add3A_1697, %mul3A_1694 : vector<16xf32>
        %add3A_1699 = arith.constant 9.99999971E-10 : f32
        %add3A_1700 = vector.broadcast %add3A_1699 : f32 to vector<16xf32>
        %add3A_1701 = arith.addf %sub3A_1698, %add3A_1700 : vector<16xf32>
        %div3A_1702 = arith.divf %mul3A_1694, %add3A_1701 : vector<16xf32>
        %add3A_1703 = arith.constant 208 : i32
        %add3A_1704 = vector.broadcast %add3A_1703 : i32 to vector<16xi32>
        %add3A_1705 = arith.addi %add3A_5, %add3A_1704 : vector<16xi32>
        %gt3A_1706 = arith.constant 5.000000e-01 : f32
        %gt3A_1707 = vector.broadcast %gt3A_1706 : f32 to vector<16xf32>
        %gt3A_1708 = arith.cmpf ogt, %div3A_1702, %gt3A_1707 : vector<16xf32>
        %eq3A_1709 = vector.broadcast %reduce_min3A_1011 : i32 to vector<16xi32>
        %eq3A_1710 = arith.cmpi eq, %add3A_1705, %eq3A_1709 : vector<16xi32>
        %or3A_1711 = arith.ori %gt3A_1708, %eq3A_1710 : vector<16xi1>
        %get3A_1712 = arith.constant 208 : index
        %get3A_1713 = tpu.vector_load %arg11[%get3A_1712] {strides = array<i32>} : memref<320xf32, #tpu.memory_space<vmem>>, vector<16xf32>,
        %jit3A_1714 = arith.constant 0xFF800000 : f32
        %broadcast_in_dim3A_1715 = vector.broadcast %jit3A_1714 : f32 to vector<16xf32>
        %select_n3A_1716 = arith.select %or3A_1711, %broadcast_in_dim3A_1715, %get3A_1713 : vector<16xi1>, vector<16xf32>
        %swap3A_1717 = arith.constant 208 : index
        %swap3A_1718 = tpu.vector_load %arg11[%swap3A_1717] {strides = array<i32>} : memref<320xf32, #tpu.memory_space<vmem>>, vector<16xf32>,
        tpu.vector_store %arg11[%swap3A_1717], %select_n3A_1716 {strides = array<i32>} : memref<320xf32, #tpu.memory_space<vmem>>, vector<16xf32>,
        %gt3A_1719 = arith.cmpf ogt, %select_n3A_1716, %select_n3A_1672 : vector<16xf32>
        %select_n3A_1720 = arith.select %gt3A_1719, %select_n3A_1716, %select_n3A_1672 : vector<16xi1>, vector<16xf32>
        %select_n3A_1721 = arith.select %gt3A_1719, %add3A_1705, %select_n3A_1673 : vector<16xi1>, vector<16xi32>
        %get3A_1722 = arith.constant 224 : index
        %get3A_1723 = tpu.vector_load %arg7[%get3A_1722] {strides = array<i32>} : memref<320xf32, #tpu.memory_space<vmem>>, vector<16xf32>,
        %max3A_1724 = arith.maximumf %gather3A_1024, %get3A_1723 : vector<16xf32>
        %get3A_1725 = arith.constant 224 : index
        %get3A_1726 = tpu.vector_load %arg8[%get3A_1725] {strides = array<i32>} : memref<320xf32, #tpu.memory_space<vmem>>, vector<16xf32>,
        %max3A_1727 = arith.maximumf %gather3A_1028, %get3A_1726 : vector<16xf32>
        %get3A_1728 = arith.constant 224 : index
        %get3A_1729 = tpu.vector_load %arg9[%get3A_1728] {strides = array<i32>} : memref<320xf32, #tpu.memory_space<vmem>>, vector<16xf32>,
        %min3A_1730 = arith.minimumf %gather3A_1032, %get3A_1729 : vector<16xf32>
        %get3A_1731 = arith.constant 224 : index
        %get3A_1732 = tpu.vector_load %arg10[%get3A_1731] {strides = array<i32>} : memref<320xf32, #tpu.memory_space<vmem>>, vector<16xf32>,
        %min3A_1733 = arith.minimumf %gather3A_1036, %get3A_1732 : vector<16xf32>
        %sub3A_1734 = arith.subf %min3A_1730, %max3A_1724 : vector<16xf32>
        %max3A_1735 = arith.constant 0.000000e+00 : f32
        %max3A_1736 = vector.broadcast %max3A_1735 : f32 to vector<16xf32>
        %max3A_1737 = arith.maximumf %sub3A_1734, %max3A_1736 : vector<16xf32>
        %sub3A_1738 = arith.subf %min3A_1733, %max3A_1727 : vector<16xf32>
        %max3A_1739 = arith.constant 0.000000e+00 : f32
        %max3A_1740 = vector.broadcast %max3A_1739 : f32 to vector<16xf32>
        %max3A_1741 = arith.maximumf %sub3A_1738, %max3A_1740 : vector<16xf32>
        %mul3A_1742 = arith.mulf %max3A_1737, %max3A_1741 : vector<16xf32>
        %get3A_1743 = arith.constant 224 : index
        %get3A_1744 = tpu.vector_load %arg12[%get3A_1743] {strides = array<i32>} : memref<320xf32, #tpu.memory_space<vmem>>, vector<16xf32>,
        %add3A_1745 = arith.addf %mul3A_1045, %get3A_1744 : vector<16xf32>
        %sub3A_1746 = arith.subf %add3A_1745, %mul3A_1742 : vector<16xf32>
        %add3A_1747 = arith.constant 9.99999971E-10 : f32
        %add3A_1748 = vector.broadcast %add3A_1747 : f32 to vector<16xf32>
        %add3A_1749 = arith.addf %sub3A_1746, %add3A_1748 : vector<16xf32>
        %div3A_1750 = arith.divf %mul3A_1742, %add3A_1749 : vector<16xf32>
        %add3A_1751 = arith.constant 224 : i32
        %add3A_1752 = vector.broadcast %add3A_1751 : i32 to vector<16xi32>
        %add3A_1753 = arith.addi %add3A_5, %add3A_1752 : vector<16xi32>
        %gt3A_1754 = arith.constant 5.000000e-01 : f32
        %gt3A_1755 = vector.broadcast %gt3A_1754 : f32 to vector<16xf32>
        %gt3A_1756 = arith.cmpf ogt, %div3A_1750, %gt3A_1755 : vector<16xf32>
        %eq3A_1757 = vector.broadcast %reduce_min3A_1011 : i32 to vector<16xi32>
        %eq3A_1758 = arith.cmpi eq, %add3A_1753, %eq3A_1757 : vector<16xi32>
        %or3A_1759 = arith.ori %gt3A_1756, %eq3A_1758 : vector<16xi1>
        %get3A_1760 = arith.constant 224 : index
        %get3A_1761 = tpu.vector_load %arg11[%get3A_1760] {strides = array<i32>} : memref<320xf32, #tpu.memory_space<vmem>>, vector<16xf32>,
        %jit3A_1762 = arith.constant 0xFF800000 : f32
        %broadcast_in_dim3A_1763 = vector.broadcast %jit3A_1762 : f32 to vector<16xf32>
        %select_n3A_1764 = arith.select %or3A_1759, %broadcast_in_dim3A_1763, %get3A_1761 : vector<16xi1>, vector<16xf32>
        %swap3A_1765 = arith.constant 224 : index
        %swap3A_1766 = tpu.vector_load %arg11[%swap3A_1765] {strides = array<i32>} : memref<320xf32, #tpu.memory_space<vmem>>, vector<16xf32>,
        tpu.vector_store %arg11[%swap3A_1765], %select_n3A_1764 {strides = array<i32>} : memref<320xf32, #tpu.memory_space<vmem>>, vector<16xf32>,
        %gt3A_1767 = arith.cmpf ogt, %select_n3A_1764, %select_n3A_1720 : vector<16xf32>
        %select_n3A_1768 = arith.select %gt3A_1767, %select_n3A_1764, %select_n3A_1720 : vector<16xi1>, vector<16xf32>
        %select_n3A_1769 = arith.select %gt3A_1767, %add3A_1753, %select_n3A_1721 : vector<16xi1>, vector<16xi32>
        %get3A_1770 = arith.constant 240 : index
        %get3A_1771 = tpu.vector_load %arg7[%get3A_1770] {strides = array<i32>} : memref<320xf32, #tpu.memory_space<vmem>>, vector<16xf32>,
        %max3A_1772 = arith.maximumf %gather3A_1024, %get3A_1771 : vector<16xf32>
        %get3A_1773 = arith.constant 240 : index
        %get3A_1774 = tpu.vector_load %arg8[%get3A_1773] {strides = array<i32>} : memref<320xf32, #tpu.memory_space<vmem>>, vector<16xf32>,
        %max3A_1775 = arith.maximumf %gather3A_1028, %get3A_1774 : vector<16xf32>
        %get3A_1776 = arith.constant 240 : index
        %get3A_1777 = tpu.vector_load %arg9[%get3A_1776] {strides = array<i32>} : memref<320xf32, #tpu.memory_space<vmem>>, vector<16xf32>,
        %min3A_1778 = arith.minimumf %gather3A_1032, %get3A_1777 : vector<16xf32>
        %get3A_1779 = arith.constant 240 : index
        %get3A_1780 = tpu.vector_load %arg10[%get3A_1779] {strides = array<i32>} : memref<320xf32, #tpu.memory_space<vmem>>, vector<16xf32>,
        %min3A_1781 = arith.minimumf %gather3A_1036, %get3A_1780 : vector<16xf32>
        %sub3A_1782 = arith.subf %min3A_1778, %max3A_1772 : vector<16xf32>
        %max3A_1783 = arith.constant 0.000000e+00 : f32
        %max3A_1784 = vector.broadcast %max3A_1783 : f32 to vector<16xf32>
        %max3A_1785 = arith.maximumf %sub3A_1782, %max3A_1784 : vector<16xf32>
        %sub3A_1786 = arith.subf %min3A_1781, %max3A_1775 : vector<16xf32>
        %max3A_1787 = arith.constant 0.000000e+00 : f32
        %max3A_1788 = vector.broadcast %max3A_1787 : f32 to vector<16xf32>
        %max3A_1789 = arith.maximumf %sub3A_1786, %max3A_1788 : vector<16xf32>
        %mul3A_1790 = arith.mulf %max3A_1785, %max3A_1789 : vector<16xf32>
        %get3A_1791 = arith.constant 240 : index
        %get3A_1792 = tpu.vector_load %arg12[%get3A_1791] {strides = array<i32>} : memref<320xf32, #tpu.memory_space<vmem>>, vector<16xf32>,
        %add3A_1793 = arith.addf %mul3A_1045, %get3A_1792 : vector<16xf32>
        %sub3A_1794 = arith.subf %add3A_1793, %mul3A_1790 : vector<16xf32>
        %add3A_1795 = arith.constant 9.99999971E-10 : f32
        %add3A_1796 = vector.broadcast %add3A_1795 : f32 to vector<16xf32>
        %add3A_1797 = arith.addf %sub3A_1794, %add3A_1796 : vector<16xf32>
        %div3A_1798 = arith.divf %mul3A_1790, %add3A_1797 : vector<16xf32>
        %add3A_1799 = arith.constant 240 : i32
        %add3A_1800 = vector.broadcast %add3A_1799 : i32 to vector<16xi32>
        %add3A_1801 = arith.addi %add3A_5, %add3A_1800 : vector<16xi32>
        %gt3A_1802 = arith.constant 5.000000e-01 : f32
        %gt3A_1803 = vector.broadcast %gt3A_1802 : f32 to vector<16xf32>
        %gt3A_1804 = arith.cmpf ogt, %div3A_1798, %gt3A_1803 : vector<16xf32>
        %eq3A_1805 = vector.broadcast %reduce_min3A_1011 : i32 to vector<16xi32>
        %eq3A_1806 = arith.cmpi eq, %add3A_1801, %eq3A_1805 : vector<16xi32>
        %or3A_1807 = arith.ori %gt3A_1804, %eq3A_1806 : vector<16xi1>
        %get3A_1808 = arith.constant 240 : index
        %get3A_1809 = tpu.vector_load %arg11[%get3A_1808] {strides = array<i32>} : memref<320xf32, #tpu.memory_space<vmem>>, vector<16xf32>,
        %jit3A_1810 = arith.constant 0xFF800000 : f32
        %broadcast_in_dim3A_1811 = vector.broadcast %jit3A_1810 : f32 to vector<16xf32>
        %select_n3A_1812 = arith.select %or3A_1807, %broadcast_in_dim3A_1811, %get3A_1809 : vector<16xi1>, vector<16xf32>
        %swap3A_1813 = arith.constant 240 : index
        %swap3A_1814 = tpu.vector_load %arg11[%swap3A_1813] {strides = array<i32>} : memref<320xf32, #tpu.memory_space<vmem>>, vector<16xf32>,
        tpu.vector_store %arg11[%swap3A_1813], %select_n3A_1812 {strides = array<i32>} : memref<320xf32, #tpu.memory_space<vmem>>, vector<16xf32>,
        %gt3A_1815 = arith.cmpf ogt, %select_n3A_1812, %select_n3A_1768 : vector<16xf32>
        %select_n3A_1816 = arith.select %gt3A_1815, %select_n3A_1812, %select_n3A_1768 : vector<16xi1>, vector<16xf32>
        %select_n3A_1817 = arith.select %gt3A_1815, %add3A_1801, %select_n3A_1769 : vector<16xi1>, vector<16xi32>
        %get3A_1818 = arith.constant 256 : index
        %get3A_1819 = tpu.vector_load %arg7[%get3A_1818] {strides = array<i32>} : memref<320xf32, #tpu.memory_space<vmem>>, vector<16xf32>,
        %max3A_1820 = arith.maximumf %gather3A_1024, %get3A_1819 : vector<16xf32>
        %get3A_1821 = arith.constant 256 : index
        %get3A_1822 = tpu.vector_load %arg8[%get3A_1821] {strides = array<i32>} : memref<320xf32, #tpu.memory_space<vmem>>, vector<16xf32>,
        %max3A_1823 = arith.maximumf %gather3A_1028, %get3A_1822 : vector<16xf32>
        %get3A_1824 = arith.constant 256 : index
        %get3A_1825 = tpu.vector_load %arg9[%get3A_1824] {strides = array<i32>} : memref<320xf32, #tpu.memory_space<vmem>>, vector<16xf32>,
        %min3A_1826 = arith.minimumf %gather3A_1032, %get3A_1825 : vector<16xf32>
        %get3A_1827 = arith.constant 256 : index
        %get3A_1828 = tpu.vector_load %arg10[%get3A_1827] {strides = array<i32>} : memref<320xf32, #tpu.memory_space<vmem>>, vector<16xf32>,
        %min3A_1829 = arith.minimumf %gather3A_1036, %get3A_1828 : vector<16xf32>
        %sub3A_1830 = arith.subf %min3A_1826, %max3A_1820 : vector<16xf32>
        %max3A_1831 = arith.constant 0.000000e+00 : f32
        %max3A_1832 = vector.broadcast %max3A_1831 : f32 to vector<16xf32>
        %max3A_1833 = arith.maximumf %sub3A_1830, %max3A_1832 : vector<16xf32>
        %sub3A_1834 = arith.subf %min3A_1829, %max3A_1823 : vector<16xf32>
        %max3A_1835 = arith.constant 0.000000e+00 : f32
        %max3A_1836 = vector.broadcast %max3A_1835 : f32 to vector<16xf32>
        %max3A_1837 = arith.maximumf %sub3A_1834, %max3A_1836 : vector<16xf32>
        %mul3A_1838 = arith.mulf %max3A_1833, %max3A_1837 : vector<16xf32>
        %get3A_1839 = arith.constant 256 : index
        %get3A_1840 = tpu.vector_load %arg12[%get3A_1839] {strides = array<i32>} : memref<320xf32, #tpu.memory_space<vmem>>, vector<16xf32>,
        %add3A_1841 = arith.addf %mul3A_1045, %get3A_1840 : vector<16xf32>
        %sub3A_1842 = arith.subf %add3A_1841, %mul3A_1838 : vector<16xf32>
        %add3A_1843 = arith.constant 9.99999971E-10 : f32
        %add3A_1844 = vector.broadcast %add3A_1843 : f32 to vector<16xf32>
        %add3A_1845 = arith.addf %sub3A_1842, %add3A_1844 : vector<16xf32>
        %div3A_1846 = arith.divf %mul3A_1838, %add3A_1845 : vector<16xf32>
        %add3A_1847 = arith.constant 256 : i32
        %add3A_1848 = vector.broadcast %add3A_1847 : i32 to vector<16xi32>
        %add3A_1849 = arith.addi %add3A_5, %add3A_1848 : vector<16xi32>
        %gt3A_1850 = arith.constant 5.000000e-01 : f32
        %gt3A_1851 = vector.broadcast %gt3A_1850 : f32 to vector<16xf32>
        %gt3A_1852 = arith.cmpf ogt, %div3A_1846, %gt3A_1851 : vector<16xf32>
        %eq3A_1853 = vector.broadcast %reduce_min3A_1011 : i32 to vector<16xi32>
        %eq3A_1854 = arith.cmpi eq, %add3A_1849, %eq3A_1853 : vector<16xi32>
        %or3A_1855 = arith.ori %gt3A_1852, %eq3A_1854 : vector<16xi1>
        %get3A_1856 = arith.constant 256 : index
        %get3A_1857 = tpu.vector_load %arg11[%get3A_1856] {strides = array<i32>} : memref<320xf32, #tpu.memory_space<vmem>>, vector<16xf32>,
        %jit3A_1858 = arith.constant 0xFF800000 : f32
        %broadcast_in_dim3A_1859 = vector.broadcast %jit3A_1858 : f32 to vector<16xf32>
        %select_n3A_1860 = arith.select %or3A_1855, %broadcast_in_dim3A_1859, %get3A_1857 : vector<16xi1>, vector<16xf32>
        %swap3A_1861 = arith.constant 256 : index
        %swap3A_1862 = tpu.vector_load %arg11[%swap3A_1861] {strides = array<i32>} : memref<320xf32, #tpu.memory_space<vmem>>, vector<16xf32>,
        tpu.vector_store %arg11[%swap3A_1861], %select_n3A_1860 {strides = array<i32>} : memref<320xf32, #tpu.memory_space<vmem>>, vector<16xf32>,
        %gt3A_1863 = arith.cmpf ogt, %select_n3A_1860, %select_n3A_1816 : vector<16xf32>
        %select_n3A_1864 = arith.select %gt3A_1863, %select_n3A_1860, %select_n3A_1816 : vector<16xi1>, vector<16xf32>
        %select_n3A_1865 = arith.select %gt3A_1863, %add3A_1849, %select_n3A_1817 : vector<16xi1>, vector<16xi32>
        %get3A_1866 = arith.constant 272 : index
        %get3A_1867 = tpu.vector_load %arg7[%get3A_1866] {strides = array<i32>} : memref<320xf32, #tpu.memory_space<vmem>>, vector<16xf32>,
        %max3A_1868 = arith.maximumf %gather3A_1024, %get3A_1867 : vector<16xf32>
        %get3A_1869 = arith.constant 272 : index
        %get3A_1870 = tpu.vector_load %arg8[%get3A_1869] {strides = array<i32>} : memref<320xf32, #tpu.memory_space<vmem>>, vector<16xf32>,
        %max3A_1871 = arith.maximumf %gather3A_1028, %get3A_1870 : vector<16xf32>
        %get3A_1872 = arith.constant 272 : index
        %get3A_1873 = tpu.vector_load %arg9[%get3A_1872] {strides = array<i32>} : memref<320xf32, #tpu.memory_space<vmem>>, vector<16xf32>,
        %min3A_1874 = arith.minimumf %gather3A_1032, %get3A_1873 : vector<16xf32>
        %get3A_1875 = arith.constant 272 : index
        %get3A_1876 = tpu.vector_load %arg10[%get3A_1875] {strides = array<i32>} : memref<320xf32, #tpu.memory_space<vmem>>, vector<16xf32>,
        %min3A_1877 = arith.minimumf %gather3A_1036, %get3A_1876 : vector<16xf32>
        %sub3A_1878 = arith.subf %min3A_1874, %max3A_1868 : vector<16xf32>
        %max3A_1879 = arith.constant 0.000000e+00 : f32
        %max3A_1880 = vector.broadcast %max3A_1879 : f32 to vector<16xf32>
        %max3A_1881 = arith.maximumf %sub3A_1878, %max3A_1880 : vector<16xf32>
        %sub3A_1882 = arith.subf %min3A_1877, %max3A_1871 : vector<16xf32>
        %max3A_1883 = arith.constant 0.000000e+00 : f32
        %max3A_1884 = vector.broadcast %max3A_1883 : f32 to vector<16xf32>
        %max3A_1885 = arith.maximumf %sub3A_1882, %max3A_1884 : vector<16xf32>
        %mul3A_1886 = arith.mulf %max3A_1881, %max3A_1885 : vector<16xf32>
        %get3A_1887 = arith.constant 272 : index
        %get3A_1888 = tpu.vector_load %arg12[%get3A_1887] {strides = array<i32>} : memref<320xf32, #tpu.memory_space<vmem>>, vector<16xf32>,
        %add3A_1889 = arith.addf %mul3A_1045, %get3A_1888 : vector<16xf32>
        %sub3A_1890 = arith.subf %add3A_1889, %mul3A_1886 : vector<16xf32>
        %add3A_1891 = arith.constant 9.99999971E-10 : f32
        %add3A_1892 = vector.broadcast %add3A_1891 : f32 to vector<16xf32>
        %add3A_1893 = arith.addf %sub3A_1890, %add3A_1892 : vector<16xf32>
        %div3A_1894 = arith.divf %mul3A_1886, %add3A_1893 : vector<16xf32>
        %add3A_1895 = arith.constant 272 : i32
        %add3A_1896 = vector.broadcast %add3A_1895 : i32 to vector<16xi32>
        %add3A_1897 = arith.addi %add3A_5, %add3A_1896 : vector<16xi32>
        %gt3A_1898 = arith.constant 5.000000e-01 : f32
        %gt3A_1899 = vector.broadcast %gt3A_1898 : f32 to vector<16xf32>
        %gt3A_1900 = arith.cmpf ogt, %div3A_1894, %gt3A_1899 : vector<16xf32>
        %eq3A_1901 = vector.broadcast %reduce_min3A_1011 : i32 to vector<16xi32>
        %eq3A_1902 = arith.cmpi eq, %add3A_1897, %eq3A_1901 : vector<16xi32>
        %or3A_1903 = arith.ori %gt3A_1900, %eq3A_1902 : vector<16xi1>
        %get3A_1904 = arith.constant 272 : index
        %get3A_1905 = tpu.vector_load %arg11[%get3A_1904] {strides = array<i32>} : memref<320xf32, #tpu.memory_space<vmem>>, vector<16xf32>,
        %jit3A_1906 = arith.constant 0xFF800000 : f32
        %broadcast_in_dim3A_1907 = vector.broadcast %jit3A_1906 : f32 to vector<16xf32>
        %select_n3A_1908 = arith.select %or3A_1903, %broadcast_in_dim3A_1907, %get3A_1905 : vector<16xi1>, vector<16xf32>
        %swap3A_1909 = arith.constant 272 : index
        %swap3A_1910 = tpu.vector_load %arg11[%swap3A_1909] {strides = array<i32>} : memref<320xf32, #tpu.memory_space<vmem>>, vector<16xf32>,
        tpu.vector_store %arg11[%swap3A_1909], %select_n3A_1908 {strides = array<i32>} : memref<320xf32, #tpu.memory_space<vmem>>, vector<16xf32>,
        %gt3A_1911 = arith.cmpf ogt, %select_n3A_1908, %select_n3A_1864 : vector<16xf32>
        %select_n3A_1912 = arith.select %gt3A_1911, %select_n3A_1908, %select_n3A_1864 : vector<16xi1>, vector<16xf32>
        %select_n3A_1913 = arith.select %gt3A_1911, %add3A_1897, %select_n3A_1865 : vector<16xi1>, vector<16xi32>
        %get3A_1914 = arith.constant 288 : index
        %get3A_1915 = tpu.vector_load %arg7[%get3A_1914] {strides = array<i32>} : memref<320xf32, #tpu.memory_space<vmem>>, vector<16xf32>,
        %max3A_1916 = arith.maximumf %gather3A_1024, %get3A_1915 : vector<16xf32>
        %get3A_1917 = arith.constant 288 : index
        %get3A_1918 = tpu.vector_load %arg8[%get3A_1917] {strides = array<i32>} : memref<320xf32, #tpu.memory_space<vmem>>, vector<16xf32>,
        %max3A_1919 = arith.maximumf %gather3A_1028, %get3A_1918 : vector<16xf32>
        %get3A_1920 = arith.constant 288 : index
        %get3A_1921 = tpu.vector_load %arg9[%get3A_1920] {strides = array<i32>} : memref<320xf32, #tpu.memory_space<vmem>>, vector<16xf32>,
        %min3A_1922 = arith.minimumf %gather3A_1032, %get3A_1921 : vector<16xf32>
        %get3A_1923 = arith.constant 288 : index
        %get3A_1924 = tpu.vector_load %arg10[%get3A_1923] {strides = array<i32>} : memref<320xf32, #tpu.memory_space<vmem>>, vector<16xf32>,
        %min3A_1925 = arith.minimumf %gather3A_1036, %get3A_1924 : vector<16xf32>
        %sub3A_1926 = arith.subf %min3A_1922, %max3A_1916 : vector<16xf32>
        %max3A_1927 = arith.constant 0.000000e+00 : f32
        %max3A_1928 = vector.broadcast %max3A_1927 : f32 to vector<16xf32>
        %max3A_1929 = arith.maximumf %sub3A_1926, %max3A_1928 : vector<16xf32>
        %sub3A_1930 = arith.subf %min3A_1925, %max3A_1919 : vector<16xf32>
        %max3A_1931 = arith.constant 0.000000e+00 : f32
        %max3A_1932 = vector.broadcast %max3A_1931 : f32 to vector<16xf32>
        %max3A_1933 = arith.maximumf %sub3A_1930, %max3A_1932 : vector<16xf32>
        %mul3A_1934 = arith.mulf %max3A_1929, %max3A_1933 : vector<16xf32>
        %get3A_1935 = arith.constant 288 : index
        %get3A_1936 = tpu.vector_load %arg12[%get3A_1935] {strides = array<i32>} : memref<320xf32, #tpu.memory_space<vmem>>, vector<16xf32>,
        %add3A_1937 = arith.addf %mul3A_1045, %get3A_1936 : vector<16xf32>
        %sub3A_1938 = arith.subf %add3A_1937, %mul3A_1934 : vector<16xf32>
        %add3A_1939 = arith.constant 9.99999971E-10 : f32
        %add3A_1940 = vector.broadcast %add3A_1939 : f32 to vector<16xf32>
        %add3A_1941 = arith.addf %sub3A_1938, %add3A_1940 : vector<16xf32>
        %div3A_1942 = arith.divf %mul3A_1934, %add3A_1941 : vector<16xf32>
        %add3A_1943 = arith.constant 288 : i32
        %add3A_1944 = vector.broadcast %add3A_1943 : i32 to vector<16xi32>
        %add3A_1945 = arith.addi %add3A_5, %add3A_1944 : vector<16xi32>
        %gt3A_1946 = arith.constant 5.000000e-01 : f32
        %gt3A_1947 = vector.broadcast %gt3A_1946 : f32 to vector<16xf32>
        %gt3A_1948 = arith.cmpf ogt, %div3A_1942, %gt3A_1947 : vector<16xf32>
        %eq3A_1949 = vector.broadcast %reduce_min3A_1011 : i32 to vector<16xi32>
        %eq3A_1950 = arith.cmpi eq, %add3A_1945, %eq3A_1949 : vector<16xi32>
        %or3A_1951 = arith.ori %gt3A_1948, %eq3A_1950 : vector<16xi1>
        %get3A_1952 = arith.constant 288 : index
        %get3A_1953 = tpu.vector_load %arg11[%get3A_1952] {strides = array<i32>} : memref<320xf32, #tpu.memory_space<vmem>>, vector<16xf32>,
        %jit3A_1954 = arith.constant 0xFF800000 : f32
        %broadcast_in_dim3A_1955 = vector.broadcast %jit3A_1954 : f32 to vector<16xf32>
        %select_n3A_1956 = arith.select %or3A_1951, %broadcast_in_dim3A_1955, %get3A_1953 : vector<16xi1>, vector<16xf32>
        %swap3A_1957 = arith.constant 288 : index
        %swap3A_1958 = tpu.vector_load %arg11[%swap3A_1957] {strides = array<i32>} : memref<320xf32, #tpu.memory_space<vmem>>, vector<16xf32>,
        tpu.vector_store %arg11[%swap3A_1957], %select_n3A_1956 {strides = array<i32>} : memref<320xf32, #tpu.memory_space<vmem>>, vector<16xf32>,
        %gt3A_1959 = arith.cmpf ogt, %select_n3A_1956, %select_n3A_1912 : vector<16xf32>
        %select_n3A_1960 = arith.select %gt3A_1959, %select_n3A_1956, %select_n3A_1912 : vector<16xi1>, vector<16xf32>
        %select_n3A_1961 = arith.select %gt3A_1959, %add3A_1945, %select_n3A_1913 : vector<16xi1>, vector<16xi32>
        %get3A_1962 = arith.constant 304 : index
        %get3A_1963 = tpu.vector_load %arg7[%get3A_1962] {strides = array<i32>} : memref<320xf32, #tpu.memory_space<vmem>>, vector<16xf32>,
        %max3A_1964 = arith.maximumf %gather3A_1024, %get3A_1963 : vector<16xf32>
        %get3A_1965 = arith.constant 304 : index
        %get3A_1966 = tpu.vector_load %arg8[%get3A_1965] {strides = array<i32>} : memref<320xf32, #tpu.memory_space<vmem>>, vector<16xf32>,
        %max3A_1967 = arith.maximumf %gather3A_1028, %get3A_1966 : vector<16xf32>
        %get3A_1968 = arith.constant 304 : index
        %get3A_1969 = tpu.vector_load %arg9[%get3A_1968] {strides = array<i32>} : memref<320xf32, #tpu.memory_space<vmem>>, vector<16xf32>,
        %min3A_1970 = arith.minimumf %gather3A_1032, %get3A_1969 : vector<16xf32>
        %get3A_1971 = arith.constant 304 : index
        %get3A_1972 = tpu.vector_load %arg10[%get3A_1971] {strides = array<i32>} : memref<320xf32, #tpu.memory_space<vmem>>, vector<16xf32>,
        %min3A_1973 = arith.minimumf %gather3A_1036, %get3A_1972 : vector<16xf32>
        %sub3A_1974 = arith.subf %min3A_1970, %max3A_1964 : vector<16xf32>
        %max3A_1975 = arith.constant 0.000000e+00 : f32
        %max3A_1976 = vector.broadcast %max3A_1975 : f32 to vector<16xf32>
        %max3A_1977 = arith.maximumf %sub3A_1974, %max3A_1976 : vector<16xf32>
        %sub3A_1978 = arith.subf %min3A_1973, %max3A_1967 : vector<16xf32>
        %max3A_1979 = arith.constant 0.000000e+00 : f32
        %max3A_1980 = vector.broadcast %max3A_1979 : f32 to vector<16xf32>
        %max3A_1981 = arith.maximumf %sub3A_1978, %max3A_1980 : vector<16xf32>
        %mul3A_1982 = arith.mulf %max3A_1977, %max3A_1981 : vector<16xf32>
        %get3A_1983 = arith.constant 304 : index
        %get3A_1984 = tpu.vector_load %arg12[%get3A_1983] {strides = array<i32>} : memref<320xf32, #tpu.memory_space<vmem>>, vector<16xf32>,
        %add3A_1985 = arith.addf %mul3A_1045, %get3A_1984 : vector<16xf32>
        %sub3A_1986 = arith.subf %add3A_1985, %mul3A_1982 : vector<16xf32>
        %add3A_1987 = arith.constant 9.99999971E-10 : f32
        %add3A_1988 = vector.broadcast %add3A_1987 : f32 to vector<16xf32>
        %add3A_1989 = arith.addf %sub3A_1986, %add3A_1988 : vector<16xf32>
        %div3A_1990 = arith.divf %mul3A_1982, %add3A_1989 : vector<16xf32>
        %add3A_1991 = arith.constant 304 : i32
        %add3A_1992 = vector.broadcast %add3A_1991 : i32 to vector<16xi32>
        %add3A_1993 = arith.addi %add3A_5, %add3A_1992 : vector<16xi32>
        %gt3A_1994 = arith.constant 5.000000e-01 : f32
        %gt3A_1995 = vector.broadcast %gt3A_1994 : f32 to vector<16xf32>
        %gt3A_1996 = arith.cmpf ogt, %div3A_1990, %gt3A_1995 : vector<16xf32>
        %eq3A_1997 = vector.broadcast %reduce_min3A_1011 : i32 to vector<16xi32>
        %eq3A_1998 = arith.cmpi eq, %add3A_1993, %eq3A_1997 : vector<16xi32>
        %or3A_1999 = arith.ori %gt3A_1996, %eq3A_1998 : vector<16xi1>
        %get3A_2000 = arith.constant 304 : index
        %get3A_2001 = tpu.vector_load %arg11[%get3A_2000] {strides = array<i32>} : memref<320xf32, #tpu.memory_space<vmem>>, vector<16xf32>,
        %jit3A_2002 = arith.constant 0xFF800000 : f32
        %broadcast_in_dim3A_2003 = vector.broadcast %jit3A_2002 : f32 to vector<16xf32>
        %select_n3A_2004 = arith.select %or3A_1999, %broadcast_in_dim3A_2003, %get3A_2001 : vector<16xi1>, vector<16xf32>
        %swap3A_2005 = arith.constant 304 : index
        %swap3A_2006 = tpu.vector_load %arg11[%swap3A_2005] {strides = array<i32>} : memref<320xf32, #tpu.memory_space<vmem>>, vector<16xf32>,
        tpu.vector_store %arg11[%swap3A_2005], %select_n3A_2004 {strides = array<i32>} : memref<320xf32, #tpu.memory_space<vmem>>, vector<16xf32>,
        %gt3A_2007 = arith.cmpf ogt, %select_n3A_2004, %select_n3A_1960 : vector<16xf32>
        %select_n3A_2008 = arith.select %gt3A_2007, %select_n3A_2004, %select_n3A_1960 : vector<16xi1>, vector<16xf32>
        %select_n3A_2009 = arith.select %gt3A_2007, %add3A_1993, %select_n3A_1961 : vector<16xi1>, vector<16xi32>
        %swap3A_2010 = arith.constant 0 : index
        %swap3A_2011 = tpu.vector_load %arg15[%swap3A_2010] {strides = array<i32>} : memref<16xf32, #tpu.memory_space<vmem>>, vector<16xf32>,
        tpu.vector_store %arg15[%swap3A_2010], %select_n3A_2008 {strides = array<i32>} : memref<16xf32, #tpu.memory_space<vmem>>, vector<16xf32>,
        %swap3A_2012 = arith.constant 0 : index
        %swap3A_2013 = tpu.vector_load %arg16[%swap3A_2012] {strides = array<i32>} : memref<16xi32, #tpu.memory_space<vmem>>, vector<16xi32>,
        tpu.vector_store %arg16[%swap3A_2012], %select_n3A_2009 {strides = array<i32>} : memref<16xi32, #tpu.memory_space<vmem>>, vector<16xi32>,
      } else {
      }
      %jit3A_1017 = arith.constant 0 : i32
      %jit3A_1018 = arith.constant 1 : i32
      %select_n3A_1019 = arith.select %or3A, %jit3A_1017, %jit3A_1018 : i32
      %add3A_1020 = arith.addi %scan3A_931, %select_n3A_1019 : i32
      scf.yield %add3A_1020, %or3A : i32, i1
    }
    %scan3A_926 = arith.constant 100 : i32
    %convert_element_type3A_927 = arith.extui %and3A : i1 to i32
    %cond3A_928 = arith.constant 0 : i32
    %cond3A_929 = arith.cmpi ne, %convert_element_type3A_927, %cond3A_928 : i32
    scf.if %cond3A_929 {
      "tpu.region"() ({
        %run_scoped3A = tpu.sem_alloc : memref<!tpu.dma_semaphore, #tpu.memory_space<semaphore_mem>>
        tpu.enqueue_dma source(%arg17 : memref<1600xf32, #tpu.memory_space<vmem>>) target(%arg4 : memref<1600xf32, #tpu.memory_space<hbm>>) target_semaphore(%run_scoped3A : memref<!tpu.dma_semaphore, #tpu.memory_space<semaphore_mem>>)
        tpu.wait_dma2 semaphore(%run_scoped3A : memref<!tpu.dma_semaphore, #tpu.memory_space<semaphore_mem>>) src(%arg17 : memref<1600xf32, #tpu.memory_space<vmem>>) dst(%arg4 : memref<1600xf32, #tpu.memory_space<hbm>>)
        tpu.yield
      }) : () -> ()
    } else {
    }
    return
  }
}

</mosaic_0001>

<sc_bundles>
// kernel: kernel.3.cloned.1.call-start
scs
__scs_entry_jumppad:
0x0: {  	(pc) =	sbr.rel $0x88, $3  }
0x1: {  	(tag) =	ssettag $0x0;
	lr =	simm.s32 $0x1  }
0x2: {  	[smem:$0x3F9F] =	sst lr;
	_ =	strace $0xD0000000  }
0x3: {  	_ = 	snop  }
0x4: {  	_ = 	snop  }
0x5: {  	_ = 	snop  }
0x6: {  	_ = 	snop  }
0x7: {  	_ = 	snop  }
__scs_overlays_trampoline_lowered:
0x8: {  	[smem:$0x3FAE] =	sst s0  }
0x9: {  	[smem:$0x3FAF] =	sst s1  }
0xa: {  	[smem:$0x3FB0] =	sst s2  }
0xb: {  	[smem:$0x3FB1] =	sst s3  }
0xc: {  	[smem:$0x3FB2] =	sst s4  }
0xd: {  	[smem:$0x3FB3] =	sst s5  }
0xe: {  	[smem:$0x3FB4] =	sst s6  }
0xf: {  	[smem:$0x3FB5] =	sst s7  }
0x10: {  	[smem:$0x3FB6] =	sst s8  }
0x11: {  	[smem:$0x3FB7] =	sst s9;
	s0 =	simm.s32 @!p0 $0x0  }
0x12: {  	s1 =	sld [smem:$0x3F9D];
	s0 =	simm.s32 @p0 $0x1  }
0x13: {  	[smem:$0x3FB8] =	sst s0;
	s0 =	simm.s32 @!p1 $0x0  }
0x14: {  	s2 =	sld [smem:$0x3F9C];
	s0 =	simm.s32 @p1 $0x1  }
0x15: {  	[smem:$0x3FB9] =	sst s0;
	s0 =	simm.s32 @!p2 $0x0  }
0x16: {  	s3 =	sld [smem:$0x3FDB];
	s0 =	simm.s32 @p2 $0x1  }
0x17: {  	s4 =	simm.s32 $0x1BF5;
	[smem:$0x3FBB] =	sst s0  }
0x18: {  	s0 =	sld [smem:$0x3F9E];
	_ =	swait.ge [sflag:s4], $0x0  }
0x19: {  	s7 =	sld [smem:$0x3F9F]  }
0x1a: {  	s8 =	sadd.s32 $0xFFFFE003, lr  }
0x1b: {  	s9 =	sadd.s32 $0xFFFFFEF7, lr;
	s5 =	simm.s32 $0xFFFFFFFF;
	p2 =	slt.u32 s8, $0xFFFFF086  }
0x1c: {  	p1 =	slt.u32 s9, $0xF7A;
	s5 =	simm.s32 @!p2 $0x0  }
0x1d: {  	s5 =	simm.s32 @p1 $0x1;
	p0 =	seq.s32 s7, s2  }
0x1e: {  	s7 =	smul.u32 @!p0 $0xF7A, s2;
	p2 =	seq.s32 @!p0 s5, $0x0  }
0x1f: {  	s9 =	smul.u32 $0xF7A, s1;
	s8 =	simm.s32 @!p0 $0x1BF5;
	p2 =	por !p2, p0  }
0x20: {  	[sflag:s8] =	ssyncset.s32 @!p0 $0xFFFFF086;
	s6 =	sadd.s32 @!p0 s3, s7;
	s7 =	simm.s32 @!p0 $0x108  }
0x21: {  	s3 =	sadd.s32 s3, s9;
	s6 =	sadd.s32 @!p0 $0x88, s6;
	s7 =	simm.s32 @p2 $0x1082  }
0x22: {  	[simem:s7], [sflag:s8] =	dma.local @!p0 [hbm:s6], $0xF7A  }
0x23: {  	s9 =	sor.u32 $0xD0000000, s2;
	s6 =	simm.s32 $0x108;
	_ =	swait.ge @!p0 [sflag:s8], $0x0  }
0x24: {  	s3 =	sadd.s32 $0x88, s3;
	s6 =	simm.s32 @!p1 $0x1082;
	[sflag:s4] =	ssyncset.s32 $0xFFFFF086  }
0x25: {  	[simem:s6], [sflag:s4] =	dma.local [hbm:s3], $0xF7A  }
0x26: {  	[smem:$0x3F9F] =	sst s1;
	(tag) =	ssettag s2;
	_ =	strace s9  }
0x27: {  	s1 =	sld [smem:$0x3FAF]  }
0x28: {  	s2 =	sld [smem:$0x3FB0]  }
0x29: {  	s4 =	sld [smem:$0x3FB2]  }
0x2a: {  	p0 =	seq.s32 s5, $0x0;
	s5 =	sld [smem:$0x3FB3]  }
0x2b: {  	s6 =	sld [smem:$0x3FB4]  }
0x2c: {  	s7 =	sld [smem:$0x3FB5]  }
0x2d: {  	s3 =	simm.s32 $0x108;
	s8 =	sld [smem:$0x3FB6]  }
0x2e: {  	s3 =	simm.s32 @!p0 $0x1082;
	s9 =	sld [smem:$0x3FB7]  }
0x2f: {  	lr =	sadd.s32 s0, s3;
	s0 =	sld [smem:$0x3FAE]  }
0x30: {  	s3 =	sld [smem:$0x3FB1]  }
0x31: {  	[smem:$0x3FBA] =	sst s10  }
0x32: {  	s10 =	sld [smem:$0x3FB8];
	_ =	sdelay $0x3  }
0x33: {  	p0 =	seq.s32 s10, $0x1;
	s10 =	sld [smem:$0x3FBA];
	_ =	sdelay $0x3  }
0x34: {  	[smem:$0x3FBA] =	sst s10  }
0x35: {  	s10 =	sld [smem:$0x3FB9];
	_ =	sdelay $0x3  }
0x36: {  	p1 =	seq.s32 s10, $0x1;
	s10 =	sld [smem:$0x3FBA];
	_ =	sdelay $0x3  }
0x37: {  	[smem:$0x3FBA] =	sst s10  }
0x38: {  	s10 =	sld [smem:$0x3FBB]  }
0x39: {  	_ = 	snop;
	(pc) =	sbr.ind lr, $3  }
0x3a: {  	_ = 	snop  }
0x3b: {  	_ = 	snop  }
0x3c: {  	p2 =	seq.s32 s10, $0x1;
	s10 =	sld [smem:$0x3FBA]  }
0x3d: {  	_ =	shalt  }
0x3e: {  	_ =	shalt  }
0x3f: {  	_ =	shalt  }
0x40: {  	_ =	shalt  }
0x41: {  	_ =	shalt  }
0x42: {  	_ =	shalt  }
0x43: {  	_ =	shalt  }
0x44: {  	_ =	shalt  }
0x45: {  	_ =	shalt  }
0x46: {  	_ =	shalt  }
0x47: {  	_ =	shalt  }
0x48: {  	_ =	shalt  }
0x49: {  	_ =	shalt  }
0x4a: {  	_ =	shalt  }
0x4b: {  	_ =	shalt  }
0x4c: {  	_ =	shalt  }
0x4d: {  	_ =	shalt  }
0x4e: {  	_ =	shalt  }
0x4f: {  	_ =	shalt  }
0x50: {  	_ =	shalt  }
0x51: {  	_ =	shalt  }
0x52: {  	_ =	shalt  }
0x53: {  	_ =	shalt  }
0x54: {  	_ =	shalt  }
0x55: {  	_ =	shalt  }
0x56: {  	_ =	shalt  }
0x57: {  	_ =	shalt  }
0x58: {  	_ =	shalt  }
0x59: {  	_ =	shalt  }
0x5a: {  	_ =	shalt  }
0x5b: {  	_ =	shalt  }
0x5c: {  	_ =	shalt  }
0x5d: {  	_ =	shalt  }
0x5e: {  	_ =	shalt  }
0x5f: {  	_ =	shalt  }
0x60: {  	_ =	shalt  }
0x61: {  	_ =	shalt  }
0x62: {  	_ =	shalt  }
0x63: {  	_ =	shalt  }
0x64: {  	_ =	shalt  }
0x65: {  	_ =	shalt  }
0x66: {  	_ =	shalt  }
0x67: {  	_ =	shalt  }
0x68: {  	_ =	shalt  }
0x69: {  	_ =	shalt  }
0x6a: {  	_ =	shalt  }
0x6b: {  	_ =	shalt  }
0x6c: {  	_ =	shalt  }
0x6d: {  	_ =	shalt  }
0x6e: {  	_ =	shalt  }
0x6f: {  	_ =	shalt  }
0x70: {  	_ =	shalt  }
0x71: {  	_ =	shalt  }
0x72: {  	_ =	shalt  }
0x73: {  	_ =	shalt  }
0x74: {  	_ =	shalt  }
0x75: {  	_ =	shalt  }
0x76: {  	_ =	shalt  }
0x77: {  	_ =	shalt  }
0x78: {  	_ =	shalt  }
0x79: {  	_ =	shalt  }
0x7a: {  	_ =	shalt  }
0x7b: {  	_ =	shalt  }
0x7c: {  	_ =	shalt  }
0x7d: {  	_ =	shalt  }
0x7e: {  	_ =	shalt  }
0x7f: {  	_ =	shalt  }
0x80: {  	_ =	shalt  }
0x81: {  	_ =	shalt  }
0x82: {  	_ =	shalt  }
0x83: {  	_ =	shalt  }
0x84: {  	_ =	shalt  }
0x85: {  	_ =	shalt  }
0x86: {  	_ =	shalt  }
0x87: {  	_ =	shalt  }
.Lfunc_end0:
.L_simem_size_0:
called_computation_lowered:
.L_overlay_start_0:
0x88: {  	s2 =	sld [smem:$0x3FD9]  }
0x89: {  	s3 =	sld [smem:$0x3FFE];
	_ =	sdelay $0x1  }
0x8a: {  	s1 =	srdreg.scid  }
0x8b: {  	s0 =	sand.u32 $0x1, s1  }
0x8c: {  	s17 =	sshll.u32 s0, $0xA;
	s2 =	sadd.s32 s3, s2  }
0x8d: {  	s2 =	sadd.s32 s2, s17  }
0x8e: {  	[smem:$0x3FC6] =	sst s2  }
0x8f: {  	_ = 	snop  }
0x90: {  	s2 =	sld [smem:$0x3FC8];
	(tm) =	ssettm $0x1  }
0x91: {  	s18 =	sld [smem:$0x3FFB];
	_ =	sdelay $0x3  }
0x92: {  	_ =	strace s18  }
0x93: {  	s3 =	sld [smem:$0x3FFC];
	_ =	sdelay $0x3  }
0x94: {  	_ =	strace s3  }
0x95: {  	s3 =	sld [smem:$0x3FFD];
	_ =	sdelay $0x3  }
0x96: {  	_ =	strace s3  }
0x97: {  	_ =	strace $0x8FFFFFFF  }
0x98: {  	s19 =	sld [smem:$0x3FDB];
	_ =	sdelay $0x1  }
0x99: {  	s4 =	simm.s32 $_scs_section_size  }
0x9a: {  	s5 =	simm.s32 $_size__tile_overlayer_lowered;
	s6 =	simm.s32 $_tile_overlayer_lowered  }
0x9b: {  	s22 =	simm.s32 $0x1BFF;
	s21 =	sshll.u32 s6, $0x1;
	s3 =	sadd.s32 s4, s19  }
0x9c: {  	s7 =	simm.s32 $0x0;
	s20 =	sshll.u32 s5, $0x1;
	s5 =	sadd.s32 s21, s3  }
0x9d: {  	[timem:s7], [sflag:s22] =	dma.local [hbm:s5], s20  }
0x9e: {  	_ =	swait.ge [sflag:s22], s20  }
0x9f: {  	s4 =	ssub.s32 $0x0, s20;
	[sflag:s22] =	ssyncset.done $0x0  }
0xa0: {  	[sflag:s22] =	ssyncadd.s32 s4;
	_ =	sdelay $0x1  }
0xa1: {  	s23 =	simm.s32 $0x1B8B  }
0xa2: {  	_ =	swait.ge [sflag:s23], $0x1  }
0xa3: {  	[sflag:s23] =	ssyncset.done $0x0  }
0xa4: {  	s25 =	simm.s32 $0x1B8E;
	s24 =	sld [smem:$0x3FFE];
	[sflag:s23] =	ssyncadd.s32 $0xFFFFFFFF  }
0xa5: {  	s26 =	simm.s32 $execute0_lowered;
	[smem:$0x3FD2] =	sst s25  }
0xa6: {  	s5 =	sshll.u32 s26, $0x1;
	_ =	strace $0x80000046;
	[dreg:$0x1] =	wrdreg $0xFFFFFFFF  }
0xa7: {  	s28 =	simm.s32 $_size_execute0_lowered;
	s3 =	sadd.s32 s3, s5;
	[dreg:$0x0] =	wrdreg $0x0  }
0xa8: {  	s5 =	sshll.u32 s28, $0x1;
	[dreg:$0x2] =	wrdreg s3  }
0xa9: {  	[dreg:$0x3] =	wrdreg s5  }
0xaa: {  	[dreg:$0x4] =	wrdreg $0xC0  }
0xab: {  	_ =	task [dreg:s7], $0x5FFFF  }
0xac: {  	[dreg:$0x1] =	wrdreg $0xFFFFFFFF  }
0xad: {  	[dreg:$0x0] =	wrdreg $0x60  }
0xae: {  	[dreg:$0x2] =	wrdreg s24  }
0xaf: {  	[dreg:$0x3] =	wrdreg s2  }
0xb0: {  	[dreg:$0x4] =	wrdreg $0x65800  }
0xb1: {  	[dreg:$0x5] =	wrdreg $0x9  }
0xb2: {  	_ =	task.clear_ibuf [dreg:s7], $0x6FFFF;
	_ =	strace $0x90000046  }
0xb3: {  	s29 =	simm.s32 $0x9;
	_ =	strace $0x80000048  }
0xb4: {  	_ =	swait.ge [sflag:s29], $0x1  }
0xb5: {  	[sflag:s29] =	ssyncadd.s32 $0xFFFFFFFF  }
0xb6: {  	_ =	strace $0x90000048  }
0xb7: {  	_ =	sfence  }
0xb8: {  	s30 =	sld [smem:$0x0];
	_ =	sdelay $0x2  }
0xb9: {  	s31 =	sshll.u32 s1, $0xD;
	s1 =	sshrl.u32 s1, $0x2  }
0xba: {  	s3 =	sand.u32 $0x4000, s31;
	s1 =	sadd.s32 s1, s30  }
0xbb: {  	s0 =	sor.u32 s3, s0;
	s1 =	sshll.u32 s1, $0x11  }
0xbc: {  	s0 =	sor.u32 s1, s0  }
0xbd: {  	s0 =	sadd.s32 $0x8F2B, s0  }
0xbe: {  	[sflag:s0] =	ssyncadd.remote.s32 $0x1  }
0xbf: {  	_ =	sfence.sel $0xFFFF  }
0xc0: {  	[dreg:$0x0] =	wrdreg $0xFFFFFFFF;
	(pc) =	sbr.abs _section_cstart, $3  }
0xc1: {  	[dreg:$0x1] =	wrdreg $0xFFFFFFFF  }
0xc2: {  	_ =	task.clear_ibuf [dreg:s7], $0x2FFFF;
	_ =	strace $0x9FFFFFFF  }
0xc3: {  	(tm) =	ssettm $0x7FFFFFFF  }
tec
execute0_lowered:
.L_overlay_start_1:
0x0: {  	(tag) =	ssettag $0x1  }
0x1: {  	v0 =	vlaneseq.u32  }
0x2: {  	v18 =	vmul.u32 $0x4, v0;
	_ =	sdelay $0x1  }
0x3: {  	v22 =	vor.u32 $0x1, v18  }
0x4: {  	[tilespmem:$0x1FE10] =	vst v22;
	v22 =	vor.u32 $0x2, v18  }
0x5: {  	[tilespmem:$0x1FE20] =	vst v22;
	v22 =	vor.u32 $0x3, v18  }
0x6: {  	[tilespmem:$0x1FE30] =	vst v22;
	v22 =	vor.u32 $0x40, v18  }
0x7: {  	[tilespmem:$0x1FE40] =	vst v22;
	v22 =	vor.u32 $0x41, v18  }
0x8: {  	[tilespmem:$0x1FE50] =	vst v22;
	v22 =	vor.u32 $0x42, v18  }
0x9: {  	vm0 =	vcmask $0x704;
	[tilespmem:$0x1FE60] =	vst v22;
	v22 =	vor.u32 $0x43, v18  }
0xa: {  	v2 =	vor.u32 $0x10, v0;
	v3 =	vor.u32 $0x20, v0;
	[tilespmem:$0x1FE70] =	vst v22;
	v22 =	vor.u32 $0x80, v18  }
0xb: {  	v4 =	vor.u32 $0x30, v0;
	v5 =	vor.u32 $0x40, v0;
	[tilespmem:$0x1FE80] =	vst v22;
	v22 =	vor.u32 $0x81, v18  }
0xc: {  	v6 =	vor.u32 $0x50, v0;
	v7 =	vor.u32 $0x60, v0;
	[tilespmem:$0x1FE90] =	vst v22;
	v22 =	vor.u32 $0x82, v18  }
0xd: {  	v8 =	vor.u32 $0x70, v0;
	v9 =	vor.u32 $0x80, v0;
	[tilespmem:$0x1FEA0] =	vst v22;
	v22 =	vor.u32 $0x83, v18  }
0xe: {  	v10 =	vor.u32 $0x90, v0;
	v11 =	vor.u32 $0xA0, v0;
	[tilespmem:$0x1FEB0] =	vst v22;
	v22 =	vor.u32 $0xC0, v18  }
0xf: {  	v12 =	vor.u32 $0xB0, v0;
	v13 =	vor.u32 $0xC0, v0;
	[tilespmem:$0x1FEC0] =	vst v22;
	v22 =	vor.u32 $0xC1, v18  }
0x10: {  	v14 =	vor.u32 $0xD0, v0;
	v15 =	vor.u32 $0xE0, v0;
	[tilespmem:$0x1FED0] =	vst v22;
	v22 =	vor.u32 $0xC2, v18  }
0x11: {  	v16 =	vor.u32 $0xF0, v0;
	v17 =	vor.u32 $0x100, v0;
	[tilespmem:$0x1FEE0] =	vst v22;
	v22 =	vor.u32 $0xC3, v18  }
0x12: {  	v19 =	vor.u32 $0x110, v0;
	v20 =	vor.u32 $0x120, v0;
	[tilespmem:$0x1FEF0] =	vst v22;
	v22 =	vor.u32 $0x100, v18  }
0x13: {  	v21 =	vor.u32 $0x130, v0;
	v53 =	vor.u32 $0x200, v18;
	[tilespmem:$0x1FF00] =	vst v22;
	v22 =	vor.u32 $0x101, v18  }
0x14: {  	s0 =	stileid.u32;
	v54 =	vor.u32 $0x201, v18;
	v55 =	vor.u32 $0x202, v18;
	[tilespmem:$0x1FF10] =	vst v22;
	v22 =	vor.u32 $0x102, v18  }
0x15: {  	s1 =	smul.u32 $0x140, s0;
	v56 =	vor.u32 $0x203, v18;
	v57 =	vor.u32 $0x240, v18;
	[tilespmem:$0x1FF20] =	vst v22;
	v22 =	vor.u32 $0x103, v18  }
0x16: {  	v58 =	vor.u32 $0x241, v18;
	v59 =	vor.u32 $0x242, v18;
	[tilespmem:$0x1FF30] =	vst v22;
	v22 =	vor.u32 $0x140, v18  }
0x17: {  	s5 =	rddreg [dreg:$0x0];
	s7 =	smin.u32 s1, $0x1248;
	v60 =	vor.u32 $0x243, v18;
	v61 =	vor.u32 $0x280, v18;
	[tilespmem:$0x1FF40] =	vst v22;
	v22 =	vor.u32 $0x141, v18  }
0x18: {  	s8 =	rddreg [dreg:$0x1];
	v1 =	vadd.s32 s7, v0;
	v2 =	vadd.s32 s7, v2;
	[tilespmem:$0x1FF50] =	vst v22;
	v22 =	vor.u32 $0x142, v18  }
0x19: {  	s2 =	rddreg [dreg:$0x2];
	s3 =	simm.s32 $0x0;
	v3 =	vadd.s32 s7, v3;
	v4 =	vadd.s32 s7, v4;
	[tilespmem:$0x1FF60] =	vst v22;
	v22 =	vor.u32 $0x143, v18  }
0x1a: {  	s4 =	srdreg.scid;
	s12 =	simm.s32 $0x1;
	[smem:$0x7FF] =	sst s3;
	v5 =	vadd.s32 s7, v5;
	v6 =	vadd.s32 s7, v6;
	[tilespmem:$0x1FF70] =	vst v22;
	v22 =	vor.u32 $0x180, v18  }
0x1b: {  	s14 =	simm.s32 $0x5C80;
	s1 =	rddreg [dreg:$0x3];
	v7 =	vadd.s32 s7, v7;
	v8 =	vadd.s32 s7, v8;
	_ =	strace $0x80000047;
	[tilespmem:$0x1FF80] =	vst v22;
	v22 =	vor.u32 $0x181, v18  }
0x1c: {  	s15 =	simm.s32 $0x5D00;
	s16 =	simm.s32 $0x0;
	s6 =	sand.u32 $0x1, s4;
	v9 =	vadd.s32 s7, v9;
	v10 =	vadd.s32 s7, v10;
	[tilespmem:$0x1FF90] =	vst v22;
	v22 =	vor.u32 $0x182, v18  }
0x1d: {  	s4 =	sadd.s32 $0x400, s5;
	s5 =	sadd.s32 $0xE00, s5;
	s13 =	sshll.u32 s0, $0x6;
	v11 =	vadd.s32 s7, v11;
	v12 =	vadd.s32 s7, v12;
	[tilespmem:$0x1FFA0] =	vst v22;
	v22 =	vor.u32 $0x183, v18  }
.Ltmp0:
0x1e: {  	s9 =	ssub.s32 $0x2, s6;
	s11 =	sor.u32 s0, s6;
	v13 =	vadd.s32 s7, v13;
	v14 =	vadd.s32 s7, v14;
	[tilespmem:$0x1FFB0] =	vst v22;
	v22 =	vor.u32 $0x1C0, v18;
	(pc) =	sbr.rel .LBB2_1-.Ltmp0, $4  }
0x1f: {  	s13 =	sshrl.u32 s13, $0x2;
	s10 =	sshrl.u32 s9, $0x1;
	p0 =	sne.s32 s11, $0x0;
	v15 =	vadd.s32 s7, v15;
	v16 =	vadd.s32 s7, v16;
	[tilespmem:$0x1FFC0] =	vst v22;
	v22 =	vor.u32 $0x1C1, v18  }
0x20: {  	s11 =	simm.s32 $0x5980;
	v17 =	vadd.s32 s7, v17;
	v19 =	vadd.s32 s7, v19;
	s9 =	ssub.s32 s9, s10;
	s31 =	sshrl.u32 s7, $0x1;
	[tilespmem:$0x1FFD0] =	vst v22;
	v22 =	vor.u32 $0x1C2, v18  }
0x21: {  	v20 =	vadd.s32 s7, v20;
	v21 =	vadd.s32 s7, v21;
	s7 =	sshrl.u32 s7, $0x3;
	s10 =	simm.s32 $0x2;
	s6 =	sadd.s32 s4, s31;
	[tilespmem:$0x1FFE0] =	vst v22;
	v22 =	vor.u32 $0x1C3, v18  }
0x22: {  	v62 =	vor.u32 $0x281, v18;
	v63 =	vor.u32 $0x282, v18;
	s7 =	sadd.s32 s8, s7;
	s8 =	smax.u32 s9, $0x1;
	s9 =	simm.s32 $0x4E80;
	[tilespmem:$0x1FFF0] =	vst v22;
	v22 =	vimm.f32 $0.0e+00  }
.LBB2_7:
0x23: {  	s17 =	simm.s32 @!p0 $0x0;
	s18 =	simm.s32 @!p0 $0x5F00;
	s16 =	sadd.s32 $0x1, s16  }
0x24: {  	[hbm4b:s5+s17] =	stream.linear.scatter @!p0 [tilespmem:s18], [sflag:$0x2], $0x680, $0x38;
	[tilespmem:$0x65A0] =	vst v63  }
0x25: {  	p1 =	sne.s32 s16, s8  }
.Ltmp1:
0x26: {  	_ = 	snop;
	(pc) =	sbr.rel @!p1 .LBB2_8-.Ltmp1, $4  }
0x27: {  	s17 =	simm.s32 @!p0 $0x2  }
0x28: {  	_ =	swait.ge @!p0 [sflag:s17], $0x680  }
0x29: {  	[sflag:s17] =	ssyncset.done @!p0 $0x0  }
0x2a: {  	[sflag:s17] =	ssyncadd.s32 @!p0 $0xFFFFF980  }
.LBB2_1:
0x2b: {  	[tilespmem:s3], [sflag:$0x1] =	stream.linear.gather [hbm4b:s4+s3], $0x4E80, $0x38;
	[tilespmem:$0x65A0] =	vst v63  }
0x2c: {  	_ = 	snop  }
0x2d: {  	[tilespmem:s9], [sflag:$0x2] =	stream.linear.gather [hbm4b:s6+s3], $0x500, $0x38;
	[tilespmem:$0x65A0] =	vst v63  }
0x2e: {  	_ =	swait.ge [sflag:s10], $0x500  }
0x2f: {  	[sflag:s10] =	ssyncset.done $0x0  }
0x30: {  	[sflag:s10] =	ssyncadd.s32 $0xFFFFFB00  }
0x31: {  	[tilespmem:s11], [sflag:$0x2] =	stream.linear.gather [hbm4b:s7+s3], $0x140, $0x38;
	[tilespmem:$0x65A0] =	vst v63  }
0x32: {  	_ =	swait.ge [sflag:s10], $0x140  }
0x33: {  	v24 =	vld [tilespmem:$0x1FE10]  }
0x34: {  	v25 =	vld [tilespmem:$0x1FE20]  }
0x35: {  	v26 =	vld [tilespmem:$0x1FE30];
	_ =	sdelay $0x2  }
0x36: {  	[sflag:s10] =	ssyncset.done $0x0  }
0x37: {  	[sflag:s10] =	ssyncadd.s32 $0xFFFFFEC0  }
0x38: {  	v23 =	vld.idx.msk [tilespmem:v18+s9+$0x0], $0xffff  }
0x39: {  	v24 =	vld.idx.msk [tilespmem:v24+s9+$0x0], $0xffff  }
0x3a: {  	v25 =	vld.idx.msk [tilespmem:v25+s9+$0x0], $0xffff  }
0x3b: {  	v26 =	vld.idx.msk [tilespmem:v26+s9+$0x0], $0xffff;
	_ =	sdelay $0x4  }
0x3c: {  	v27 =	vsub.f32 v25, v23;
	v28 =	vsub.f32 v26, v24;
	_ =	sdelay $0x1  }
0x3d: {  	v42 =	vld [tilespmem:$0x1FE50];
	[tilespmem:$0x5380] =	vst v23;
	v23 =	vmax.f32 v27, $0.0e+00;
	v41 =	vmax.f32 v28, $0.0e+00  }
0x3e: {  	v43 =	vld [tilespmem:$0x1FE60];
	v23 =	vmul.f32 v41, v23  }
0x3f: {  	v44 =	vld [tilespmem:$0x1FE70]  }
0x40: {  	[tilespmem:$0x5B00] =	vst v23;
	v23 =	vld [tilespmem:$0x1FE40];
	_ =	sdelay $0x1  }
0x41: {  	[tilespmem:$0x5500] =	vst v24  }
0x42: {  	[tilespmem:$0x5680] =	vst v25  }
0x43: {  	[tilespmem:$0x5800] =	vst v26  }
0x44: {  	v24 =	vld.idx.msk [tilespmem:v42+s9+$0x0], $0xffff  }
0x45: {  	v25 =	vld.idx.msk [tilespmem:v43+s9+$0x0], $0xffff  }
0x46: {  	v26 =	vld.idx.msk [tilespmem:v44+s9+$0x0], $0xffff  }
0x47: {  	v23 =	vld.idx.msk [tilespmem:v23+s9+$0x0], $0xffff;
	_ =	sdelay $0x4  }
0x48: {  	v46 =	vsub.f32 v26, v24;
	v45 =	vsub.f32 v25, v23;
	_ =	sdelay $0x1  }
0x49: {  	v48 =	vld [tilespmem:$0x1FE90];
	v47 =	vmax.f32 v46, $0.0e+00;
	[tilespmem:$0x5390] =	vst v23;
	v23 =	vmax.f32 v45, $0.0e+00  }
0x4a: {  	v49 =	vld [tilespmem:$0x1FEA0];
	v23 =	vmul.f32 v47, v23  }
0x4b: {  	v50 =	vld [tilespmem:$0x1FEB0]  }
0x4c: {  	[tilespmem:$0x5B10] =	vst v23;
	v23 =	vld [tilespmem:$0x1FE80];
	_ =	sdelay $0x1  }
0x4d: {  	[tilespmem:$0x5510] =	vst v24  }
0x4e: {  	[tilespmem:$0x5690] =	vst v25  }
0x4f: {  	[tilespmem:$0x5810] =	vst v26  }
0x50: {  	v24 =	vld.idx.msk [tilespmem:v48+s9+$0x0], $0xffff  }
0x51: {  	v25 =	vld.idx.msk [tilespmem:v49+s9+$0x0], $0xffff  }
0x52: {  	v26 =	vld.idx.msk [tilespmem:v50+s9+$0x0], $0xffff  }
0x53: {  	v23 =	vld.idx.msk [tilespmem:v23+s9+$0x0], $0xffff;
	_ =	sdelay $0x4  }
0x54: {  	v52 =	vsub.f32 v26, v24;
	v51 =	vsub.f32 v25, v23;
	_ =	sdelay $0x1  }
0x55: {  	v30 =	vld [tilespmem:$0x1FED0];
	v29 =	vmax.f32 v52, $0.0e+00;
	[tilespmem:$0x53A0] =	vst v23;
	v23 =	vmax.f32 v51, $0.0e+00  }
0x56: {  	v31 =	vld [tilespmem:$0x1FEE0];
	v23 =	vmul.f32 v29, v23  }
0x57: {  	v32 =	vld [tilespmem:$0x1FEF0]  }
0x58: {  	[tilespmem:$0x5B20] =	vst v23;
	v23 =	vld [tilespmem:$0x1FEC0];
	_ =	sdelay $0x1  }
0x59: {  	[tilespmem:$0x5520] =	vst v24  }
0x5a: {  	[tilespmem:$0x56A0] =	vst v25  }
0x5b: {  	[tilespmem:$0x5820] =	vst v26  }
0x5c: {  	v24 =	vld.idx.msk [tilespmem:v30+s9+$0x0], $0xffff  }
0x5d: {  	v25 =	vld.idx.msk [tilespmem:v31+s9+$0x0], $0xffff  }
0x5e: {  	v26 =	vld.idx.msk [tilespmem:v32+s9+$0x0], $0xffff  }
0x5f: {  	v23 =	vld.idx.msk [tilespmem:v23+s9+$0x0], $0xffff;
	_ =	sdelay $0x4  }
0x60: {  	v34 =	vsub.f32 v26, v24;
	v33 =	vsub.f32 v25, v23;
	_ =	sdelay $0x1  }
0x61: {  	v36 =	vld [tilespmem:$0x1FF10];
	v35 =	vmax.f32 v34, $0.0e+00;
	[tilespmem:$0x53B0] =	vst v23;
	v23 =	vmax.f32 v33, $0.0e+00  }
0x62: {  	v37 =	vld [tilespmem:$0x1FF20];
	v23 =	vmul.f32 v35, v23  }
0x63: {  	v38 =	vld [tilespmem:$0x1FF30]  }
0x64: {  	[tilespmem:$0x5B30] =	vst v23;
	v23 =	vld [tilespmem:$0x1FF00];
	_ =	sdelay $0x1  }
0x65: {  	[tilespmem:$0x5530] =	vst v24  }
0x66: {  	[tilespmem:$0x56B0] =	vst v25  }
0x67: {  	[tilespmem:$0x5830] =	vst v26  }
0x68: {  	v24 =	vld.idx.msk [tilespmem:v36+s9+$0x0], $0xffff  }
0x69: {  	v25 =	vld.idx.msk [tilespmem:v37+s9+$0x0], $0xffff  }
0x6a: {  	v26 =	vld.idx.msk [tilespmem:v38+s9+$0x0], $0xffff  }
0x6b: {  	v23 =	vld.idx.msk [tilespmem:v23+s9+$0x0], $0xffff;
	_ =	sdelay $0x4  }
0x6c: {  	v40 =	vsub.f32 v26, v24;
	v39 =	vsub.f32 v25, v23;
	_ =	sdelay $0x1  }
0x6d: {  	v42 =	vld [tilespmem:$0x1FF50];
	v41 =	vmax.f32 v40, $0.0e+00;
	[tilespmem:$0x53C0] =	vst v23;
	v23 =	vmax.f32 v39, $0.0e+00  }
0x6e: {  	v43 =	vld [tilespmem:$0x1FF60];
	v23 =	vmul.f32 v41, v23  }
0x6f: {  	v44 =	vld [tilespmem:$0x1FF70]  }
0x70: {  	[tilespmem:$0x5B40] =	vst v23;
	v23 =	vld [tilespmem:$0x1FF40];
	_ =	sdelay $0x1  }
0x71: {  	[tilespmem:$0x5540] =	vst v24  }
0x72: {  	[tilespmem:$0x56C0] =	vst v25  }
0x73: {  	[tilespmem:$0x5840] =	vst v26  }
0x74: {  	v24 =	vld.idx.msk [tilespmem:v42+s9+$0x0], $0xffff  }
0x75: {  	v25 =	vld.idx.msk [tilespmem:v43+s9+$0x0], $0xffff  }
0x76: {  	v26 =	vld.idx.msk [tilespmem:v44+s9+$0x0], $0xffff  }
0x77: {  	v23 =	vld.idx.msk [tilespmem:v23+s9+$0x0], $0xffff;
	_ =	sdelay $0x4  }
0x78: {  	v46 =	vsub.f32 v26, v24;
	v45 =	vsub.f32 v25, v23;
	_ =	sdelay $0x1  }
0x79: {  	v48 =	vld [tilespmem:$0x1FF90];
	v47 =	vmax.f32 v46, $0.0e+00;
	[tilespmem:$0x53D0] =	vst v23;
	v23 =	vmax.f32 v45, $0.0e+00  }
0x7a: {  	v49 =	vld [tilespmem:$0x1FFA0];
	v23 =	vmul.f32 v47, v23  }
0x7b: {  	v50 =	vld [tilespmem:$0x1FFB0]  }
0x7c: {  	[tilespmem:$0x5B50] =	vst v23;
	v23 =	vld [tilespmem:$0x1FF80];
	_ =	sdelay $0x1  }
0x7d: {  	[tilespmem:$0x5550] =	vst v24  }
0x7e: {  	[tilespmem:$0x56D0] =	vst v25  }
0x7f: {  	[tilespmem:$0x5850] =	vst v26  }
0x80: {  	v24 =	vld.idx.msk [tilespmem:v48+s9+$0x0], $0xffff  }
0x81: {  	v25 =	vld.idx.msk [tilespmem:v49+s9+$0x0], $0xffff  }
0x82: {  	v26 =	vld.idx.msk [tilespmem:v50+s9+$0x0], $0xffff  }
0x83: {  	v23 =	vld.idx.msk [tilespmem:v23+s9+$0x0], $0xffff;
	_ =	sdelay $0x4  }
0x84: {  	v52 =	vsub.f32 v26, v24;
	v51 =	vsub.f32 v25, v23;
	_ =	sdelay $0x1  }
0x85: {  	v33 =	vld [tilespmem:$0x1FFD0];
	v32 =	vmax.f32 v52, $0.0e+00;
	[tilespmem:$0x53E0] =	vst v23;
	v23 =	vmax.f32 v51, $0.0e+00  }
0x86: {  	v34 =	vld [tilespmem:$0x1FFE0];
	v23 =	vmul.f32 v32, v23  }
0x87: {  	v35 =	vld [tilespmem:$0x1FFF0]  }
0x88: {  	[tilespmem:$0x5B60] =	vst v23;
	v23 =	vld [tilespmem:$0x1FFC0];
	_ =	sdelay $0x1  }
0x89: {  	[tilespmem:$0x5560] =	vst v24  }
0x8a: {  	[tilespmem:$0x56E0] =	vst v25  }
0x8b: {  	[tilespmem:$0x5860] =	vst v26  }
0x8c: {  	v24 =	vld.idx.msk [tilespmem:v33+s9+$0x0], $0xffff  }
0x8d: {  	v25 =	vld.idx.msk [tilespmem:v34+s9+$0x0], $0xffff  }
0x8e: {  	v26 =	vld.idx.msk [tilespmem:v35+s9+$0x0], $0xffff  }
0x8f: {  	v23 =	vld.idx.msk [tilespmem:v23+s9+$0x0], $0xffff;
	_ =	sdelay $0x4  }
0x90: {  	v37 =	vsub.f32 v26, v24;
	v36 =	vsub.f32 v25, v23  }
0x91: {  	[tilespmem:$0x5570] =	vst v24  }
0x92: {  	v38 =	vmax.f32 v37, $0.0e+00;
	[tilespmem:$0x53F0] =	vst v23;
	v23 =	vmax.f32 v36, $0.0e+00  }
0x93: {  	[tilespmem:$0x56F0] =	vst v25;
	v23 =	vmul.f32 v38, v23  }
0x94: {  	[tilespmem:$0x5870] =	vst v26  }
0x95: {  	[tilespmem:$0x5B70] =	vst v23  }
0x96: {  	v23 =	vld.idx.msk [tilespmem:v53+s9+$0x0], $0xffff  }
0x97: {  	v39 =	vld.idx.msk [tilespmem:v54+s9+$0x0], $0xffff  }
0x98: {  	v25 =	vld.idx.msk [tilespmem:v55+s9+$0x0], $0xffff  }
0x99: {  	v26 =	vld.idx.msk [tilespmem:v56+s9+$0x0], $0xffff;
	_ =	sdelay $0x4  }
0x9a: {  	v40 =	vsub.f32 v25, v23;
	v41 =	vsub.f32 v26, v39  }
0x9b: {  	[tilespmem:$0x5400] =	vst v23  }
0x9c: {  	[tilespmem:$0x5580] =	vst v39;
	v23 =	vmax.f32 v40, $0.0e+00;
	v42 =	vmax.f32 v41, $0.0e+00  }
0x9d: {  	[tilespmem:$0x5700] =	vst v25;
	v23 =	vmul.f32 v42, v23  }
0x9e: {  	[tilespmem:$0x5880] =	vst v26  }
0x9f: {  	[tilespmem:$0x5B80] =	vst v23  }
0xa0: {  	v23 =	vld.idx.msk [tilespmem:v57+s9+$0x0], $0xffff  }
0xa1: {  	v43 =	vld.idx.msk [tilespmem:v58+s9+$0x0], $0xffff  }
0xa2: {  	v25 =	vld.idx.msk [tilespmem:v59+s9+$0x0], $0xffff  }
0xa3: {  	v26 =	vld.idx.msk [tilespmem:v60+s9+$0x0], $0xffff;
	_ =	sdelay $0x4  }
0xa4: {  	v44 =	vsub.f32 v25, v23;
	v45 =	vsub.f32 v26, v43  }
0xa5: {  	[tilespmem:$0x5410] =	vst v23  }
0xa6: {  	[tilespmem:$0x5590] =	vst v43;
	v23 =	vmax.f32 v44, $0.0e+00;
	v46 =	vmax.f32 v45, $0.0e+00  }
0xa7: {  	[tilespmem:$0x5710] =	vst v25;
	v23 =	vmul.f32 v46, v23  }
0xa8: {  	v47 =	vor.u32 $0x283, v18;
	[tilespmem:$0x5890] =	vst v26  }
0xa9: {  	[tilespmem:$0x5B90] =	vst v23  }
0xaa: {  	v23 =	vld.idx.msk [tilespmem:v61+s9+$0x0], $0xffff  }
0xab: {  	v25 =	vld.idx.msk [tilespmem:v62+s9+$0x0], $0xffff  }
0xac: {  	v26 =	vld.idx.msk [tilespmem:v63+s9+$0x0], $0xffff  }
0xad: {  	v24 =	vld.idx.msk [tilespmem:v47+s9+$0x0], $0xffff;
	_ =	sdelay $0x4  }
0xae: {  	v48 =	vsub.f32 v26, v23;
	v49 =	vsub.f32 v24, v25  }
0xaf: {  	[tilespmem:$0x5420] =	vst v23;
	v23 =	vor.u32 $0x2C0, v18  }
0xb0: {  	v52 =	vor.u32 $0x2C1, v18;
	[tilespmem:$0x55A0] =	vst v25;
	v50 =	vmax.f32 v48, $0.0e+00;
	v51 =	vmax.f32 v49, $0.0e+00  }
0xb1: {  	v30 =	vor.u32 $0x2C2, v18;
	[tilespmem:$0x5720] =	vst v26;
	v25 =	vmul.f32 v51, v50  }
0xb2: {  	v31 =	vor.u32 $0x2C3, v18;
	[tilespmem:$0x58A0] =	vst v24  }
0xb3: {  	[tilespmem:$0x5BA0] =	vst v25  }
0xb4: {  	v23 =	vld.idx.msk [tilespmem:v23+s9+$0x0], $0xffff  }
0xb5: {  	v25 =	vld.idx.msk [tilespmem:v52+s9+$0x0], $0xffff  }
0xb6: {  	v26 =	vld.idx.msk [tilespmem:v30+s9+$0x0], $0xffff  }
0xb7: {  	v24 =	vld.idx.msk [tilespmem:v31+s9+$0x0], $0xffff;
	_ =	sdelay $0x4  }
0xb8: {  	v32 =	vsub.f32 v26, v23;
	v28 =	vsub.f32 v24, v25  }
0xb9: {  	[tilespmem:$0x5430] =	vst v23;
	v23 =	vor.u32 $0x300, v18  }
0xba: {  	v35 =	vor.u32 $0x301, v18;
	[tilespmem:$0x55B0] =	vst v25;
	v33 =	vmax.f32 v32, $0.0e+00;
	v34 =	vmax.f32 v28, $0.0e+00  }
0xbb: {  	v36 =	vor.u32 $0x302, v18;
	[tilespmem:$0x5730] =	vst v26;
	v25 =	vmul.f32 v34, v33  }
0xbc: {  	v37 =	vor.u32 $0x303, v18;
	[tilespmem:$0x58B0] =	vst v24  }
0xbd: {  	[tilespmem:$0x5BB0] =	vst v25  }
0xbe: {  	v23 =	vld.idx.msk [tilespmem:v23+s9+$0x0], $0xffff  }
0xbf: {  	v25 =	vld.idx.msk [tilespmem:v35+s9+$0x0], $0xffff  }
0xc0: {  	v26 =	vld.idx.msk [tilespmem:v36+s9+$0x0], $0xffff  }
0xc1: {  	v24 =	vld.idx.msk [tilespmem:v37+s9+$0x0], $0xffff;
	_ =	sdelay $0x4  }
0xc2: {  	v38 =	vsub.f32 v26, v23;
	v28 =	vsub.f32 v24, v25  }
0xc3: {  	[tilespmem:$0x5440] =	vst v23;
	v23 =	vor.u32 $0x340, v18  }
0xc4: {  	v41 =	vor.u32 $0x341, v18;
	[tilespmem:$0x55C0] =	vst v25;
	v39 =	vmax.f32 v38, $0.0e+00;
	v40 =	vmax.f32 v28, $0.0e+00  }
0xc5: {  	v42 =	vor.u32 $0x342, v18;
	[tilespmem:$0x5740] =	vst v26;
	v25 =	vmul.f32 v40, v39  }
0xc6: {  	v43 =	vor.u32 $0x343, v18;
	[tilespmem:$0x58C0] =	vst v24  }
0xc7: {  	[tilespmem:$0x5BC0] =	vst v25  }
0xc8: {  	v23 =	vld.idx.msk [tilespmem:v23+s9+$0x0], $0xffff  }
0xc9: {  	v25 =	vld.idx.msk [tilespmem:v41+s9+$0x0], $0xffff  }
0xca: {  	v26 =	vld.idx.msk [tilespmem:v42+s9+$0x0], $0xffff  }
0xcb: {  	v24 =	vld.idx.msk [tilespmem:v43+s9+$0x0], $0xffff;
	_ =	sdelay $0x4  }
0xcc: {  	v44 =	vsub.f32 v26, v23;
	v28 =	vsub.f32 v24, v25  }
0xcd: {  	[tilespmem:$0x5450] =	vst v23;
	v23 =	vor.u32 $0x380, v18  }
0xce: {  	v47 =	vor.u32 $0x381, v18;
	[tilespmem:$0x55D0] =	vst v25;
	v45 =	vmax.f32 v44, $0.0e+00;
	v46 =	vmax.f32 v28, $0.0e+00  }
0xcf: {  	v48 =	vor.u32 $0x382, v18;
	[tilespmem:$0x5750] =	vst v26;
	v25 =	vmul.f32 v46, v45  }
0xd0: {  	v49 =	vor.u32 $0x383, v18;
	[tilespmem:$0x58D0] =	vst v24  }
0xd1: {  	[tilespmem:$0x5BD0] =	vst v25  }
0xd2: {  	v23 =	vld.idx.msk [tilespmem:v23+s9+$0x0], $0xffff  }
0xd3: {  	v25 =	vld.idx.msk [tilespmem:v47+s9+$0x0], $0xffff  }
0xd4: {  	v26 =	vld.idx.msk [tilespmem:v48+s9+$0x0], $0xffff  }
0xd5: {  	v24 =	vld.idx.msk [tilespmem:v49+s9+$0x0], $0xffff;
	_ =	sdelay $0x4  }
0xd6: {  	v50 =	vsub.f32 v26, v23;
	v28 =	vsub.f32 v24, v25  }
0xd7: {  	[tilespmem:$0x5460] =	vst v23;
	v23 =	vor.u32 $0x3C0, v18  }
0xd8: {  	v32 =	vor.u32 $0x3C1, v18;
	[tilespmem:$0x55E0] =	vst v25;
	v51 =	vmax.f32 v50, $0.0e+00;
	v52 =	vmax.f32 v28, $0.0e+00  }
0xd9: {  	v33 =	vor.u32 $0x3C2, v18;
	[tilespmem:$0x5760] =	vst v26;
	v25 =	vmul.f32 v52, v51  }
0xda: {  	v34 =	vor.u32 $0x3C3, v18;
	[tilespmem:$0x58E0] =	vst v24  }
0xdb: {  	[tilespmem:$0x5BE0] =	vst v25  }
0xdc: {  	v23 =	vld.idx.msk [tilespmem:v23+s9+$0x0], $0xffff  }
0xdd: {  	v25 =	vld.idx.msk [tilespmem:v32+s9+$0x0], $0xffff  }
0xde: {  	v26 =	vld.idx.msk [tilespmem:v33+s9+$0x0], $0xffff  }
0xdf: {  	v24 =	vld.idx.msk [tilespmem:v34+s9+$0x0], $0xffff;
	_ =	sdelay $0x4  }
0xe0: {  	v35 =	vsub.f32 v26, v23;
	v28 =	vsub.f32 v24, v25  }
0xe1: {  	[tilespmem:$0x5470] =	vst v23;
	v23 =	vor.u32 $0x400, v18  }
0xe2: {  	v38 =	vor.u32 $0x401, v18;
	[tilespmem:$0x55F0] =	vst v25;
	v36 =	vmax.f32 v35, $0.0e+00;
	v37 =	vmax.f32 v28, $0.0e+00  }
0xe3: {  	v39 =	vor.u32 $0x402, v18;
	[tilespmem:$0x5770] =	vst v26;
	v25 =	vmul.f32 v37, v36  }
0xe4: {  	v40 =	vor.u32 $0x403, v18;
	[tilespmem:$0x58F0] =	vst v24  }
0xe5: {  	[tilespmem:$0x5BF0] =	vst v25  }
0xe6: {  	v23 =	vld.idx.msk [tilespmem:v23+s9+$0x0], $0xffff  }
0xe7: {  	v25 =	vld.idx.msk [tilespmem:v38+s9+$0x0], $0xffff  }
0xe8: {  	v26 =	vld.idx.msk [tilespmem:v39+s9+$0x0], $0xffff  }
0xe9: {  	v24 =	vld.idx.msk [tilespmem:v40+s9+$0x0], $0xffff;
	_ =	sdelay $0x4  }
0xea: {  	v41 =	vsub.f32 v26, v23;
	v28 =	vsub.f32 v24, v25  }
0xeb: {  	[tilespmem:$0x5480] =	vst v23;
	v23 =	vor.u32 $0x440, v18  }
0xec: {  	v29 =	vld [tilespmem:$0x5980];
	v44 =	vor.u32 $0x441, v18;
	[tilespmem:$0x5600] =	vst v25;
	v42 =	vmax.f32 v41, $0.0e+00;
	v43 =	vmax.f32 v28, $0.0e+00  }
0xed: {  	v30 =	vld [tilespmem:$0x5990];
	v45 =	vor.u32 $0x442, v18;
	[tilespmem:$0x5780] =	vst v26;
	v25 =	vmul.f32 v43, v42  }
0xee: {  	v31 =	vld [tilespmem:$0x59A0];
	v47 =	vor.u32 $0x443, v18;
	[tilespmem:$0x5900] =	vst v24  }
0xef: {  	v46 =	vld [tilespmem:$0x59B0];
	[tilespmem:$0x5C00] =	vst v25  }
0xf0: {  	v23 =	vld.idx.msk [tilespmem:v23+s9+$0x0], $0xffff  }
0xf1: {  	v25 =	vld.idx.msk [tilespmem:v44+s9+$0x0], $0xffff  }
0xf2: {  	v26 =	vld.idx.msk [tilespmem:v45+s9+$0x0], $0xffff  }
0xf3: {  	v24 =	vld.idx.msk [tilespmem:v47+s9+$0x0], $0xffff  }
0xf4: {  	vm4 =	vgt.f32 v30, v29  }
0xf5: {  	v48 =	vsel vm4, v30, v29;
	v32 =	vld [tilespmem:$0x59C0]  }
0xf6: {  	vm6 =	vgt.f32 v31, v48  }
0xf7: {  	v49 =	vld [tilespmem:$0x59D0];
	v28 =	vsel vm6, v31, v48  }
0xf8: {  	vm7 =	vgt.f32 v46, v28;
	v51 =	vsub.f32 v26, v23;
	v52 =	vsub.f32 v24, v25  }
0xf9: {  	v50 =	vld [tilespmem:$0x59E0];
	v39 =	vor.u32 $0x481, v18;
	v27 =	vsel vm7, v46, v28;
	[tilespmem:$0x5490] =	vst v23;
	v23 =	vor.u32 $0x480, v18  }
0xfa: {  	v33 =	vld [tilespmem:$0x5A00];
	vm2 =	vgt.f32 v32, v27;
	[tilespmem:$0x5610] =	vst v25;
	v37 =	vmax.f32 v51, $0.0e+00;
	v38 =	vmax.f32 v52, $0.0e+00  }
0xfb: {  	v36 =	vld [tilespmem:$0x59F0];
	v40 =	vor.u32 $0x482, v18;
	v27 =	vsel vm2, v32, v27;
	[tilespmem:$0x5790] =	vst v26;
	v25 =	vmul.f32 v38, v37  }
0xfc: {  	v41 =	vld [tilespmem:$0x5A10];
	v42 =	vor.u32 $0x483, v18;
	vm1 =	vgt.f32 v49, v27;
	[tilespmem:$0x5910] =	vst v24  }
0xfd: {  	v43 =	vld [tilespmem:$0x5A20];
	v27 =	vsel vm1, v49, v27;
	[tilespmem:$0x5C10] =	vst v25  }
0xfe: {  	vm3 =	vgt.f32 v50, v27;
	v23 =	vld.idx.msk [tilespmem:v23+s9+$0x0], $0xffff  }
0xff: {  	v44 =	vsel vm3, v50, v27;
	v45 =	vld.idx.msk [tilespmem:v39+s9+$0x0], $0xffff  }
0x100: {  	vm5 =	vgt.f32 v36, v44;
	v26 =	vld.idx.msk [tilespmem:v40+s9+$0x0], $0xffff  }
0x101: {  	v25 =	vsel vm5, v36, v44;
	v24 =	vld.idx.msk [tilespmem:v42+s9+$0x0], $0xffff  }
0x102: {  	v47 =	vsel vm4, v2, v1;
	vm8 =	vgt.f32 v33, v25  }
0x103: {  	v46 =	vld [tilespmem:$0x5A30];
	v31 =	vsel vm6, v3, v47;
	v25 =	vsel vm8, v33, v25  }
0x104: {  	v48 =	vsel vm7, v4, v31;
	vm13 =	vgt.f32 v41, v25  }
0x105: {  	v49 =	vld [tilespmem:$0x5A40];
	v29 =	vsel vm2, v5, v48;
	v25 =	vsel vm13, v41, v25  }
0x106: {  	vm14 =	vgt.f32 v43, v25;
	v50 =	vsub.f32 v26, v23;
	v51 =	vsub.f32 v24, v45  }
0x107: {  	v52 =	vld [tilespmem:$0x5A50];
	v38 =	vor.u32 $0x4C1, v18;
	v25 =	vsel vm14, v43, v25;
	[tilespmem:$0x54A0] =	vst v23;
	v23 =	vor.u32 $0x4C0, v18  }
0x108: {  	v34 =	vld [tilespmem:$0x5A60];
	[tilespmem:$0x5620] =	vst v45;
	vm2 =	vgt.f32 v46, v25;
	v36 =	vmax.f32 v50, $0.0e+00;
	v37 =	vmax.f32 v51, $0.0e+00  }
0x109: {  	v44 =	vld [tilespmem:$0x5A90];
	v41 =	vor.u32 $0x4C2, v18;
	[tilespmem:$0x57A0] =	vst v26;
	v25 =	vsel vm2, v46, v25;
	v40 =	vmul.f32 v37, v36  }
0x10a: {  	v29 =	vsel vm1, v6, v29;
	v39 =	vld [tilespmem:$0x5A70];
	[tilespmem:$0x5920] =	vst v24;
	v43 =	vor.u32 $0x4C3, v18;
	vm1 =	vgt.f32 v49, v25  }
0x10b: {  	v29 =	vsel vm3, v7, v29;
	v42 =	vld [tilespmem:$0x5A80];
	v25 =	vsel vm1, v49, v25;
	[tilespmem:$0x5C20] =	vst v40  }
0x10c: {  	v29 =	vsel vm5, v8, v29;
	vm3 =	vgt.f32 v52, v25;
	v23 =	vld.idx.msk [tilespmem:v23+s9+$0x0], $0xffff  }
0x10d: {  	v29 =	vsel vm8, v9, v29;
	v25 =	vsel vm3, v52, v25;
	v45 =	vld.idx.msk [tilespmem:v38+s9+$0x0], $0xffff  }
0x10e: {  	v29 =	vsel vm13, v10, v29;
	v27 =	vld.idx.msk [tilespmem:v41+s9+$0x0], $0xffff;
	vm15 =	vgt.f32 v34, v25  }
0x10f: {  	v29 =	vsel vm14, v11, v29;
	v24 =	vld.idx.msk [tilespmem:v43+s9+$0x0], $0xffff;
	v25 =	vsel vm15, v34, v25  }
0x110: {  	v29 =	vsel vm2, v12, v29;
	vm2 =	vgt.f32 v39, v25  }
0x111: {  	v46 =	vld [tilespmem:$0x5AA0];
	v29 =	vsel vm1, v13, v29;
	v25 =	vsel vm2, v39, v25  }
0x112: {  	v29 =	vsel vm3, v14, v29;
	vm1 =	vgt.f32 v42, v25  }
0x113: {  	v47 =	vld [tilespmem:$0x5AB0];
	v29 =	vsel vm15, v15, v29;
	v25 =	vsel vm1, v42, v25  }
0x114: {  	v48 =	vsub.f32 v27, v23;
	v49 =	vsub.f32 v24, v45;
	vm3 =	vgt.f32 v44, v25  }
0x115: {  	[tilespmem:$0x54B0] =	vst v23;
	v23 =	vsel vm2, v16, v29;
	v25 =	vsel vm3, v44, v25  }
0x116: {  	[tilespmem:$0x5630] =	vst v45;
	v50 =	vmax.f32 v48, $0.0e+00;
	v51 =	vmax.f32 v49, $0.0e+00;
	vm2 =	vgt.f32 v46, v25  }
.Ltmp2:
0x117: {  	[tilespmem:$0x57B0] =	vst v27;
	v23 =	vsel vm1, v17, v23;
	v26 =	vmul.f32 v51, v50;
	v25 =	vsel vm2, v46, v25;
	(pc) =	sbr.rel @p0 .LBB2_3-.Ltmp2, $4  }
0x118: {  	[tilespmem:$0x5930] =	vst v24;
	v23 =	vsel vm3, v19, v23;
	vm1 =	vgt.f32 v47, v25  }
0x119: {  	[tilespmem:$0x5C30] =	vst v26;
	v23 =	vsel vm2, v20, v23;
	v52 =	vsel vm1, v47, v25  }
0x11a: {  	v23 =	vsel vm1, v21, v23;
	[tilespmem:$0x5E00] =	vst v52  }
0x11b: {  	[tilespmem:$0x5E80] =	vst v23  }
0x11c: {  	[tilespmem:$0x5F00] =	vst v22  }
0x11d: {  	[tilespmem:$0x5F10] =	vst v22  }
0x11e: {  	[tilespmem:$0x5F20] =	vst v22  }
0x11f: {  	[tilespmem:$0x5F30] =	vst v22  }
0x120: {  	[tilespmem:$0x5F40] =	vst v22  }
0x121: {  	[tilespmem:$0x5F50] =	vst v22  }
0x122: {  	[tilespmem:$0x5F60] =	vst v22  }
0x123: {  	[tilespmem:$0x5F70] =	vst v22  }
0x124: {  	[tilespmem:$0x5F80] =	vst v22  }
0x125: {  	[tilespmem:$0x5F90] =	vst v22  }
0x126: {  	[tilespmem:$0x5FA0] =	vst v22  }
0x127: {  	[tilespmem:$0x5FB0] =	vst v22  }
0x128: {  	[tilespmem:$0x5FC0] =	vst v22  }
0x129: {  	[tilespmem:$0x5FD0] =	vst v22  }
0x12a: {  	[tilespmem:$0x5FE0] =	vst v22  }
0x12b: {  	[tilespmem:$0x5FF0] =	vst v22  }
0x12c: {  	[tilespmem:$0x6000] =	vst v22  }
0x12d: {  	[tilespmem:$0x6010] =	vst v22  }
0x12e: {  	[tilespmem:$0x6020] =	vst v22  }
0x12f: {  	[tilespmem:$0x6030] =	vst v22  }
0x130: {  	[tilespmem:$0x6040] =	vst v22  }
0x131: {  	[tilespmem:$0x6050] =	vst v22  }
0x132: {  	[tilespmem:$0x6060] =	vst v22  }
0x133: {  	[tilespmem:$0x6070] =	vst v22  }
0x134: {  	[tilespmem:$0x6080] =	vst v22  }
0x135: {  	[tilespmem:$0x6090] =	vst v22  }
0x136: {  	[tilespmem:$0x60A0] =	vst v22  }
0x137: {  	[tilespmem:$0x60B0] =	vst v22  }
0x138: {  	[tilespmem:$0x60C0] =	vst v22  }
0x139: {  	[tilespmem:$0x60D0] =	vst v22  }
0x13a: {  	[tilespmem:$0x60E0] =	vst v22  }
0x13b: {  	[tilespmem:$0x60F0] =	vst v22  }
0x13c: {  	[tilespmem:$0x6100] =	vst v22  }
0x13d: {  	[tilespmem:$0x6110] =	vst v22  }
0x13e: {  	[tilespmem:$0x6120] =	vst v22  }
0x13f: {  	[tilespmem:$0x6130] =	vst v22  }
0x140: {  	[tilespmem:$0x6140] =	vst v22  }
0x141: {  	[tilespmem:$0x6150] =	vst v22  }
0x142: {  	[tilespmem:$0x6160] =	vst v22  }
0x143: {  	[tilespmem:$0x6170] =	vst v22  }
0x144: {  	[tilespmem:$0x6180] =	vst v22  }
0x145: {  	[tilespmem:$0x6190] =	vst v22  }
0x146: {  	[tilespmem:$0x61A0] =	vst v22  }
0x147: {  	[tilespmem:$0x61B0] =	vst v22  }
0x148: {  	[tilespmem:$0x61C0] =	vst v22  }
0x149: {  	[tilespmem:$0x61D0] =	vst v22  }
0x14a: {  	[tilespmem:$0x61E0] =	vst v22  }
0x14b: {  	[tilespmem:$0x61F0] =	vst v22  }
0x14c: {  	[tilespmem:$0x6200] =	vst v22  }
0x14d: {  	[tilespmem:$0x6210] =	vst v22  }
0x14e: {  	[tilespmem:$0x6220] =	vst v22  }
0x14f: {  	[tilespmem:$0x6230] =	vst v22  }
0x150: {  	[tilespmem:$0x6240] =	vst v22  }
0x151: {  	[tilespmem:$0x6250] =	vst v22  }
0x152: {  	[tilespmem:$0x6260] =	vst v22  }
0x153: {  	[tilespmem:$0x6270] =	vst v22  }
0x154: {  	[tilespmem:$0x6280] =	vst v22  }
0x155: {  	[tilespmem:$0x6290] =	vst v22  }
0x156: {  	[tilespmem:$0x62A0] =	vst v22  }
0x157: {  	[tilespmem:$0x62B0] =	vst v22  }
0x158: {  	[tilespmem:$0x62C0] =	vst v22  }
0x159: {  	[tilespmem:$0x62D0] =	vst v22  }
0x15a: {  	[tilespmem:$0x62E0] =	vst v22  }
0x15b: {  	[tilespmem:$0x62F0] =	vst v22  }
0x15c: {  	[tilespmem:$0x6300] =	vst v22  }
0x15d: {  	[tilespmem:$0x6310] =	vst v22  }
0x15e: {  	[tilespmem:$0x6320] =	vst v22  }
0x15f: {  	[tilespmem:$0x6330] =	vst v22  }
0x160: {  	[tilespmem:$0x6340] =	vst v22  }
0x161: {  	[tilespmem:$0x6350] =	vst v22  }
0x162: {  	[tilespmem:$0x6360] =	vst v22  }
0x163: {  	[tilespmem:$0x6370] =	vst v22  }
0x164: {  	[tilespmem:$0x6380] =	vst v22  }
0x165: {  	[tilespmem:$0x6390] =	vst v22  }
0x166: {  	[tilespmem:$0x63A0] =	vst v22  }
0x167: {  	[tilespmem:$0x63B0] =	vst v22  }
0x168: {  	[tilespmem:$0x63C0] =	vst v22  }
0x169: {  	[tilespmem:$0x63D0] =	vst v22  }
0x16a: {  	[tilespmem:$0x63E0] =	vst v22  }
0x16b: {  	[tilespmem:$0x63F0] =	vst v22  }
0x16c: {  	[tilespmem:$0x6400] =	vst v22  }
0x16d: {  	[tilespmem:$0x6410] =	vst v22  }
0x16e: {  	[tilespmem:$0x6420] =	vst v22  }
0x16f: {  	[tilespmem:$0x6430] =	vst v22  }
0x170: {  	[tilespmem:$0x6440] =	vst v22  }
0x171: {  	[tilespmem:$0x6450] =	vst v22  }
0x172: {  	[tilespmem:$0x6460] =	vst v22  }
0x173: {  	[tilespmem:$0x6470] =	vst v22  }
0x174: {  	[tilespmem:$0x6480] =	vst v22  }
0x175: {  	[tilespmem:$0x6490] =	vst v22  }
0x176: {  	[tilespmem:$0x64A0] =	vst v22  }
0x177: {  	[tilespmem:$0x64B0] =	vst v22  }
0x178: {  	[tilespmem:$0x64C0] =	vst v22  }
0x179: {  	[tilespmem:$0x64D0] =	vst v22  }
0x17a: {  	[tilespmem:$0x64E0] =	vst v22  }
0x17b: {  	[tilespmem:$0x64F0] =	vst v22  }
0x17c: {  	[tilespmem:$0x6500] =	vst v22  }
0x17d: {  	[tilespmem:$0x6510] =	vst v22  }
0x17e: {  	[tilespmem:$0x6520] =	vst v22  }
0x17f: {  	[tilespmem:$0x6530] =	vst v22  }
.LBB2_3:
.Ltmp3:
0x180: {  	(pc) =	sbr.rel .LBB2_4-.Ltmp3, $4  }
0x181: {  	_ = 	snop  }
0x182: {  	_ =	swait.ge [sflag:s12], $0x4E80  }
0x183: {  	p1 =	por $0x0, $0x0;
	[sflag:s12] =	ssyncset.done $0x0  }
0x184: {  	s17 =	simm.s32 $0x0;
	s18 =	simm.s32 $0x0;
	[sflag:s12] =	ssyncadd.s32 $0xFFFFB180  }
.LBB2_6:
0x185: {  	p2 =	por !p1, !p1;
	s19 =	simm.s32 $0x1;
	s17 =	sadd.s32 $0x100, s17  }
0x186: {  	s19 =	simm.s32 @!p2 $0x0;
	p2 =	sne.s32 s17, $0x6400  }
.Ltmp4:
0x187: {  	_ = 	snop;
	(pc) =	sbr.rel @!p2 .LBB2_7-.Ltmp4, $2  }
0x188: {  	_ =	sdelay $0x2  }
0x189: {  	s18 =	sadd.s32 s19, s18  }
.LBB2_4:
0x18a: {  	v23 =	vld [tilespmem:$0x5E00];
	_ =	sdelay $0x4  }
0x18b: {  	(xrf0) =	vmax.scan.msk.f32 $0xffff, v23;
	_ =	sdelay $0x3  }
0x18c: {  	v24 =	vld [tilespmem:$0x5E80];
	_ =	sdelay $0x1  }
0x18d: {  	v25, _, _ =	vpop (xrf0)  }
0x18e: {  	v25 =	vbroadcast v25, $0xF;
	_ =	sdelay $0x1  }
0x18f: {  	vm1 =	veq.f32 v23, v25;
	v23 =	vxor.u32 $0x80000000, v24  }
0x190: {  	v23 =	vnsel vm1, $0xC0000000, v23  }
0x191: {  	(xrf0) =	vmin.scan.msk.u32 $0xffff, v23;
	_ =	sdelay $0x5  }
0x192: {  	v23, _, _ =	vpop (xrf0)  }
0x193: {  	(v2sf) =	vpush v23, $0xF;
	_ =	sdelay $0xe  }
0x194: {  	s19 =	spop (v2sf)  }
0x195: {  	s19 =	sxor.u32 $0x80000000, s19  }
0x196: {  	v23 =	vmov s19  }
0x197: {  	s30 =	sand.u32 $0x100, s17;
	vm1 =	vmmov $0x1;
	v23 =	vnsel vm0, $0x0, v23  }
0x198: {  	s19 =	sadd.s32 s30, s2;
	v23 =	vsel vm1, v25, v23  }
0x199: {  	s20 =	sadd.s32 s13, s19;
	[tilespmem:$0x5C80] =	vst v23  }
0x19a: {  	[spmem:s20] =	stream.linear.scatter [tilespmem:s14], [sflag:$0x2], $0x10, $0x38;
	[tilespmem:$0x65A0] =	vst v63  }
0x19b: {  	_ =	swait.ge [sflag:s10], $0x10  }
0x19c: {  	[sflag:s10] =	ssyncset.done $0x0  }
0x19d: {  	v23 =	vmul.u32 $0x10, v0;
	[sflag:s10] =	ssyncadd.s32 $0xFFFFFFF0  }
0x19e: {  	[bflag:$0x0] =	sbarrier.arrive $0xFFFF  }
0x19f: {  	[tilespmem:s15], [sflag:$0x2] =	stream.linear.gather [spmem:s19], $0x100, $0x38;
	[tilespmem:$0x65A0] =	vst v63  }
0x1a0: {  	_ =	swait.ge [sflag:s10], $0x100  }
0x1a1: {  	[sflag:s10] =	ssyncset.done $0x0  }
0x1a2: {  	[sflag:s10] =	ssyncadd.s32 $0xFFFFFF00  }
0x1a3: {  	v24 =	vld.idx.msk [tilespmem:v23+s15+$0x0], $0xffff;
	_ =	sdelay $0x3  }
0x1a4: {  	v23 =	vor.u32 $0x1, v23  }
0x1a5: {  	(xrf0) =	vmax.scan.msk.f32 $0xffff, v24;
	_ =	sdelay $0x3  }
0x1a6: {  	v23 =	vld.idx.msk [tilespmem:v23+s15+$0x0], $0xffff;
	_ =	sdelay $0x1  }
0x1a7: {  	v26, _, _ =	vpop (xrf0)  }
0x1a8: {  	v25 =	vbroadcast v26, $0xF;
	_ =	sdelay $0x1  }
0x1a9: {  	v23 =	vxor.u32 $0x80000000, v23;
	vm1 =	veq.f32 v24, v25  }
0x1aa: {  	(v2sf) =	vpush v26, $0xF;
	v23 =	vnsel vm1, $0xC0000000, v23  }
0x1ab: {  	(xrf0) =	vmin.scan.msk.u32 $0xffff, v23;
	_ =	sdelay $0x5  }
0x1ac: {  	v23, _, _ =	vpop (xrf0)  }
0x1ad: {  	(v2sf) =	vpush v23, $0xF;
	_ =	sdelay $0x6  }
0x1ae: {  	s31 =	spop (v2sf)  }
0x1af: {  	p2 =	sle.f32 s31, $5.000000070e-02;
	_ =	sdelay $0x1  }
0x1b0: {  	p1 =	por p1, p2  }
.Ltmp5:
0x1b1: {  	_ = 	snop;
	(pc) =	sbr.rel @p1 .LBB2_6-.Ltmp5, $2  }
0x1b2: {  	_ =	sdelay $0x2  }
0x1b3: {  	s19 =	spop (v2sf)  }
0x1b4: {  	s20 =	sshll.u32 s19, $0x2  }
0x1b5: {  	v27 =	vmov s20  }
0x1b6: {  	v23 =	vor.u32 $0x3, v27  }
0x1b7: {  	v24 =	vor.u32 $0x2, v27  }
0x1b8: {  	v26 =	vor.u32 $0x1, v27;
	_ =	sdelay $0x2  }
0x1b9: {  	v23 =	vld.idx.msk [tilespmem:v23+s3+$0x0], $0xffff  }
0x1ba: {  	v24 =	vld.idx.msk [tilespmem:v24+s3+$0x0], $0xffff  }
0x1bb: {  	v26 =	vld.idx.msk [tilespmem:v26+s3+$0x0], $0xffff  }
0x1bc: {  	vm1 =	vcmask @!p0 $0x3F14;
	v27 =	vld.idx.msk [tilespmem:v27+s3+$0x0], $0xffff  }
0x1bd: {  	v25 =	vsel @!p0 vm1, $0x0, v25;
	vm1 =	vcmask @!p0 $0x3F10  }
0x1be: {  	v25 =	vsel @!p0 vm1, v25, v23;
	vm1 =	vcmask @!p0 $0x3F0C  }
0x1bf: {  	v25 =	vsel @!p0 vm1, v25, v24;
	vm1 =	vcmask @!p0 $0x3F08  }
0x1c0: {  	s20 =	sshll.u32 @!p0 s18, $0x6;
	v25 =	vsel @!p0 vm1, v25, v26;
	vm1 =	vmmov @!p0 $0x1  }
0x1c1: {  	s20 =	sshra.s32 @!p0 s20, $0x2;
	v25 =	vsel @!p0 vm1, v27, v25  }
0x1c2: {  	[tilespmem:s20+$0x5F00] =	vst @!p0 v25  }
0x1c3: {  	v25 =	vld [tilespmem:$0x5380]  }
0x1c4: {  	v28 =	vld [tilespmem:$0x5500]  }
0x1c5: {  	v29 =	vld [tilespmem:$0x5680]  }
0x1c6: {  	v30 =	vld [tilespmem:$0x5800]  }
0x1c7: {  	v33 =	vld [tilespmem:$0x5B00]  }
0x1c8: {  	v48 =	vld [tilespmem:$0x5390]  }
0x1c9: {  	v49 =	vld [tilespmem:$0x5510]  }
0x1ca: {  	v31 =	vsub.f32 v24, v27;
	v50 =	vld [tilespmem:$0x5690]  }
0x1cb: {  	v52 =	vld [tilespmem:$0x5810]  }
0x1cc: {  	v32 =	vsub.f32 v23, v26;
	v31 =	vmax.f32 v31, $0.0e+00;
	v35 =	vld [tilespmem:$0x53A0];
	v25 =	vmax.f32 v27, v25  }
0x1cd: {  	v36 =	vld [tilespmem:$0x5520];
	v28 =	vmax.f32 v26, v28;
	v29 =	vmin.f32 v24, v29;
	v30 =	vmin.f32 v23, v30  }
0x1ce: {  	v32 =	vmax.f32 v32, $0.0e+00;
	v34 =	vld [tilespmem:$0x5B10];
	v29 =	vsub.f32 v29, v25;
	v28 =	vsub.f32 v30, v28  }
0x1cf: {  	v37 =	vld [tilespmem:$0x56A0];
	v25 =	vmul.f32 v32, v31  }
0x1d0: {  	v38 =	vld [tilespmem:$0x5820];
	v29 =	vmax.f32 v29, $0.0e+00;
	v28 =	vmax.f32 v28, $0.0e+00  }
0x1d1: {  	v41 =	vmax.f32 v27, v35;
	v51 =	vadd.f32 v33, v25;
	v28 =	vmul.f32 v28, v29  }
0x1d2: {  	v43 =	vmax.f32 v26, v36;
	v30 =	vmax.f32 v27, v48;
	v31 =	vmax.f32 v26, v49  }
0x1d3: {  	v32 =	vmin.f32 v24, v50;
	v33 =	vmin.f32 v23, v52;
	v29 =	vsub.f32 v51, v28  }
0x1d4: {  	v42 =	vld [tilespmem:$0x5B20];
	v44 =	vmin.f32 v24, v37;
	v30 =	vsub.f32 v32, v30;
	v31 =	vsub.f32 v33, v31  }
0x1d5: {  	v46 =	vld [tilespmem:$0x53B0];
	v45 =	vmin.f32 v23, v38;
	v40 =	vadd.f32 v34, v25;
	v29 =	vadd.f32 $9.999999710e-10, v29  }
0x1d6: {  	v47 =	vld [tilespmem:$0x5530];
	v33 =	vmax.f32 v30, $0.0e+00;
	v39 =	vmax.f32 v31, $0.0e+00;
	v31 =	vsub.f32 v44, v41  }
0x1d7: {  	s31 =	sxor.u32 $0x80000000, s19;
	v36 =	vld [tilespmem:$0x53C0];
	(erf) = vrcp.f32 v29;
	v29 =	vmul.f32 v39, v33;
	v33 =	vsub.f32 v45, v43  }
0x1d8: {  	vm2 =	veq.s32 v1, s31;
	v50 =	vld [tilespmem:$0x5830]  }
0x1d9: {  	v38 =	vld [tilespmem:$0x53E0];
	v31 =	vmax.f32 v31, $0.0e+00;
	v30 =	vsub.f32 v40, v29;
	v33 =	vmax.f32 v33, $0.0e+00  }
0x1da: {  	vm3 =	veq.s32 v3, s31;
	v48 =	vld [tilespmem:$0x56B0];
	v32 =	vadd.f32 v42, v25;
	v31 =	vmul.f32 v33, v31  }
0x1db: {  	vm4 =	veq.s32 v4, s31;
	vm11 =	veq.s32 v5, s31;
	v52 =	vld [tilespmem:$0x5980];
	v30 =	vadd.f32 $9.999999710e-10, v30  }
0x1dc: {  	vm12 =	veq.s32 v6, s31;
	v42 =	vmax.f32 v27, v46;
	v46 =	vld [tilespmem:$0x5840];
	v49 =	vsub.f32 v32, v31  }
0x1dd: {  	v43 =	vld [tilespmem:$0x5B30];
	v33 =	vmax.f32 v26, v47;
	v32 =	vmin.f32 v23, v50;
	(erf) = vrcp.f32 v30  }
0x1de: {  	vm13 =	veq.s32 v8, s31;
	v32 =	vsub.f32 v32, v33;
	v33 =	vld [tilespmem:$0x5540];
	v30 =	vadd.f32 $9.999999710e-10, v49  }
0x1df: {  	vm14 =	veq.s32 v9, s31;
	vm10 =	veq.s32 v10, s31;
	v35 =	vmin.f32 v24, v48;
	v49 =	vld [tilespmem:$0x53D0]  }
0x1e0: {  	vm8 =	veq.s32 v15, s31;
	v51 =	vpop (erf);
	(erf) = vrcp.f32 v30;
	v30 =	vsub.f32 v35, v42;
	v35 =	vld [tilespmem:$0x56C0]  }
0x1e1: {  	v45 =	vmax.f32 v32, $0.0e+00;
	v32 =	vmin.f32 v23, v46;
	v46 =	vld [tilespmem:$0x5B50];
	v28 =	vmul.f32 v51, v28  }
0x1e2: {  	v36 =	vmax.f32 v27, v36;
	v38 =	vmax.f32 v27, v38;
	v48 =	vadd.f32 v43, v25;
	v51 =	vld [tilespmem:$0x56D0]  }
0x1e3: {  	v50 =	vld [tilespmem:$0x5550];
	v44 =	vmax.f32 v30, $0.0e+00;
	v43 =	vmax.f32 v26, v33;
	vm1 =	vgt.f32 v28, $5.000000000e-01  }
0x1e4: {  	v39 =	vmul.f32 v45, v44;
	v44 =	vld [tilespmem:$0x5B40];
	v45 =	vmax.f32 v27, v49;
	vm1 =	vmor vm2, vm1  }
0x1e5: {  	vm2 =	veq.s32 v2, s31;
	v28 =	vsel vm1, $0xFF800000, v52;
	v35 =	vmin.f32 v24, v35  }
0x1e6: {  	v30 =	vsub.f32 v48, v39;
	v52 =	vld [tilespmem:$0x5850];
	v47 =	vpop (erf);
	vm1 =	vgt.f32 v28, $-Inf;
	v35 =	vsub.f32 v35, v36  }
0x1e7: {  	v41 =	vld [tilespmem:$0x5990];
	v48 =	vmin.f32 v24, v51;
	v51 =	vadd.f32 v46, v25;
	v29 =	vmul.f32 v47, v29  }
0x1e8: {  	v37 =	vld [tilespmem:$0x5560];
	v40 =	vnsel vm1, $0xFF800000, v28;
	v30 =	vadd.f32 $9.999999710e-10, v30;
	v47 =	vmax.f32 v26, v50  }
0x1e9: {  	v35 =	vmax.f32 v35, $0.0e+00;
	v49 =	vadd.f32 v44, v25;
	v44 =	vld [tilespmem:$0x5870];
	vm1 =	vgt.f32 v29, $5.000000000e-01  }
0x1ea: {  	v42 =	vpop (erf);
	(erf) = vrcp.f32 v30;
	v30 =	vsub.f32 v32, v43;
	v32 =	vsub.f32 v48, v45;
	v48 =	vld [tilespmem:$0x56F0]  }
0x1eb: {  	vm1 =	vmor vm2, vm1;
	v31 =	vmul.f32 v42, v31;
	v42 =	vld [tilespmem:$0x59A0];
	v29 =	vmin.f32 v23, v52  }
0x1ec: {  	v52 =	vld [tilespmem:$0x53F0];
	v30 =	vmax.f32 v30, $0.0e+00;
	v36 =	vsub.f32 v29, v47;
	v29 =	vsel vm1, $0xFF800000, v41  }
0x1ed: {  	v32 =	vmax.f32 v32, $0.0e+00;
	vm1 =	vgt.f32 v31, $5.000000000e-01;
	v35 =	vmul.f32 v30, v35  }
0x1ee: {  	v31 =	vld [tilespmem:$0x56E0];
	vm2 =	vgt.f32 v29, v40;
	v50 =	vmax.f32 v36, $0.0e+00;
	vm1 =	vmor vm3, vm1  }
0x1ef: {  	v36 =	vld [tilespmem:$0x5860];
	v40 =	vsel vm2, v29, v40;
	v46 =	vmin.f32 v23, v44;
	v32 =	vmul.f32 v50, v32  }
0x1f0: {  	v43 =	vld [tilespmem:$0x5570];
	v47 =	vsub.f32 v49, v35;
	v50 =	vmax.f32 v26, v37;
	v30 =	vsel vm1, $0xFF800000, v42  }
0x1f1: {  	v34 =	vmax.f32 v27, v52;
	v42 =	vmin.f32 v24, v48;
	v33 =	vsub.f32 v51, v32  }
0x1f2: {  	v49 =	vld [tilespmem:$0x5B60];
	vm1 =	vgt.f32 v30, v40;
	v41 =	vadd.f32 $9.999999710e-10, v47;
	v34 =	vsub.f32 v42, v34  }
0x1f3: {  	v51 =	vld [tilespmem:$0x5B70];
	v31 =	vmin.f32 v24, v31;
	v40 =	vsel vm1, v30, v40;
	v33 =	vadd.f32 $9.999999710e-10, v33  }
0x1f4: {  	v52 =	vld [tilespmem:$0x59B0];
	v45 =	vpop (erf);
	(erf) = vrcp.f32 v41;
	v31 =	vsub.f32 v31, v38;
	v36 =	vmin.f32 v23, v36  }
0x1f5: {  	v42 =	vld [tilespmem:$0x5400];
	v34 =	vmax.f32 v34, $0.0e+00;
	v39 =	vmul.f32 v45, v39;
	v45 =	vmax.f32 v26, v43  }
0x1f6: {  	(erf) = vrcp.f32 v33;
	v33 =	vsub.f32 v36, v50;
	v41 =	vsub.f32 v46, v45  }
0x1f7: {  	v47 =	vadd.f32 v49, v25;
	v31 =	vmax.f32 v31, $0.0e+00;
	v50 =	vld [tilespmem:$0x5880];
	vm3 =	vgt.f32 v39, $5.000000000e-01  }
0x1f8: {  	v36 =	vadd.f32 v51, v25;
	v33 =	vmax.f32 v33, $0.0e+00;
	v48 =	vmax.f32 v41, $0.0e+00;
	v41 =	vld [tilespmem:$0x5700]  }
0x1f9: {  	vm3 =	vmor vm4, vm3;
	v39 =	vmul.f32 v33, v31;
	v33 =	vld [tilespmem:$0x5580];
	v34 =	vmul.f32 v48, v34  }
0x1fa: {  	v37 =	vld [tilespmem:$0x59D0];
	v45 =	vsel vm2, v2, v1;
	v42 =	vmax.f32 v27, v42;
	v31 =	vsel vm3, $0xFF800000, v52  }
0x1fb: {  	v46 =	vld [tilespmem:$0x59E0];
	vm2 =	vgt.f32 v31, v40;
	v49 =	vsub.f32 v47, v39;
	v36 =	vsub.f32 v36, v34  }
0x1fc: {  	v45 =	vsel vm1, v3, v45;
	v52 =	vld [tilespmem:$0x59C0];
	v38 =	vmin.f32 v23, v50;
	v40 =	vsel vm2, v31, v40  }
0x1fd: {  	v48 =	vld [tilespmem:$0x5B80];
	v51 =	vpop (erf);
	v43 =	vadd.f32 $9.999999710e-10, v49;
	v36 =	vadd.f32 $9.999999710e-10, v36;
	v41 =	vmin.f32 v24, v41  }
0x1fe: {  	v35 =	vmul.f32 v51, v35;
	v33 =	vmax.f32 v26, v33;
	v41 =	vsub.f32 v41, v42;
	v42 =	vld [tilespmem:$0x5590]  }
0x1ff: {  	v45 =	vsel vm2, v4, v45;
	(erf) = vrcp.f32 v43;
	v47 =	vpop (erf);
	v33 =	vsub.f32 v38, v33;
	v38 =	vld [tilespmem:$0x5410]  }
0x200: {  	v43 =	vld [tilespmem:$0x5890];
	vm3 =	vgt.f32 v35, $5.000000000e-01;
	v49 =	vmul.f32 v47, v32;
	(erf) = vrcp.f32 v36  }
0x201: {  	v50 =	vmax.f32 v41, $0.0e+00;
	v36 =	vld [tilespmem:$0x5710];
	v33 =	vmax.f32 v33, $0.0e+00;
	vm3 =	vmor vm11, vm3  }
0x202: {  	v51 =	vadd.f32 v48, v25;
	v35 =	vld [tilespmem:$0x5B90];
	v41 =	vmul.f32 v33, v50;
	v32 =	vsel vm3, $0xFF800000, v52  }
0x203: {  	v47 =	vld [tilespmem:$0x5420];
	vm11 =	veq.s32 v11, s31;
	vm3 =	vgt.f32 v49, $5.000000000e-01;
	vm5 =	vgt.f32 v32, v40  }
0x204: {  	v49 =	vld [tilespmem:$0x5720];
	vm3 =	vmor vm12, vm3;
	v42 =	vmax.f32 v26, v42;
	v52 =	vsub.f32 v51, v41  }
0x205: {  	v40 =	vsel vm5, v32, v40;
	v33 =	vsel vm3, $0xFF800000, v37;
	v37 =	vld [tilespmem:$0x55A0];
	v43 =	vmin.f32 v23, v43  }
0x206: {  	v45 =	vsel vm5, v5, v45;
	v38 =	vmax.f32 v27, v38;
	v42 =	vsub.f32 v43, v42;
	v43 =	vld [tilespmem:$0x5730]  }
0x207: {  	vm3 =	veq.s32 v7, s31;
	v36 =	vmin.f32 v24, v36;
	v44 =	vadd.f32 $9.999999710e-10, v52;
	v52 =	vld [tilespmem:$0x58A0]  }
0x208: {  	vm1 =	vgt.f32 v33, v40;
	v47 =	vmax.f32 v27, v47;
	v36 =	vsub.f32 v36, v38;
	v38 =	vld [tilespmem:$0x55B0]  }
0x209: {  	v50 =	vld [tilespmem:$0x5BA0];
	v35 =	vadd.f32 v35, v25;
	v40 =	vsel vm1, v33, v40;
	v48 =	vpop (erf);
	(erf) = vrcp.f32 v44  }
0x20a: {  	v42 =	vmax.f32 v42, $0.0e+00;
	v44 =	vld [tilespmem:$0x5430];
	v36 =	vmax.f32 v36, $0.0e+00;
	v39 =	vmul.f32 v48, v39  }
0x20b: {  	v45 =	vsel vm1, v6, v45;
	v49 =	vmin.f32 v24, v49;
	v51 =	vpop (erf);
	v36 =	vmul.f32 v42, v36;
	v42 =	vld [tilespmem:$0x5BB0]  }
0x20c: {  	v37 =	vmax.f32 v26, v37;
	v34 =	vmul.f32 v51, v34;
	vm2 =	vgt.f32 v39, $5.000000000e-01;
	v39 =	vld [tilespmem:$0x58B0]  }
0x20d: {  	v48 =	vld [tilespmem:$0x5440];
	v43 =	vmin.f32 v24, v43;
	v52 =	vmin.f32 v23, v52;
	v38 =	vmax.f32 v26, v38  }
0x20e: {  	vm1 =	vgt.f32 v34, $5.000000000e-01;
	v34 =	vsub.f32 v49, v47;
	v37 =	vsub.f32 v52, v37;
	v49 =	vld [tilespmem:$0x5740]  }
0x20f: {  	v51 =	vld [tilespmem:$0x5750];
	v35 =	vsub.f32 v35, v36;
	v52 =	vadd.f32 v50, v25;
	v44 =	vmax.f32 v27, v44  }
0x210: {  	v47 =	vld [tilespmem:$0x55C0];
	vm2 =	vmor vm3, vm2;
	v34 =	vmax.f32 v34, $0.0e+00;
	v37 =	vmax.f32 v37, $0.0e+00  }
0x211: {  	v50 =	vld [tilespmem:$0x5BC0];
	v35 =	vadd.f32 $9.999999710e-10, v35;
	v37 =	vmul.f32 v37, v34;
	v39 =	vmin.f32 v23, v39  }
0x212: {  	v43 =	vsub.f32 v43, v44;
	v48 =	vmax.f32 v27, v48;
	v38 =	vsub.f32 v39, v38;
	v39 =	vld [tilespmem:$0x58C0];
	v44 =	vpop (erf)  }
0x213: {  	v34 =	vsub.f32 v52, v37;
	v49 =	vmin.f32 v24, v49;
	v41 =	vmul.f32 v44, v41;
	v44 =	vld [tilespmem:$0x5450]  }
0x214: {  	v42 =	vadd.f32 v42, v25;
	v43 =	vmax.f32 v43, $0.0e+00;
	v48 =	vsub.f32 v49, v48;
	v49 =	vld [tilespmem:$0x58D0]  }
0x215: {  	v38 =	vmax.f32 v38, $0.0e+00;
	v52 =	vadd.f32 $9.999999710e-10, v34;
	v34 =	vsel vm2, $0xFF800000, v46;
	v46 =	vld [tilespmem:$0x58E0]  }
0x216: {  	(erf) = vrcp.f32 v35;
	v47 =	vmax.f32 v26, v47;
	v38 =	vmul.f32 v38, v43;
	v43 =	vld [tilespmem:$0x55D0]  }
0x217: {  	(erf) = vrcp.f32 v52;
	v52 =	vmax.f32 v48, $0.0e+00;
	v48 =	vld [tilespmem:$0x5760];
	v39 =	vmin.f32 v23, v39  }
0x218: {  	vm4 =	vmor vm13, vm1;
	v35 =	vsub.f32 v42, v38;
	v42 =	vld [tilespmem:$0x55E0];
	v39 =	vsub.f32 v39, v47  }
0x219: {  	v51 =	vmin.f32 v24, v51;
	v50 =	vadd.f32 v50, v25;
	vm3 =	vgt.f32 v41, $5.000000000e-01;
	v47 =	vld [tilespmem:$0x5460]  }
0x21a: {  	v44 =	vmax.f32 v27, v44;
	v35 =	vadd.f32 $9.999999710e-10, v35;
	v39 =	vmax.f32 v39, $0.0e+00  }
0x21b: {  	v49 =	vmin.f32 v23, v49;
	v39 =	vmul.f32 v39, v52;
	v52 =	vsub.f32 v51, v44;
	v44 =	vld [tilespmem:$0x5BD0]  }
0x21c: {  	v46 =	vmin.f32 v23, v46;
	v43 =	vmax.f32 v26, v43;
	(erf) = vrcp.f32 v35  }
0x21d: {  	v43 =	vsub.f32 v49, v43;
	v49 =	vld [tilespmem:$0x5BE0];
	v48 =	vmin.f32 v24, v48;
	v42 =	vmax.f32 v26, v42  }
0x21e: {  	v51 =	vld [tilespmem:$0x59F0];
	v50 =	vsub.f32 v50, v39;
	v47 =	vmax.f32 v27, v47;
	v42 =	vsub.f32 v46, v42  }
0x21f: {  	v35 =	vmax.f32 v52, $0.0e+00;
	v43 =	vmax.f32 v43, $0.0e+00;
	v46 =	vld [tilespmem:$0x5470];
	v47 =	vsub.f32 v48, v47  }
0x220: {  	v41 =	vmul.f32 v43, v35;
	v43 =	vld [tilespmem:$0x55F0];
	v42 =	vmax.f32 v42, $0.0e+00;
	v52 =	vpop (erf);
	v35 =	vadd.f32 v44, v25  }
0x221: {  	v48 =	vld [tilespmem:$0x5770];
	v44 =	vadd.f32 $9.999999710e-10, v50;
	v47 =	vmax.f32 v47, $0.0e+00;
	v36 =	vmul.f32 v52, v36;
	v52 =	vpop (erf)  }
0x222: {  	v50 =	vld [tilespmem:$0x5600];
	v42 =	vmul.f32 v42, v47;
	v47 =	vadd.f32 v49, v25;
	v37 =	vmul.f32 v52, v37  }
0x223: {  	vm13 =	veq.s32 v13, s31;
	vm2 =	vgt.f32 v34, v40;
	v49 =	vld [tilespmem:$0x58F0];
	v35 =	vsub.f32 v35, v41  }
0x224: {  	v40 =	vsel vm2, v34, v40;
	(erf) = vrcp.f32 v44;
	v44 =	vld [tilespmem:$0x5480];
	v47 =	vsub.f32 v47, v42  }
0x225: {  	v45 =	vsel vm2, v7, v45;
	vm2 =	vgt.f32 v36, $5.000000000e-01;
	v36 =	vld [tilespmem:$0x5780];
	v35 =	vadd.f32 $9.999999710e-10, v35  }
0x226: {  	vm7 =	vmor vm14, vm3;
	v52 =	vld [tilespmem:$0x5900];
	vm1 =	vgt.f32 v37, $5.000000000e-01;
	v37 =	vpop (erf);
	v47 =	vadd.f32 $9.999999710e-10, v47  }
0x227: {  	v43 =	vmax.f32 v26, v43;
	(erf) = vrcp.f32 v35;
	v37 =	vmul.f32 v37, v38  }
0x228: {  	v38 =	vmax.f32 v27, v46;
	v46 =	vmin.f32 v24, v48;
	(erf) = vrcp.f32 v47;
	v47 =	vld [tilespmem:$0x5BF0]  }
0x229: {  	v35 =	vsel vm4, $0xFF800000, v51;
	v48 =	vmin.f32 v23, v49;
	v38 =	vsub.f32 v46, v38;
	v46 =	vld [tilespmem:$0x5C00]  }
0x22a: {  	v43 =	vsub.f32 v48, v43;
	v44 =	vmax.f32 v27, v44;
	v36 =	vmin.f32 v24, v36;
	v48 =	vld [tilespmem:$0x5490]  }
0x22b: {  	v49 =	vmax.f32 v26, v50;
	v50 =	vmin.f32 v23, v52;
	v36 =	vsub.f32 v36, v44;
	v44 =	vld [tilespmem:$0x5610]  }
0x22c: {  	v49 =	vsub.f32 v50, v49;
	v50 =	vld [tilespmem:$0x5790];
	v38 =	vmax.f32 v38, $0.0e+00;
	v43 =	vmax.f32 v43, $0.0e+00  }
0x22d: {  	vm1 =	vmor vm11, vm1;
	vm6 =	vgt.f32 v35, v40;
	v38 =	vmul.f32 v43, v38;
	v43 =	vld [tilespmem:$0x5910];
	v51 =	vpop (erf)  }
0x22e: {  	v49 =	vmax.f32 v49, $0.0e+00;
	v36 =	vmax.f32 v36, $0.0e+00;
	v39 =	vmul.f32 v51, v39  }
0x22f: {  	v36 =	vmul.f32 v49, v36;
	v49 =	vld [tilespmem:$0x54A0];
	v47 =	vadd.f32 v47, v25;
	v46 =	vadd.f32 v46, v25  }
0x230: {  	vm15 =	vgt.f32 v37, $5.000000000e-01;
	v51 =	vld [tilespmem:$0x5A00];
	v44 =	vmax.f32 v26, v44;
	vm9 =	vgt.f32 v39, $5.000000000e-01  }
0x231: {  	v39 =	vsub.f32 v47, v38;
	v46 =	vsub.f32 v46, v36;
	v47 =	vmax.f32 v27, v48;
	v48 =	vld [tilespmem:$0x5920];
	v52 =	vpop (erf)  }
0x232: {  	v43 =	vmin.f32 v23, v43;
	v37 =	vmul.f32 v52, v41;
	v52 =	vmin.f32 v24, v50;
	v50 =	vld [tilespmem:$0x57A0]  }
0x233: {  	v40 =	vsel vm6, v35, v40;
	v41 =	vld [tilespmem:$0x5620];
	v43 =	vsub.f32 v43, v44;
	v39 =	vadd.f32 $9.999999710e-10, v39  }
0x234: {  	vm4 =	vmor vm13, vm9;
	v44 =	vadd.f32 $9.999999710e-10, v46;
	v46 =	vld [tilespmem:$0x54B0];
	v47 =	vsub.f32 v52, v47  }
0x235: {  	vm3 =	vgt.f32 v37, $5.000000000e-01;
	v37 =	vld [tilespmem:$0x5A10];
	(erf) = vrcp.f32 v39;
	v43 =	vmax.f32 v43, $0.0e+00;
	v52 =	vpop (erf)  }
0x236: {  	(erf) = vrcp.f32 v44;
	v44 =	vld [tilespmem:$0x5A20];
	v42 =	vmul.f32 v52, v42;
	v52 =	vmax.f32 v47, $0.0e+00  }
0x237: {  	v47 =	vld [tilespmem:$0x5630];
	v39 =	vmul.f32 v43, v52;
	v43 =	vmax.f32 v27, v49;
	v52 =	vmin.f32 v24, v50  }
0x238: {  	vm13 =	veq.s32 v17, s31;
	v48 =	vmin.f32 v23, v48;
	v43 =	vsub.f32 v52, v43;
	v52 =	vld [tilespmem:$0x5C10]  }
0x239: {  	v41 =	vmax.f32 v26, v41;
	v50 =	vld [tilespmem:$0x57B0];
	v49 =	vsel vm7, $0xFF800000, v51;
	v27 =	vmax.f32 v27, v46  }
0x23a: {  	vm7 =	vmor vm10, vm2;
	v41 =	vsub.f32 v48, v41;
	v48 =	vld [tilespmem:$0x5930];
	vm2 =	vgt.f32 v49, v40  }
0x23b: {  	vm10 =	veq.s32 v16, s31;
	v40 =	vsel vm2, v49, v40;
	v37 =	vsel vm7, $0xFF800000, v37  }
0x23c: {  	vm14 =	vgt.f32 v42, $5.000000000e-01;
	vm12 =	vgt.f32 v37, v40;
	v44 =	vsel vm1, $0xFF800000, v44  }
0x23d: {  	vm1 =	veq.s32 v12, s31;
	v43 =	vmax.f32 v43, $0.0e+00;
	v46 =	vadd.f32 v52, v25;
	v52 =	vld [tilespmem:$0x5C20]  }
0x23e: {  	v51 =	vld [tilespmem:$0x5A30];
	v41 =	vmax.f32 v41, $0.0e+00;
	v26 =	vmax.f32 v26, v47;
	v40 =	vsel vm12, v37, v40  }
0x23f: {  	v41 =	vmul.f32 v41, v43;
	v24 =	vmin.f32 v24, v50;
	v23 =	vmin.f32 v23, v48;
	v48 =	vld [tilespmem:$0x5C30]  }
0x240: {  	vm5 =	vmor vm1, vm15;
	vm15 =	veq.s32 v14, s31;
	v24 =	vsub.f32 v24, v27  }
0x241: {  	vm1 =	vgt.f32 v44, v40;
	v23 =	vsub.f32 v23, v26;
	v50 =	vsub.f32 v46, v39  }
0x242: {  	v26 =	vsel vm6, v8, v45;
	v24 =	vmax.f32 v24, $0.0e+00;
	v27 =	vadd.f32 v52, v25  }
0x243: {  	v46 =	vsel vm5, $0xFF800000, v51;
	v23 =	vmax.f32 v23, $0.0e+00;
	v43 =	vadd.f32 $9.999999710e-10, v50  }
0x244: {  	v45 =	vpop (erf);
	v51 =	vld [tilespmem:$0x5A40];
	v23 =	vmul.f32 v23, v24;
	v25 =	vadd.f32 v48, v25;
	v27 =	vsub.f32 v27, v41  }
0x245: {  	v40 =	vsel vm1, v44, v40;
	v38 =	vmul.f32 v45, v38;
	v26 =	vsel vm2, v9, v26  }
0x246: {  	v47 =	vpop (erf);
	v52 =	vld [tilespmem:$0x5A50];
	(erf) = vrcp.f32 v43;
	v25 =	vsub.f32 v25, v23;
	v27 =	vadd.f32 $9.999999710e-10, v27  }
0x247: {  	[tilespmem:$0x5980] =	vst v28;
	vm5 =	vgt.f32 v46, v40;
	v36 =	vmul.f32 v47, v36;
	v26 =	vsel vm12, v10, v26  }
0x248: {  	[tilespmem:$0x5990] =	vst v29;
	v40 =	vsel vm5, v46, v40;
	v48 =	vld [tilespmem:$0x5A60];
	v25 =	vadd.f32 $9.999999710e-10, v25;
	(erf) = vrcp.f32 v27  }
0x249: {  	[tilespmem:$0x59A0] =	vst v30;
	vm9 =	vgt.f32 v38, $5.000000000e-01;
	v26 =	vsel vm1, v11, v26;
	v24 =	vsel vm4, $0xFF800000, v51  }
0x24a: {  	[tilespmem:$0x59B0] =	vst v31;
	vm4 =	vmor vm15, vm3;
	v51 =	vld [tilespmem:$0x5A70];
	vm3 =	vgt.f32 v24, v40;
	(erf) = vrcp.f32 v25  }
0x24b: {  	[tilespmem:$0x59C0] =	vst v32;
	vm11 =	vgt.f32 v36, $5.000000000e-01;
	v50 =	vsel vm3, v24, v40;
	v27 =	vsel vm4, $0xFF800000, v52  }
0x24c: {  	[tilespmem:$0x59D0] =	vst v33;
	v38 =	vld [tilespmem:$0x5A80];
	vm6 =	vmor vm10, vm9;
	vm4 =	vmor vm8, vm14;
	vm2 =	vgt.f32 v27, v50  }
0x24d: {  	[tilespmem:$0x59E0] =	vst v34;
	v26 =	vsel vm5, v12, v26;
	v52 =	vsel vm4, $0xFF800000, v48;
	v28 =	vsel vm2, v27, v50  }
0x24e: {  	[tilespmem:$0x59F0] =	vst v35;
	vm9 =	veq.s32 v19, s31;
	v26 =	vsel vm3, v13, v26;
	vm12 =	vgt.f32 v52, v28  }
0x24f: {  	v42 =	vld [tilespmem:$0x5A90];
	[tilespmem:$0x5A00] =	vst v49;
	vm14 =	vmor vm13, vm11;
	v25 =	vsel vm6, $0xFF800000, v51;
	v40 =	vpop (erf);
	v28 =	vsel vm12, v52, v28  }
0x250: {  	[tilespmem:$0x5A10] =	vst v37;
	vm11 =	veq.s32 v20, s31;
	v31 =	vmul.f32 v40, v39;
	vm1 =	vgt.f32 v25, v28  }
0x251: {  	[tilespmem:$0x5A20] =	vst v44;
	v45 =	vld [tilespmem:$0x5AA0];
	v30 =	vsel vm14, $0xFF800000, v38;
	vm14 =	veq.s32 v21, s31;
	v28 =	vsel vm1, v25, v28;
	v43 =	vpop (erf)  }
0x252: {  	[tilespmem:$0x5A30] =	vst v46;
	vm15 =	vgt.f32 v31, $5.000000000e-01;
	vm3 =	vgt.f32 v30, v28;
	v31 =	vmul.f32 v43, v41  }
0x253: {  	v49 =	vld [tilespmem:$0x5AB0];
	[tilespmem:$0x5A40] =	vst v24;
	v47 =	vsel vm2, v14, v26;
	vm5 =	vmor vm9, vm15;
	v28 =	vsel vm3, v30, v28;
	v48 =	vpop (erf)  }
0x254: {  	[tilespmem:$0x5A50] =	vst v27;
	v32 =	vsel vm5, $0xFF800000, v42;
	v23 =	vmul.f32 v48, v23;
	vm10 =	vgt.f32 v31, $5.000000000e-01  }
0x255: {  	[tilespmem:$0x5A60] =	vst v52;
	v24 =	vsel vm12, v15, v47;
	vm2 =	vgt.f32 v32, v28;
	vm12 =	vmor vm11, vm10  }
0x256: {  	[tilespmem:$0x5A70] =	vst v25;
	v50 =	vsel vm2, v32, v28;
	vm13 =	vgt.f32 v23, $5.000000000e-01;
	v51 =	vsel vm12, $0xFF800000, v45  }
0x257: {  	[tilespmem:$0x5A80] =	vst v30;
	v23 =	vsel vm1, v16, v24;
	vm1 =	vmor vm14, vm13;
	vm15 =	vgt.f32 v51, v50  }
.Ltmp6:
0x258: {  	[tilespmem:$0x5A90] =	vst v32;
	v23 =	vsel vm3, v17, v23;
	v52 =	vsel vm1, $0xFF800000, v49;
	v26 =	vsel vm15, v51, v50;
	(pc) =	sbr.rel .LBB2_6-.Ltmp6, $4  }
0x259: {  	v23 =	vsel vm2, v19, v23;
	[tilespmem:$0x5AA0] =	vst v51;
	vm1 =	vgt.f32 v52, v26  }
0x25a: {  	v23 =	vsel vm15, v20, v23;
	[tilespmem:$0x5AB0] =	vst v52;
	v24 =	vsel vm1, v52, v26  }
0x25b: {  	v23 =	vsel vm1, v21, v23;
	[tilespmem:$0x5E00] =	vst v24  }
0x25c: {  	[tilespmem:$0x5E80] =	vst v23  }
.LBB2_8:
0x25d: {  	_ =	sfence.sel $0x180000  }
0x25e: {  	[bflag:$0x0] =	sbarrier.arrive $0xFFFF  }
0x25f: {  	p0 =	sne.s32 s0, $0x0;
	_ =	strace $0x90000047  }
0x260: {  	s0 =	sadd.s32 @!p0 $0x100000, s1;
	[bflag:$0x2] =	sbarrier.arrive $0xFFFF  }
0x261: {  	[sflag:s0] =	ssyncadd.tile.s32 @!p0 $0x1;
	_ =	shalt  }
.Lfunc_end2:
_tile_overlayer_lowered:
.L_overlay_start_2:
0x262: {  	(tag) =	ssettag $0x2  }
0x263: {  	s0 =	rddreg [dreg:$0x0];
	s2 =	stileid.u32  }
0x264: {  	s1 =	rddreg [dreg:$0x1];
	p0 =	sne.s32 s2, $0x0  }
0x265: {  	s3 =	rddreg [dreg:$0x2];
	[bflag:$0x3] =	sbarrier.arrive $0xFFFF;
	s2 =	simm.s32 @!p0 $0x1C02  }
0x266: {  	[timem:s3], [sflag:s2] =	dma.local @!p0 [hbm:s0], s1  }
0x267: {  	s0 =	simm.s32 @!p0 $0x2  }
0x268: {  	_ =	swait.ge @!p0 [sflag:s0], s1  }
0x269: {  	s1 =	ssub.s32 @!p0 $0x0, s1;
	[sflag:s0] =	ssyncset.done @!p0 $0x0  }
0x26a: {  	[sflag:s0] =	ssyncadd.s32 @!p0 s1  }
0x26b: {  	[bflag:$0x3] =	sbarrier.arrive $0xFFFF  }
0x26c: {  	_ =	shalt  }

</sc_bundles>
